<compile_context>
chip_gen: v7x
topology: tpu7x:2x2x1
jax: 0.10.2.dev20260603
libtpu: 0.0.44.dev20260713+nightly
codegen_flags: <defaults>
</compile_context>

<pallas_src>
import functools

import jax
import jax.numpy as jnp
import numpy as np
from jax import lax
from jax.experimental import pallas as pl
from jax.experimental.pallas import tpu as pltpu
from jax.experimental.pallas import tpu_sc as plsc

N = 10000
E = 320000
NC = 2
NS = 16
NW = NC * NS
N_PAD = 10240
ROWS_PER_TILE = N_PAD // NS
EPW = E // NW
KD = 80
DRSTEPS = EPW // KD
DSTEPS = 128
DPSTEPS = DSTEPS - DRSTEPS
K = 64
STEPS = 160
EPAD = STEPS * K - EPW
NB = 2
GROUPS = STEPS // NB
PAIRS = GROUPS // 2
RING = 4

_mesh = plsc.VectorSubcoreMesh(core_axis_name="c", subcore_axis_name="s")


@functools.partial(
    pl.kernel,
    out_type=jax.ShapeDtypeStruct((NC * N_PAD,), jnp.float32),
    mesh=_mesh,
    scratch_types=[
        pltpu.VMEM((DSTEPS, KD), jnp.int32),
        pltpu.VMEM((KD,), jnp.float32),
        pltpu.VMEM((ROWS_PER_TILE,), jnp.float32),
        pltpu.VMEM_SHARED((N_PAD,), jnp.float32),
        pltpu.SemaphoreType.DMA,
    ],
)
def _deg_kernel(dst_hbm, dpad_hbm, out_hbm, didx_v, ones_v, zero_v, hist_sh,
                sem):
    c = lax.axis_index("c")
    s = lax.axis_index("s")
    wid = s * NC + c
    for i in range(ROWS_PER_TILE // 16):
        zero_v[pl.ds(16 * i, 16)] = jnp.zeros((16,), jnp.float32)
    for i in range(KD // 16):
        ones_v[pl.ds(16 * i, 16)] = jnp.ones((16,), jnp.float32)
    pltpu.sync_copy(dst_hbm.at[wid], didx_v.at[pl.ds(0, DRSTEPS)])
    pltpu.sync_copy(dpad_hbm.at[wid], didx_v.at[pl.ds(DRSTEPS, DPSTEPS)])
    pltpu.sync_copy(zero_v, hist_sh.at[pl.ds(ROWS_PER_TILE * s, ROWS_PER_TILE)])
    plsc.subcore_barrier()

    def fire(i, carry):
        pltpu.async_copy(ones_v, hist_sh.at[didx_v.at[i]], sem, add=True)
        return carry

    lax.fori_loop(0, DSTEPS, fire, 0)

    def drain(i, carry):
        pltpu.make_async_copy(ones_v, hist_sh.at[didx_v.at[i]], sem).wait()
        return carry

    lax.fori_loop(0, DSTEPS, drain, 0)
    plsc.subcore_barrier()
    pltpu.sync_copy(
        hist_sh.at[pl.ds(ROWS_PER_TILE * s, ROWS_PER_TILE)],
        out_hbm.at[pl.ds(c * N_PAD + ROWS_PER_TILE * s, ROWS_PER_TILE)],
    )


@functools.partial(
    pl.kernel,
    out_type=jax.ShapeDtypeStruct((NC * N_PAD, 128), jnp.float32),
    mesh=_mesh,
    scratch_types=[
        pltpu.VMEM((STEPS * K,), jnp.int32),
        pltpu.VMEM((RING * NB, K), jnp.int32),
        pltpu.VMEM((2, NB, K, 128), jnp.float32),
        pltpu.VMEM_SHARED((N_PAD, 128), jnp.float32),
        pltpu.SemaphoreType.DMA,
        pltpu.SemaphoreType.DMA,
        pltpu.SemaphoreType.DMA,
        pltpu.SemaphoreType.DMA,
    ],
)
def _agg_kernel(g_hbm, srcf_hbm, dst3_hbm, z_hbm, out_hbm,
                sidx_v, dring_v, rows_v, acc_sh, gsem_a, gsem_b, ssem, isem):
    c = lax.axis_index("c")
    s = lax.axis_index("s")
    wid = s * NC + c
    r0 = ROWS_PER_TILE * s
    gsems = (gsem_a, gsem_b)

    pltpu.sync_copy(srcf_hbm.at[wid], sidx_v)
    pltpu.sync_copy(dst3_hbm.at[wid, pl.ds(0, RING * NB)], dring_v)

    @pl.when(c == 0)
    def _():
        @pl.when(s == NS - 1)
        def _():
            pltpu.sync_copy(g_hbm.at[pl.ds(r0, N - r0)],
                            acc_sh.at[pl.ds(r0, N - r0)])
            pltpu.sync_copy(z_hbm.at[pl.ds(0, N_PAD - N)],
                            acc_sh.at[pl.ds(N, N_PAD - N)])

        @pl.when(s < NS - 1)
        def _():
            pltpu.sync_copy(g_hbm.at[pl.ds(r0, ROWS_PER_TILE)],
                            acc_sh.at[pl.ds(r0, ROWS_PER_TILE)])

    @pl.when(c == 1)
    def _():
        pltpu.sync_copy(z_hbm.at[pl.ds(r0, ROWS_PER_TILE)],
                        acc_sh.at[pl.ds(r0, ROWS_PER_TILE)])
    plsc.subcore_barrier()

    for st in range(2):
        for b in range(NB):
            i = st * NB + b
            pltpu.async_copy(g_hbm.at[sidx_v.at[pl.ds(i * K, K)]],
                             rows_v.at[st, b], gsems[st])

    def pair(m, carry):
        for st in range(2):
            g = 2 * m + st
            slot = lax.rem(g, RING) * NB

            @pl.when(g >= RING)
            def _():
                pltpu.make_async_copy(
                    dst3_hbm.at[wid, pl.ds(g * NB, NB)],
                    dring_v.at[pl.ds(slot, NB)], isem).wait()
            for b in range(NB):
                i = g * NB + b
                pltpu.make_async_copy(g_hbm.at[sidx_v.at[pl.ds(i * K, K)]],
                                      rows_v.at[st, b], gsems[st]).wait()
                pltpu.async_copy(rows_v.at[st, b],
                                 acc_sh.at[dring_v.at[slot + b]],
                                 ssem, add=True)
            for b in range(NB):
                i = g * NB + b
                pltpu.make_async_copy(rows_v.at[st, b],
                                      acc_sh.at[dring_v.at[slot + b]],
                                      ssem).wait()

                @pl.when(g + 2 < GROUPS)
                def _():
                    i2 = (g + 2) * NB + b
                    pltpu.async_copy(g_hbm.at[sidx_v.at[pl.ds(i2 * K, K)]],
                                     rows_v.at[st, b], gsems[st])

            @pl.when(g + RING < GROUPS)
            def _():
                pltpu.async_copy(dst3_hbm.at[wid, pl.ds((g + RING) * NB, NB)],
                                 dring_v.at[pl.ds(slot, NB)], isem)
        return carry

    lax.fori_loop(0, PAIRS, pair, 0)
    plsc.subcore_barrier()
    pltpu.sync_copy(acc_sh.at[pl.ds(r0, ROWS_PER_TILE)],
                    out_hbm.at[pl.ds(c * N_PAD + r0, ROWS_PER_TILE)])


_R = 1000


def _pre_body(degp_ref, x_ref, w1_ref, g_ref, dinv_ref):
    deg = degp_ref[0] + degp_ref[1] + 1.0
    dinv = lax.rsqrt(deg)
    dinv_ref[...] = dinv
    h = jnp.dot(x_ref[...], w1_ref[...], preferred_element_type=jnp.float32)
    g_ref[...] = h * dinv


def _mid_body(accp_ref, dinv_ref, b1_ref, w2_ref, g2_ref):
    t = accp_ref[0] + accp_ref[1]
    dinv = dinv_ref[...]
    out1 = jnp.maximum(t * dinv + b1_ref[...], 0.0)
    h2 = jnp.dot(out1, w2_ref[...], preferred_element_type=jnp.float32)
    g2_ref[...] = h2 * dinv


def _post_body(accp_ref, dinv_ref, b2_ref, out_ref):
    t = accp_ref[0] + accp_ref[1]
    out_ref[...] = (t * dinv_ref[...])[:, :64] + b2_ref[...]


def _pre_call(degp, x, w1):
    return pl.pallas_call(
        _pre_body,
        grid=(N // _R,),
        in_specs=[
            pl.BlockSpec((2, _R, 1), lambda i: (0, i, 0)),
            pl.BlockSpec((_R, 128), lambda i: (i, 0)),
            pl.BlockSpec((128, 128), lambda i: (0, 0)),
        ],
        out_specs=[
            pl.BlockSpec((_R, 128), lambda i: (i, 0)),
            pl.BlockSpec((_R, 1), lambda i: (i, 0)),
        ],
        out_shape=[
            jax.ShapeDtypeStruct((N, 128), jnp.float32),
            jax.ShapeDtypeStruct((N, 1), jnp.float32),
        ],
    )(degp, x, w1)


def _mid_call(accp, dinv, b1, w2):
    return pl.pallas_call(
        _mid_body,
        grid=(N // _R,),
        in_specs=[
            pl.BlockSpec((2, _R, 128), lambda i: (0, i, 0)),
            pl.BlockSpec((_R, 1), lambda i: (i, 0)),
            pl.BlockSpec((1, 128), lambda i: (0, 0)),
            pl.BlockSpec((128, 128), lambda i: (0, 0)),
        ],
        out_specs=pl.BlockSpec((_R, 128), lambda i: (i, 0)),
        out_shape=jax.ShapeDtypeStruct((N, 128), jnp.float32),
    )(accp, dinv, b1, w2)


def _post_call(accp, dinv, b2):
    return pl.pallas_call(
        _post_body,
        grid=(N // _R,),
        in_specs=[
            pl.BlockSpec((2, _R, 128), lambda i: (0, i, 0)),
            pl.BlockSpec((_R, 1), lambda i: (i, 0)),
            pl.BlockSpec((1, 64), lambda i: (0, 0)),
        ],
        out_specs=pl.BlockSpec((_R, 64), lambda i: (i, 0)),
        out_shape=jax.ShapeDtypeStruct((N, 64), jnp.float32),
    )(accp, dinv, b2)


def kernel(x, edge_index, W1, b1, W2, b2):
    npad = NW * EPAD
    spad = jnp.asarray(((np.arange(npad, dtype=np.int32) * 97) % N)
                       .reshape(NW, -1))
    dpad = jnp.asarray((N + (np.arange(npad, dtype=np.int32) % (N_PAD - N)))
                       .reshape(NW, -1))
    srcf = jnp.concatenate([edge_index[0].reshape(NW, EPW), spad], axis=1)
    dst3 = jnp.concatenate([edge_index[1].reshape(NW, EPW), dpad],
                           axis=1).reshape(NW, STEPS, K)
    dst3d = edge_index[1].reshape(NW, DRSTEPS, KD)
    npadd = NW * DPSTEPS * KD
    dpadd = jnp.asarray(
        (N + (np.arange(npadd, dtype=np.int32) % (N_PAD - N)))
        .reshape(NW, DPSTEPS, KD))
    z128 = jnp.asarray(np.zeros((N_PAD, 128), np.float32))
    w2p = jnp.zeros((128, 128), jnp.float32).at[:, :64].set(W2)

    degp = _deg_kernel(dst3d, dpadd).reshape(NC, N_PAD, 1)
    g1, dinv = _pre_call(degp, x, W1)
    acc1 = _agg_kernel(g1, srcf, dst3, z128).reshape(NC, N_PAD, 128)
    g2 = _mid_call(acc1, dinv, b1.reshape(1, 128), w2p)
    acc2 = _agg_kernel(g2, srcf, dst3, z128).reshape(NC, N_PAD, 128)
    return _post_call(acc2, dinv, b2.reshape(1, 64))

# --- scband reference (transcript-rebuilt; emitter-appended) ---
"""Pipeline reference for scband-gnnmodel-47674136985664 (READ-ONLY COPY).

The authoritative reference and input builder live on the scoring server;
editing this copy changes nothing except your own understanding.
"""

import jax, jax.numpy as jnp
import numpy as np

N = 10000
D_IN = 128
D_HID = 128
D_OUT = 64
E = 320000


def gcn_conv(x, edge_index, W, b):
    n = x.shape[0]
    # add self loops (PyG GCNConv default add_self_loops=True)
    loop = jnp.arange(n, dtype=edge_index.dtype)
    src = jnp.concatenate([edge_index[0], loop])
    dst = jnp.concatenate([edge_index[1], loop])
    # symmetric normalization D^{-1/2} (A+I) D^{-1/2}
    deg = jnp.zeros((n,), dtype=x.dtype).at[dst].add(1.0)
    dinv = jax.lax.rsqrt(jnp.maximum(deg, 1e-12))
    norm = dinv[src] * dinv[dst]
    h = x @ W  # linear transform first (as in PyG GCNConv)
    msgs = h[src] * norm[:, None]  # gather + scale
    out = jnp.zeros((n, W.shape[1]), dtype=x.dtype).at[dst].add(msgs)  # scatter-add
    return out + b


def setup_inputs(seed: int = 0) -> dict:
    key = jax.random.key(seed)
    ks = jax.random.split(key, 8)
    x = jax.random.normal(ks[0], (N, D_IN), dtype=jnp.float32)
    edge_index = jax.random.randint(ks[1], (2, E), 0, N, dtype=jnp.int32)
    W1 = jax.random.normal(ks[2], (D_IN, D_HID), dtype=jnp.float32) * 0.05
    b1 = jnp.zeros((D_HID,), dtype=jnp.float32)
    W2 = jax.random.normal(ks[3], (D_HID, D_OUT), dtype=jnp.float32) * 0.05
    b2 = jnp.zeros((D_OUT,), dtype=jnp.float32)
    return {"x": x, "edge_index": edge_index, "W1": W1, "b1": b1, "W2": W2, "b2": b2}


def reference(x, edge_index, W1, b1, W2, b2):
    # layer 1: GCNConv -> ReLU -> Dropout(eval: identity)
    h = gcn_conv(x, edge_index, W1, b1)
    h = jax.nn.relu(h)
    # layer 2 (final): GCNConv
    out = gcn_conv(h, edge_index, W2, b2)
    return out

if __name__ == "__main__":
    import jax
    _d = setup_inputs()
    print(jax.jit(kernel)(*tuple(_d.values())))

</pallas_src>

<mosaic_0001>
#map = affine_map<(d0, d1) -> (0, 0, 0)>
#map1 = affine_map<(d0, d1) -> (0)>
module attributes {stable_mosaic.version = 14 : i64} {
  func.func @_deg_kernel(%arg0: i32, %arg1: i32, %arg2: memref<32x125x80xi32, #tpu.memory_space<hbm>>, %arg3: memref<32x3x80xi32, #tpu.memory_space<hbm>>, %arg4: memref<20480xf32, #tpu.memory_space<hbm>>, %arg5: memref<128x80xi32, #tpu.memory_space<vmem>>, %arg6: memref<80xf32, #tpu.memory_space<vmem>>, %arg7: memref<640xf32, #tpu.memory_space<vmem>>, %arg8: memref<10240xf32, #tpu.memory_space<vmem_shared>>, %arg9: memref<!tpu.dma_semaphore, #tpu.memory_space<semaphore_mem>>) attributes {dimension_semantics = [#tpu.dimension_semantics<core_parallel>, #tpu.dimension_semantics<subcore_parallel>], iteration_bounds = array<i64: 2, 16>, scalar_prefetch = 0 : i64, scratch_operands = 5 : i64, tpu.core_type = #tpu.core_type<sc_vector_subcore>, window_params = [{transform_indices = #map}, {transform_indices = #map}, {transform_indices = #map1}]} {
    %mul3A = arith.constant 2 : i32
    %mul3A_0 = arith.muli %arg1, %mul3A : i32
    %add3A = arith.addi %mul3A_0, %arg0 : i32
    %broadcast_in_dim3A = arith.constant 0.000000e+00 : f32
    %broadcast_in_dim3A_1 = vector.broadcast %broadcast_in_dim3A : f32 to vector<16xf32>
    %swap3A = arith.constant 0 : index
    %swap3A_2 = tpu.vector_load %arg7[%swap3A] {strides = array<i32>} : memref<640xf32, #tpu.memory_space<vmem>>, vector<16xf32>,
    %swap3A_3 = vector.shape_cast %swap3A_2 : vector<16xf32> to vector<16xf32>
    %swap3A_4 = vector.shape_cast %broadcast_in_dim3A_1 : vector<16xf32> to vector<16xf32>
    tpu.vector_store %arg7[%swap3A], %swap3A_4 {strides = array<i32>} : memref<640xf32, #tpu.memory_space<vmem>>, vector<16xf32>,
    %broadcast_in_dim3A_5 = arith.constant 0.000000e+00 : f32
    %broadcast_in_dim3A_6 = vector.broadcast %broadcast_in_dim3A_5 : f32 to vector<16xf32>
    %swap3A_7 = arith.constant 16 : index
    %swap3A_8 = tpu.vector_load %arg7[%swap3A_7] {strides = array<i32>} : memref<640xf32, #tpu.memory_space<vmem>>, vector<16xf32>,
    %swap3A_9 = vector.shape_cast %swap3A_8 : vector<16xf32> to vector<16xf32>
    %swap3A_10 = vector.shape_cast %broadcast_in_dim3A_6 : vector<16xf32> to vector<16xf32>
    tpu.vector_store %arg7[%swap3A_7], %swap3A_10 {strides = array<i32>} : memref<640xf32, #tpu.memory_space<vmem>>, vector<16xf32>,
    %broadcast_in_dim3A_11 = arith.constant 0.000000e+00 : f32
    %broadcast_in_dim3A_12 = vector.broadcast %broadcast_in_dim3A_11 : f32 to vector<16xf32>
    %swap3A_13 = arith.constant 32 : index
    %swap3A_14 = tpu.vector_load %arg7[%swap3A_13] {strides = array<i32>} : memref<640xf32, #tpu.memory_space<vmem>>, vector<16xf32>,
    %swap3A_15 = vector.shape_cast %swap3A_14 : vector<16xf32> to vector<16xf32>
    %swap3A_16 = vector.shape_cast %broadcast_in_dim3A_12 : vector<16xf32> to vector<16xf32>
    tpu.vector_store %arg7[%swap3A_13], %swap3A_16 {strides = array<i32>} : memref<640xf32, #tpu.memory_space<vmem>>, vector<16xf32>,
    %broadcast_in_dim3A_17 = arith.constant 0.000000e+00 : f32
    %broadcast_in_dim3A_18 = vector.broadcast %broadcast_in_dim3A_17 : f32 to vector<16xf32>
    %swap3A_19 = arith.constant 48 : index
    %swap3A_20 = tpu.vector_load %arg7[%swap3A_19] {strides = array<i32>} : memref<640xf32, #tpu.memory_space<vmem>>, vector<16xf32>,
    %swap3A_21 = vector.shape_cast %swap3A_20 : vector<16xf32> to vector<16xf32>
    %swap3A_22 = vector.shape_cast %broadcast_in_dim3A_18 : vector<16xf32> to vector<16xf32>
    tpu.vector_store %arg7[%swap3A_19], %swap3A_22 {strides = array<i32>} : memref<640xf32, #tpu.memory_space<vmem>>, vector<16xf32>,
    %broadcast_in_dim3A_23 = arith.constant 0.000000e+00 : f32
    %broadcast_in_dim3A_24 = vector.broadcast %broadcast_in_dim3A_23 : f32 to vector<16xf32>
    %swap3A_25 = arith.constant 64 : index
    %swap3A_26 = tpu.vector_load %arg7[%swap3A_25] {strides = array<i32>} : memref<640xf32, #tpu.memory_space<vmem>>, vector<16xf32>,
    %swap3A_27 = vector.shape_cast %swap3A_26 : vector<16xf32> to vector<16xf32>
    %swap3A_28 = vector.shape_cast %broadcast_in_dim3A_24 : vector<16xf32> to vector<16xf32>
    tpu.vector_store %arg7[%swap3A_25], %swap3A_28 {strides = array<i32>} : memref<640xf32, #tpu.memory_space<vmem>>, vector<16xf32>,
    %broadcast_in_dim3A_29 = arith.constant 0.000000e+00 : f32
    %broadcast_in_dim3A_30 = vector.broadcast %broadcast_in_dim3A_29 : f32 to vector<16xf32>
    %swap3A_31 = arith.constant 80 : index
    %swap3A_32 = tpu.vector_load %arg7[%swap3A_31] {strides = array<i32>} : memref<640xf32, #tpu.memory_space<vmem>>, vector<16xf32>,
    %swap3A_33 = vector.shape_cast %swap3A_32 : vector<16xf32> to vector<16xf32>
    %swap3A_34 = vector.shape_cast %broadcast_in_dim3A_30 : vector<16xf32> to vector<16xf32>
    tpu.vector_store %arg7[%swap3A_31], %swap3A_34 {strides = array<i32>} : memref<640xf32, #tpu.memory_space<vmem>>, vector<16xf32>,
    %broadcast_in_dim3A_35 = arith.constant 0.000000e+00 : f32
    %broadcast_in_dim3A_36 = vector.broadcast %broadcast_in_dim3A_35 : f32 to vector<16xf32>
    %swap3A_37 = arith.constant 96 : index
    %swap3A_38 = tpu.vector_load %arg7[%swap3A_37] {strides = array<i32>} : memref<640xf32, #tpu.memory_space<vmem>>, vector<16xf32>,
    %swap3A_39 = vector.shape_cast %swap3A_38 : vector<16xf32> to vector<16xf32>
    %swap3A_40 = vector.shape_cast %broadcast_in_dim3A_36 : vector<16xf32> to vector<16xf32>
    tpu.vector_store %arg7[%swap3A_37], %swap3A_40 {strides = array<i32>} : memref<640xf32, #tpu.memory_space<vmem>>, vector<16xf32>,
    %broadcast_in_dim3A_41 = arith.constant 0.000000e+00 : f32
    %broadcast_in_dim3A_42 = vector.broadcast %broadcast_in_dim3A_41 : f32 to vector<16xf32>
    %swap3A_43 = arith.constant 112 : index
    %swap3A_44 = tpu.vector_load %arg7[%swap3A_43] {strides = array<i32>} : memref<640xf32, #tpu.memory_space<vmem>>, vector<16xf32>,
    %swap3A_45 = vector.shape_cast %swap3A_44 : vector<16xf32> to vector<16xf32>
    %swap3A_46 = vector.shape_cast %broadcast_in_dim3A_42 : vector<16xf32> to vector<16xf32>
    tpu.vector_store %arg7[%swap3A_43], %swap3A_46 {strides = array<i32>} : memref<640xf32, #tpu.memory_space<vmem>>, vector<16xf32>,
    %broadcast_in_dim3A_47 = arith.constant 0.000000e+00 : f32
    %broadcast_in_dim3A_48 = vector.broadcast %broadcast_in_dim3A_47 : f32 to vector<16xf32>
    %swap3A_49 = arith.constant 128 : index
    %swap3A_50 = tpu.vector_load %arg7[%swap3A_49] {strides = array<i32>} : memref<640xf32, #tpu.memory_space<vmem>>, vector<16xf32>,
    %swap3A_51 = vector.shape_cast %swap3A_50 : vector<16xf32> to vector<16xf32>
    %swap3A_52 = vector.shape_cast %broadcast_in_dim3A_48 : vector<16xf32> to vector<16xf32>
    tpu.vector_store %arg7[%swap3A_49], %swap3A_52 {strides = array<i32>} : memref<640xf32, #tpu.memory_space<vmem>>, vector<16xf32>,
    %broadcast_in_dim3A_53 = arith.constant 0.000000e+00 : f32
    %broadcast_in_dim3A_54 = vector.broadcast %broadcast_in_dim3A_53 : f32 to vector<16xf32>
    %swap3A_55 = arith.constant 144 : index
    %swap3A_56 = tpu.vector_load %arg7[%swap3A_55] {strides = array<i32>} : memref<640xf32, #tpu.memory_space<vmem>>, vector<16xf32>,
    %swap3A_57 = vector.shape_cast %swap3A_56 : vector<16xf32> to vector<16xf32>
    %swap3A_58 = vector.shape_cast %broadcast_in_dim3A_54 : vector<16xf32> to vector<16xf32>
    tpu.vector_store %arg7[%swap3A_55], %swap3A_58 {strides = array<i32>} : memref<640xf32, #tpu.memory_space<vmem>>, vector<16xf32>,
    %broadcast_in_dim3A_59 = arith.constant 0.000000e+00 : f32
    %broadcast_in_dim3A_60 = vector.broadcast %broadcast_in_dim3A_59 : f32 to vector<16xf32>
    %swap3A_61 = arith.constant 160 : index
    %swap3A_62 = tpu.vector_load %arg7[%swap3A_61] {strides = array<i32>} : memref<640xf32, #tpu.memory_space<vmem>>, vector<16xf32>,
    %swap3A_63 = vector.shape_cast %swap3A_62 : vector<16xf32> to vector<16xf32>
    %swap3A_64 = vector.shape_cast %broadcast_in_dim3A_60 : vector<16xf32> to vector<16xf32>
    tpu.vector_store %arg7[%swap3A_61], %swap3A_64 {strides = array<i32>} : memref<640xf32, #tpu.memory_space<vmem>>, vector<16xf32>,
    %broadcast_in_dim3A_65 = arith.constant 0.000000e+00 : f32
    %broadcast_in_dim3A_66 = vector.broadcast %broadcast_in_dim3A_65 : f32 to vector<16xf32>
    %swap3A_67 = arith.constant 176 : index
    %swap3A_68 = tpu.vector_load %arg7[%swap3A_67] {strides = array<i32>} : memref<640xf32, #tpu.memory_space<vmem>>, vector<16xf32>,
    %swap3A_69 = vector.shape_cast %swap3A_68 : vector<16xf32> to vector<16xf32>
    %swap3A_70 = vector.shape_cast %broadcast_in_dim3A_66 : vector<16xf32> to vector<16xf32>
    tpu.vector_store %arg7[%swap3A_67], %swap3A_70 {strides = array<i32>} : memref<640xf32, #tpu.memory_space<vmem>>, vector<16xf32>,
    %broadcast_in_dim3A_71 = arith.constant 0.000000e+00 : f32
    %broadcast_in_dim3A_72 = vector.broadcast %broadcast_in_dim3A_71 : f32 to vector<16xf32>
    %swap3A_73 = arith.constant 192 : index
    %swap3A_74 = tpu.vector_load %arg7[%swap3A_73] {strides = array<i32>} : memref<640xf32, #tpu.memory_space<vmem>>, vector<16xf32>,
    %swap3A_75 = vector.shape_cast %swap3A_74 : vector<16xf32> to vector<16xf32>
    %swap3A_76 = vector.shape_cast %broadcast_in_dim3A_72 : vector<16xf32> to vector<16xf32>
    tpu.vector_store %arg7[%swap3A_73], %swap3A_76 {strides = array<i32>} : memref<640xf32, #tpu.memory_space<vmem>>, vector<16xf32>,
    %broadcast_in_dim3A_77 = arith.constant 0.000000e+00 : f32
    %broadcast_in_dim3A_78 = vector.broadcast %broadcast_in_dim3A_77 : f32 to vector<16xf32>
    %swap3A_79 = arith.constant 208 : index
    %swap3A_80 = tpu.vector_load %arg7[%swap3A_79] {strides = array<i32>} : memref<640xf32, #tpu.memory_space<vmem>>, vector<16xf32>,
    %swap3A_81 = vector.shape_cast %swap3A_80 : vector<16xf32> to vector<16xf32>
    %swap3A_82 = vector.shape_cast %broadcast_in_dim3A_78 : vector<16xf32> to vector<16xf32>
    tpu.vector_store %arg7[%swap3A_79], %swap3A_82 {strides = array<i32>} : memref<640xf32, #tpu.memory_space<vmem>>, vector<16xf32>,
    %broadcast_in_dim3A_83 = arith.constant 0.000000e+00 : f32
    %broadcast_in_dim3A_84 = vector.broadcast %broadcast_in_dim3A_83 : f32 to vector<16xf32>
    %swap3A_85 = arith.constant 224 : index
    %swap3A_86 = tpu.vector_load %arg7[%swap3A_85] {strides = array<i32>} : memref<640xf32, #tpu.memory_space<vmem>>, vector<16xf32>,
    %swap3A_87 = vector.shape_cast %swap3A_86 : vector<16xf32> to vector<16xf32>
    %swap3A_88 = vector.shape_cast %broadcast_in_dim3A_84 : vector<16xf32> to vector<16xf32>
    tpu.vector_store %arg7[%swap3A_85], %swap3A_88 {strides = array<i32>} : memref<640xf32, #tpu.memory_space<vmem>>, vector<16xf32>,
    %broadcast_in_dim3A_89 = arith.constant 0.000000e+00 : f32
    %broadcast_in_dim3A_90 = vector.broadcast %broadcast_in_dim3A_89 : f32 to vector<16xf32>
    %swap3A_91 = arith.constant 240 : index
    %swap3A_92 = tpu.vector_load %arg7[%swap3A_91] {strides = array<i32>} : memref<640xf32, #tpu.memory_space<vmem>>, vector<16xf32>,
    %swap3A_93 = vector.shape_cast %swap3A_92 : vector<16xf32> to vector<16xf32>
    %swap3A_94 = vector.shape_cast %broadcast_in_dim3A_90 : vector<16xf32> to vector<16xf32>
    tpu.vector_store %arg7[%swap3A_91], %swap3A_94 {strides = array<i32>} : memref<640xf32, #tpu.memory_space<vmem>>, vector<16xf32>,
    %broadcast_in_dim3A_95 = arith.constant 0.000000e+00 : f32
    %broadcast_in_dim3A_96 = vector.broadcast %broadcast_in_dim3A_95 : f32 to vector<16xf32>
    %swap3A_97 = arith.constant 256 : index
    %swap3A_98 = tpu.vector_load %arg7[%swap3A_97] {strides = array<i32>} : memref<640xf32, #tpu.memory_space<vmem>>, vector<16xf32>,
    %swap3A_99 = vector.shape_cast %swap3A_98 : vector<16xf32> to vector<16xf32>
    %swap3A_100 = vector.shape_cast %broadcast_in_dim3A_96 : vector<16xf32> to vector<16xf32>
    tpu.vector_store %arg7[%swap3A_97], %swap3A_100 {strides = array<i32>} : memref<640xf32, #tpu.memory_space<vmem>>, vector<16xf32>,
    %broadcast_in_dim3A_101 = arith.constant 0.000000e+00 : f32
    %broadcast_in_dim3A_102 = vector.broadcast %broadcast_in_dim3A_101 : f32 to vector<16xf32>
    %swap3A_103 = arith.constant 272 : index
    %swap3A_104 = tpu.vector_load %arg7[%swap3A_103] {strides = array<i32>} : memref<640xf32, #tpu.memory_space<vmem>>, vector<16xf32>,
    %swap3A_105 = vector.shape_cast %swap3A_104 : vector<16xf32> to vector<16xf32>
    %swap3A_106 = vector.shape_cast %broadcast_in_dim3A_102 : vector<16xf32> to vector<16xf32>
    tpu.vector_store %arg7[%swap3A_103], %swap3A_106 {strides = array<i32>} : memref<640xf32, #tpu.memory_space<vmem>>, vector<16xf32>,
    %broadcast_in_dim3A_107 = arith.constant 0.000000e+00 : f32
    %broadcast_in_dim3A_108 = vector.broadcast %broadcast_in_dim3A_107 : f32 to vector<16xf32>
    %swap3A_109 = arith.constant 288 : index
    %swap3A_110 = tpu.vector_load %arg7[%swap3A_109] {strides = array<i32>} : memref<640xf32, #tpu.memory_space<vmem>>, vector<16xf32>,
    %swap3A_111 = vector.shape_cast %swap3A_110 : vector<16xf32> to vector<16xf32>
    %swap3A_112 = vector.shape_cast %broadcast_in_dim3A_108 : vector<16xf32> to vector<16xf32>
    tpu.vector_store %arg7[%swap3A_109], %swap3A_112 {strides = array<i32>} : memref<640xf32, #tpu.memory_space<vmem>>, vector<16xf32>,
    %broadcast_in_dim3A_113 = arith.constant 0.000000e+00 : f32
    %broadcast_in_dim3A_114 = vector.broadcast %broadcast_in_dim3A_113 : f32 to vector<16xf32>
    %swap3A_115 = arith.constant 304 : index
    %swap3A_116 = tpu.vector_load %arg7[%swap3A_115] {strides = array<i32>} : memref<640xf32, #tpu.memory_space<vmem>>, vector<16xf32>,
    %swap3A_117 = vector.shape_cast %swap3A_116 : vector<16xf32> to vector<16xf32>
    %swap3A_118 = vector.shape_cast %broadcast_in_dim3A_114 : vector<16xf32> to vector<16xf32>
    tpu.vector_store %arg7[%swap3A_115], %swap3A_118 {strides = array<i32>} : memref<640xf32, #tpu.memory_space<vmem>>, vector<16xf32>,
    %broadcast_in_dim3A_119 = arith.constant 0.000000e+00 : f32
    %broadcast_in_dim3A_120 = vector.broadcast %broadcast_in_dim3A_119 : f32 to vector<16xf32>
    %swap3A_121 = arith.constant 320 : index
    %swap3A_122 = tpu.vector_load %arg7[%swap3A_121] {strides = array<i32>} : memref<640xf32, #tpu.memory_space<vmem>>, vector<16xf32>,
    %swap3A_123 = vector.shape_cast %swap3A_122 : vector<16xf32> to vector<16xf32>
    %swap3A_124 = vector.shape_cast %broadcast_in_dim3A_120 : vector<16xf32> to vector<16xf32>
    tpu.vector_store %arg7[%swap3A_121], %swap3A_124 {strides = array<i32>} : memref<640xf32, #tpu.memory_space<vmem>>, vector<16xf32>,
    %broadcast_in_dim3A_125 = arith.constant 0.000000e+00 : f32
    %broadcast_in_dim3A_126 = vector.broadcast %broadcast_in_dim3A_125 : f32 to vector<16xf32>
    %swap3A_127 = arith.constant 336 : index
    %swap3A_128 = tpu.vector_load %arg7[%swap3A_127] {strides = array<i32>} : memref<640xf32, #tpu.memory_space<vmem>>, vector<16xf32>,
    %swap3A_129 = vector.shape_cast %swap3A_128 : vector<16xf32> to vector<16xf32>
    %swap3A_130 = vector.shape_cast %broadcast_in_dim3A_126 : vector<16xf32> to vector<16xf32>
    tpu.vector_store %arg7[%swap3A_127], %swap3A_130 {strides = array<i32>} : memref<640xf32, #tpu.memory_space<vmem>>, vector<16xf32>,
    %broadcast_in_dim3A_131 = arith.constant 0.000000e+00 : f32
    %broadcast_in_dim3A_132 = vector.broadcast %broadcast_in_dim3A_131 : f32 to vector<16xf32>
    %swap3A_133 = arith.constant 352 : index
    %swap3A_134 = tpu.vector_load %arg7[%swap3A_133] {strides = array<i32>} : memref<640xf32, #tpu.memory_space<vmem>>, vector<16xf32>,
    %swap3A_135 = vector.shape_cast %swap3A_134 : vector<16xf32> to vector<16xf32>
    %swap3A_136 = vector.shape_cast %broadcast_in_dim3A_132 : vector<16xf32> to vector<16xf32>
    tpu.vector_store %arg7[%swap3A_133], %swap3A_136 {strides = array<i32>} : memref<640xf32, #tpu.memory_space<vmem>>, vector<16xf32>,
    %broadcast_in_dim3A_137 = arith.constant 0.000000e+00 : f32
    %broadcast_in_dim3A_138 = vector.broadcast %broadcast_in_dim3A_137 : f32 to vector<16xf32>
    %swap3A_139 = arith.constant 368 : index
    %swap3A_140 = tpu.vector_load %arg7[%swap3A_139] {strides = array<i32>} : memref<640xf32, #tpu.memory_space<vmem>>, vector<16xf32>,
    %swap3A_141 = vector.shape_cast %swap3A_140 : vector<16xf32> to vector<16xf32>
    %swap3A_142 = vector.shape_cast %broadcast_in_dim3A_138 : vector<16xf32> to vector<16xf32>
    tpu.vector_store %arg7[%swap3A_139], %swap3A_142 {strides = array<i32>} : memref<640xf32, #tpu.memory_space<vmem>>, vector<16xf32>,
    %broadcast_in_dim3A_143 = arith.constant 0.000000e+00 : f32
    %broadcast_in_dim3A_144 = vector.broadcast %broadcast_in_dim3A_143 : f32 to vector<16xf32>
    %swap3A_145 = arith.constant 384 : index
    %swap3A_146 = tpu.vector_load %arg7[%swap3A_145] {strides = array<i32>} : memref<640xf32, #tpu.memory_space<vmem>>, vector<16xf32>,
    %swap3A_147 = vector.shape_cast %swap3A_146 : vector<16xf32> to vector<16xf32>
    %swap3A_148 = vector.shape_cast %broadcast_in_dim3A_144 : vector<16xf32> to vector<16xf32>
    tpu.vector_store %arg7[%swap3A_145], %swap3A_148 {strides = array<i32>} : memref<640xf32, #tpu.memory_space<vmem>>, vector<16xf32>,
    %broadcast_in_dim3A_149 = arith.constant 0.000000e+00 : f32
    %broadcast_in_dim3A_150 = vector.broadcast %broadcast_in_dim3A_149 : f32 to vector<16xf32>
    %swap3A_151 = arith.constant 400 : index
    %swap3A_152 = tpu.vector_load %arg7[%swap3A_151] {strides = array<i32>} : memref<640xf32, #tpu.memory_space<vmem>>, vector<16xf32>,
    %swap3A_153 = vector.shape_cast %swap3A_152 : vector<16xf32> to vector<16xf32>
    %swap3A_154 = vector.shape_cast %broadcast_in_dim3A_150 : vector<16xf32> to vector<16xf32>
    tpu.vector_store %arg7[%swap3A_151], %swap3A_154 {strides = array<i32>} : memref<640xf32, #tpu.memory_space<vmem>>, vector<16xf32>,
    %broadcast_in_dim3A_155 = arith.constant 0.000000e+00 : f32
    %broadcast_in_dim3A_156 = vector.broadcast %broadcast_in_dim3A_155 : f32 to vector<16xf32>
    %swap3A_157 = arith.constant 416 : index
    %swap3A_158 = tpu.vector_load %arg7[%swap3A_157] {strides = array<i32>} : memref<640xf32, #tpu.memory_space<vmem>>, vector<16xf32>,
    %swap3A_159 = vector.shape_cast %swap3A_158 : vector<16xf32> to vector<16xf32>
    %swap3A_160 = vector.shape_cast %broadcast_in_dim3A_156 : vector<16xf32> to vector<16xf32>
    tpu.vector_store %arg7[%swap3A_157], %swap3A_160 {strides = array<i32>} : memref<640xf32, #tpu.memory_space<vmem>>, vector<16xf32>,
    %broadcast_in_dim3A_161 = arith.constant 0.000000e+00 : f32
    %broadcast_in_dim3A_162 = vector.broadcast %broadcast_in_dim3A_161 : f32 to vector<16xf32>
    %swap3A_163 = arith.constant 432 : index
    %swap3A_164 = tpu.vector_load %arg7[%swap3A_163] {strides = array<i32>} : memref<640xf32, #tpu.memory_space<vmem>>, vector<16xf32>,
    %swap3A_165 = vector.shape_cast %swap3A_164 : vector<16xf32> to vector<16xf32>
    %swap3A_166 = vector.shape_cast %broadcast_in_dim3A_162 : vector<16xf32> to vector<16xf32>
    tpu.vector_store %arg7[%swap3A_163], %swap3A_166 {strides = array<i32>} : memref<640xf32, #tpu.memory_space<vmem>>, vector<16xf32>,
    %broadcast_in_dim3A_167 = arith.constant 0.000000e+00 : f32
    %broadcast_in_dim3A_168 = vector.broadcast %broadcast_in_dim3A_167 : f32 to vector<16xf32>
    %swap3A_169 = arith.constant 448 : index
    %swap3A_170 = tpu.vector_load %arg7[%swap3A_169] {strides = array<i32>} : memref<640xf32, #tpu.memory_space<vmem>>, vector<16xf32>,
    %swap3A_171 = vector.shape_cast %swap3A_170 : vector<16xf32> to vector<16xf32>
    %swap3A_172 = vector.shape_cast %broadcast_in_dim3A_168 : vector<16xf32> to vector<16xf32>
    tpu.vector_store %arg7[%swap3A_169], %swap3A_172 {strides = array<i32>} : memref<640xf32, #tpu.memory_space<vmem>>, vector<16xf32>,
    %broadcast_in_dim3A_173 = arith.constant 0.000000e+00 : f32
    %broadcast_in_dim3A_174 = vector.broadcast %broadcast_in_dim3A_173 : f32 to vector<16xf32>
    %swap3A_175 = arith.constant 464 : index
    %swap3A_176 = tpu.vector_load %arg7[%swap3A_175] {strides = array<i32>} : memref<640xf32, #tpu.memory_space<vmem>>, vector<16xf32>,
    %swap3A_177 = vector.shape_cast %swap3A_176 : vector<16xf32> to vector<16xf32>
    %swap3A_178 = vector.shape_cast %broadcast_in_dim3A_174 : vector<16xf32> to vector<16xf32>
    tpu.vector_store %arg7[%swap3A_175], %swap3A_178 {strides = array<i32>} : memref<640xf32, #tpu.memory_space<vmem>>, vector<16xf32>,
    %broadcast_in_dim3A_179 = arith.constant 0.000000e+00 : f32
    %broadcast_in_dim3A_180 = vector.broadcast %broadcast_in_dim3A_179 : f32 to vector<16xf32>
    %swap3A_181 = arith.constant 480 : index
    %swap3A_182 = tpu.vector_load %arg7[%swap3A_181] {strides = array<i32>} : memref<640xf32, #tpu.memory_space<vmem>>, vector<16xf32>,
    %swap3A_183 = vector.shape_cast %swap3A_182 : vector<16xf32> to vector<16xf32>
    %swap3A_184 = vector.shape_cast %broadcast_in_dim3A_180 : vector<16xf32> to vector<16xf32>
    tpu.vector_store %arg7[%swap3A_181], %swap3A_184 {strides = array<i32>} : memref<640xf32, #tpu.memory_space<vmem>>, vector<16xf32>,
    %broadcast_in_dim3A_185 = arith.constant 0.000000e+00 : f32
    %broadcast_in_dim3A_186 = vector.broadcast %broadcast_in_dim3A_185 : f32 to vector<16xf32>
    %swap3A_187 = arith.constant 496 : index
    %swap3A_188 = tpu.vector_load %arg7[%swap3A_187] {strides = array<i32>} : memref<640xf32, #tpu.memory_space<vmem>>, vector<16xf32>,
    %swap3A_189 = vector.shape_cast %swap3A_188 : vector<16xf32> to vector<16xf32>
    %swap3A_190 = vector.shape_cast %broadcast_in_dim3A_186 : vector<16xf32> to vector<16xf32>
    tpu.vector_store %arg7[%swap3A_187], %swap3A_190 {strides = array<i32>} : memref<640xf32, #tpu.memory_space<vmem>>, vector<16xf32>,
    %broadcast_in_dim3A_191 = arith.constant 0.000000e+00 : f32
    %broadcast_in_dim3A_192 = vector.broadcast %broadcast_in_dim3A_191 : f32 to vector<16xf32>
    %swap3A_193 = arith.constant 512 : index
    %swap3A_194 = tpu.vector_load %arg7[%swap3A_193] {strides = array<i32>} : memref<640xf32, #tpu.memory_space<vmem>>, vector<16xf32>,
    %swap3A_195 = vector.shape_cast %swap3A_194 : vector<16xf32> to vector<16xf32>
    %swap3A_196 = vector.shape_cast %broadcast_in_dim3A_192 : vector<16xf32> to vector<16xf32>
    tpu.vector_store %arg7[%swap3A_193], %swap3A_196 {strides = array<i32>} : memref<640xf32, #tpu.memory_space<vmem>>, vector<16xf32>,
    %broadcast_in_dim3A_197 = arith.constant 0.000000e+00 : f32
    %broadcast_in_dim3A_198 = vector.broadcast %broadcast_in_dim3A_197 : f32 to vector<16xf32>
    %swap3A_199 = arith.constant 528 : index
    %swap3A_200 = tpu.vector_load %arg7[%swap3A_199] {strides = array<i32>} : memref<640xf32, #tpu.memory_space<vmem>>, vector<16xf32>,
    %swap3A_201 = vector.shape_cast %swap3A_200 : vector<16xf32> to vector<16xf32>
    %swap3A_202 = vector.shape_cast %broadcast_in_dim3A_198 : vector<16xf32> to vector<16xf32>
    tpu.vector_store %arg7[%swap3A_199], %swap3A_202 {strides = array<i32>} : memref<640xf32, #tpu.memory_space<vmem>>, vector<16xf32>,
    %broadcast_in_dim3A_203 = arith.constant 0.000000e+00 : f32
    %broadcast_in_dim3A_204 = vector.broadcast %broadcast_in_dim3A_203 : f32 to vector<16xf32>
    %swap3A_205 = arith.constant 544 : index
    %swap3A_206 = tpu.vector_load %arg7[%swap3A_205] {strides = array<i32>} : memref<640xf32, #tpu.memory_space<vmem>>, vector<16xf32>,
    %swap3A_207 = vector.shape_cast %swap3A_206 : vector<16xf32> to vector<16xf32>
    %swap3A_208 = vector.shape_cast %broadcast_in_dim3A_204 : vector<16xf32> to vector<16xf32>
    tpu.vector_store %arg7[%swap3A_205], %swap3A_208 {strides = array<i32>} : memref<640xf32, #tpu.memory_space<vmem>>, vector<16xf32>,
    %broadcast_in_dim3A_209 = arith.constant 0.000000e+00 : f32
    %broadcast_in_dim3A_210 = vector.broadcast %broadcast_in_dim3A_209 : f32 to vector<16xf32>
    %swap3A_211 = arith.constant 560 : index
    %swap3A_212 = tpu.vector_load %arg7[%swap3A_211] {strides = array<i32>} : memref<640xf32, #tpu.memory_space<vmem>>, vector<16xf32>,
    %swap3A_213 = vector.shape_cast %swap3A_212 : vector<16xf32> to vector<16xf32>
    %swap3A_214 = vector.shape_cast %broadcast_in_dim3A_210 : vector<16xf32> to vector<16xf32>
    tpu.vector_store %arg7[%swap3A_211], %swap3A_214 {strides = array<i32>} : memref<640xf32, #tpu.memory_space<vmem>>, vector<16xf32>,
    %broadcast_in_dim3A_215 = arith.constant 0.000000e+00 : f32
    %broadcast_in_dim3A_216 = vector.broadcast %broadcast_in_dim3A_215 : f32 to vector<16xf32>
    %swap3A_217 = arith.constant 576 : index
    %swap3A_218 = tpu.vector_load %arg7[%swap3A_217] {strides = array<i32>} : memref<640xf32, #tpu.memory_space<vmem>>, vector<16xf32>,
    %swap3A_219 = vector.shape_cast %swap3A_218 : vector<16xf32> to vector<16xf32>
    %swap3A_220 = vector.shape_cast %broadcast_in_dim3A_216 : vector<16xf32> to vector<16xf32>
    tpu.vector_store %arg7[%swap3A_217], %swap3A_220 {strides = array<i32>} : memref<640xf32, #tpu.memory_space<vmem>>, vector<16xf32>,
    %broadcast_in_dim3A_221 = arith.constant 0.000000e+00 : f32
    %broadcast_in_dim3A_222 = vector.broadcast %broadcast_in_dim3A_221 : f32 to vector<16xf32>
    %swap3A_223 = arith.constant 592 : index
    %swap3A_224 = tpu.vector_load %arg7[%swap3A_223] {strides = array<i32>} : memref<640xf32, #tpu.memory_space<vmem>>, vector<16xf32>,
    %swap3A_225 = vector.shape_cast %swap3A_224 : vector<16xf32> to vector<16xf32>
    %swap3A_226 = vector.shape_cast %broadcast_in_dim3A_222 : vector<16xf32> to vector<16xf32>
    tpu.vector_store %arg7[%swap3A_223], %swap3A_226 {strides = array<i32>} : memref<640xf32, #tpu.memory_space<vmem>>, vector<16xf32>,
    %broadcast_in_dim3A_227 = arith.constant 0.000000e+00 : f32
    %broadcast_in_dim3A_228 = vector.broadcast %broadcast_in_dim3A_227 : f32 to vector<16xf32>
    %swap3A_229 = arith.constant 608 : index
    %swap3A_230 = tpu.vector_load %arg7[%swap3A_229] {strides = array<i32>} : memref<640xf32, #tpu.memory_space<vmem>>, vector<16xf32>,
    %swap3A_231 = vector.shape_cast %swap3A_230 : vector<16xf32> to vector<16xf32>
    %swap3A_232 = vector.shape_cast %broadcast_in_dim3A_228 : vector<16xf32> to vector<16xf32>
    tpu.vector_store %arg7[%swap3A_229], %swap3A_232 {strides = array<i32>} : memref<640xf32, #tpu.memory_space<vmem>>, vector<16xf32>,
    %broadcast_in_dim3A_233 = arith.constant 0.000000e+00 : f32
    %broadcast_in_dim3A_234 = vector.broadcast %broadcast_in_dim3A_233 : f32 to vector<16xf32>
    %swap3A_235 = arith.constant 624 : index
    %swap3A_236 = tpu.vector_load %arg7[%swap3A_235] {strides = array<i32>} : memref<640xf32, #tpu.memory_space<vmem>>, vector<16xf32>,
    %swap3A_237 = vector.shape_cast %swap3A_236 : vector<16xf32> to vector<16xf32>
    %swap3A_238 = vector.shape_cast %broadcast_in_dim3A_234 : vector<16xf32> to vector<16xf32>
    tpu.vector_store %arg7[%swap3A_235], %swap3A_238 {strides = array<i32>} : memref<640xf32, #tpu.memory_space<vmem>>, vector<16xf32>,
    %broadcast_in_dim3A_239 = arith.constant 1.000000e+00 : f32
    %broadcast_in_dim3A_240 = vector.broadcast %broadcast_in_dim3A_239 : f32 to vector<16xf32>
    %swap3A_241 = arith.constant 0 : index
    %swap3A_242 = tpu.vector_load %arg6[%swap3A_241] {strides = array<i32>} : memref<80xf32, #tpu.memory_space<vmem>>, vector<16xf32>,
    %swap3A_243 = vector.shape_cast %swap3A_242 : vector<16xf32> to vector<16xf32>
    %swap3A_244 = vector.shape_cast %broadcast_in_dim3A_240 : vector<16xf32> to vector<16xf32>
    tpu.vector_store %arg6[%swap3A_241], %swap3A_244 {strides = array<i32>} : memref<80xf32, #tpu.memory_space<vmem>>, vector<16xf32>,
    %broadcast_in_dim3A_245 = arith.constant 1.000000e+00 : f32
    %broadcast_in_dim3A_246 = vector.broadcast %broadcast_in_dim3A_245 : f32 to vector<16xf32>
    %swap3A_247 = arith.constant 16 : index
    %swap3A_248 = tpu.vector_load %arg6[%swap3A_247] {strides = array<i32>} : memref<80xf32, #tpu.memory_space<vmem>>, vector<16xf32>,
    %swap3A_249 = vector.shape_cast %swap3A_248 : vector<16xf32> to vector<16xf32>
    %swap3A_250 = vector.shape_cast %broadcast_in_dim3A_246 : vector<16xf32> to vector<16xf32>
    tpu.vector_store %arg6[%swap3A_247], %swap3A_250 {strides = array<i32>} : memref<80xf32, #tpu.memory_space<vmem>>, vector<16xf32>,
    %broadcast_in_dim3A_251 = arith.constant 1.000000e+00 : f32
    %broadcast_in_dim3A_252 = vector.broadcast %broadcast_in_dim3A_251 : f32 to vector<16xf32>
    %swap3A_253 = arith.constant 32 : index
    %swap3A_254 = tpu.vector_load %arg6[%swap3A_253] {strides = array<i32>} : memref<80xf32, #tpu.memory_space<vmem>>, vector<16xf32>,
    %swap3A_255 = vector.shape_cast %swap3A_254 : vector<16xf32> to vector<16xf32>
    %swap3A_256 = vector.shape_cast %broadcast_in_dim3A_252 : vector<16xf32> to vector<16xf32>
    tpu.vector_store %arg6[%swap3A_253], %swap3A_256 {strides = array<i32>} : memref<80xf32, #tpu.memory_space<vmem>>, vector<16xf32>,
    %broadcast_in_dim3A_257 = arith.constant 1.000000e+00 : f32
    %broadcast_in_dim3A_258 = vector.broadcast %broadcast_in_dim3A_257 : f32 to vector<16xf32>
    %swap3A_259 = arith.constant 48 : index
    %swap3A_260 = tpu.vector_load %arg6[%swap3A_259] {strides = array<i32>} : memref<80xf32, #tpu.memory_space<vmem>>, vector<16xf32>,
    %swap3A_261 = vector.shape_cast %swap3A_260 : vector<16xf32> to vector<16xf32>
    %swap3A_262 = vector.shape_cast %broadcast_in_dim3A_258 : vector<16xf32> to vector<16xf32>
    tpu.vector_store %arg6[%swap3A_259], %swap3A_262 {strides = array<i32>} : memref<80xf32, #tpu.memory_space<vmem>>, vector<16xf32>,
    %broadcast_in_dim3A_263 = arith.constant 1.000000e+00 : f32
    %broadcast_in_dim3A_264 = vector.broadcast %broadcast_in_dim3A_263 : f32 to vector<16xf32>
    %swap3A_265 = arith.constant 64 : index
    %swap3A_266 = tpu.vector_load %arg6[%swap3A_265] {strides = array<i32>} : memref<80xf32, #tpu.memory_space<vmem>>, vector<16xf32>,
    %swap3A_267 = vector.shape_cast %swap3A_266 : vector<16xf32> to vector<16xf32>
    %swap3A_268 = vector.shape_cast %broadcast_in_dim3A_264 : vector<16xf32> to vector<16xf32>
    tpu.vector_store %arg6[%swap3A_265], %swap3A_268 {strides = array<i32>} : memref<80xf32, #tpu.memory_space<vmem>>, vector<16xf32>,
    "tpu.region"() ({
      %run_scoped3A = tpu.sem_alloc : memref<!tpu.dma_semaphore, #tpu.memory_space<semaphore_mem>>
      %dma_start3A = arith.constant 0 : i32
      %dma_start3A_290 = arith.constant 0 : i32
      %dma_start3A_291 = tpu.memref_slice %arg5[%dma_start3A, %dma_start3A_290] : memref<128x80xi32, #tpu.memory_space<vmem>> -> memref<125x80xi32, #tpu.memory_space<vmem>>
      %dma_start3A_292 = arith.constant 0 : i32
      %dma_start3A_293 = arith.constant 0 : i32
      %dma_start3A_294 = tpu.memref_slice %arg2[%add3A, %dma_start3A_292, %dma_start3A_293] : memref<32x125x80xi32, #tpu.memory_space<hbm>> -> memref<1x125x80xi32, #tpu.memory_space<hbm>>
      %dma_start3A_295 = tpu.memref_squeeze %dma_start3A_294 : memref<1x125x80xi32, #tpu.memory_space<hbm>> -> memref<125x80xi32, #tpu.memory_space<hbm>>
      %dma_start3A_296 = arith.constant 0 : i32
      %dma_start3A_297 = arith.constant 0 : i32
      %dma_start3A_298 = tpu.memref_slice %arg5[%dma_start3A_296, %dma_start3A_297] : memref<128x80xi32, #tpu.memory_space<vmem>> -> memref<125x80xi32, #tpu.memory_space<vmem>>
      %dma_start3A_299 = arith.constant 0 : i32
      %dma_start3A_300 = arith.constant 0 : i32
      %dma_start3A_301 = tpu.memref_slice %arg2[%add3A, %dma_start3A_299, %dma_start3A_300] : memref<32x125x80xi32, #tpu.memory_space<hbm>> -> memref<1x125x80xi32, #tpu.memory_space<hbm>>
      %dma_start3A_302 = tpu.memref_squeeze %dma_start3A_301 : memref<1x125x80xi32, #tpu.memory_space<hbm>> -> memref<125x80xi32, #tpu.memory_space<hbm>>
      tpu.enqueue_dma source(%dma_start3A_302 : memref<125x80xi32, #tpu.memory_space<hbm>>) target(%dma_start3A_298 : memref<125x80xi32, #tpu.memory_space<vmem>>) target_semaphore(%run_scoped3A : memref<!tpu.dma_semaphore, #tpu.memory_space<semaphore_mem>>)
      %dma_wait3A = arith.constant 0 : i32
      %dma_wait3A_303 = arith.constant 0 : i32
      %dma_wait3A_304 = tpu.memref_slice %arg5[%dma_wait3A, %dma_wait3A_303] : memref<128x80xi32, #tpu.memory_space<vmem>> -> memref<125x80xi32, #tpu.memory_space<vmem>>
      %dma_wait3A_305 = arith.constant 0 : i32
      %dma_wait3A_306 = arith.constant 0 : i32
      %dma_wait3A_307 = tpu.memref_slice %arg2[%add3A, %dma_wait3A_305, %dma_wait3A_306] : memref<32x125x80xi32, #tpu.memory_space<hbm>> -> memref<1x125x80xi32, #tpu.memory_space<hbm>>
      %dma_wait3A_308 = tpu.memref_squeeze %dma_wait3A_307 : memref<1x125x80xi32, #tpu.memory_space<hbm>> -> memref<125x80xi32, #tpu.memory_space<hbm>>
      %dma_wait3A_309 = arith.constant 0 : i32
      %dma_wait3A_310 = arith.constant 0 : i32
      %dma_wait3A_311 = tpu.memref_slice %arg5[%dma_wait3A_309, %dma_wait3A_310] : memref<128x80xi32, #tpu.memory_space<vmem>> -> memref<125x80xi32, #tpu.memory_space<vmem>>
      %dma_wait3A_312 = arith.constant 0 : i32
      %dma_wait3A_313 = arith.constant 0 : i32
      %dma_wait3A_314 = tpu.memref_slice %arg2[%add3A, %dma_wait3A_312, %dma_wait3A_313] : memref<32x125x80xi32, #tpu.memory_space<hbm>> -> memref<1x125x80xi32, #tpu.memory_space<hbm>>
      %dma_wait3A_315 = tpu.memref_squeeze %dma_wait3A_314 : memref<1x125x80xi32, #tpu.memory_space<hbm>> -> memref<125x80xi32, #tpu.memory_space<hbm>>
      tpu.wait_dma2 semaphore(%run_scoped3A : memref<!tpu.dma_semaphore, #tpu.memory_space<semaphore_mem>>) src(%dma_wait3A_315 : memref<125x80xi32, #tpu.memory_space<hbm>>) dst(%dma_wait3A_311 : memref<125x80xi32, #tpu.memory_space<vmem>>)
      tpu.yield
    }) : () -> ()
    "tpu.region"() ({
      %run_scoped3A = tpu.sem_alloc : memref<!tpu.dma_semaphore, #tpu.memory_space<semaphore_mem>>
      %dma_start3A = arith.constant 125 : i32
      %dma_start3A_290 = arith.constant 0 : i32
      %dma_start3A_291 = tpu.memref_slice %arg5[%dma_start3A, %dma_start3A_290] : memref<128x80xi32, #tpu.memory_space<vmem>> -> memref<3x80xi32, #tpu.memory_space<vmem>>
      %dma_start3A_292 = arith.constant 0 : i32
      %dma_start3A_293 = arith.constant 0 : i32
      %dma_start3A_294 = tpu.memref_slice %arg3[%add3A, %dma_start3A_292, %dma_start3A_293] : memref<32x3x80xi32, #tpu.memory_space<hbm>> -> memref<1x3x80xi32, #tpu.memory_space<hbm>>
      %dma_start3A_295 = tpu.memref_squeeze %dma_start3A_294 : memref<1x3x80xi32, #tpu.memory_space<hbm>> -> memref<3x80xi32, #tpu.memory_space<hbm>>
      %dma_start3A_296 = arith.constant 125 : i32
      %dma_start3A_297 = arith.constant 0 : i32
      %dma_start3A_298 = tpu.memref_slice %arg5[%dma_start3A_296, %dma_start3A_297] : memref<128x80xi32, #tpu.memory_space<vmem>> -> memref<3x80xi32, #tpu.memory_space<vmem>>
      %dma_start3A_299 = arith.constant 0 : i32
      %dma_start3A_300 = arith.constant 0 : i32
      %dma_start3A_301 = tpu.memref_slice %arg3[%add3A, %dma_start3A_299, %dma_start3A_300] : memref<32x3x80xi32, #tpu.memory_space<hbm>> -> memref<1x3x80xi32, #tpu.memory_space<hbm>>
      %dma_start3A_302 = tpu.memref_squeeze %dma_start3A_301 : memref<1x3x80xi32, #tpu.memory_space<hbm>> -> memref<3x80xi32, #tpu.memory_space<hbm>>
      tpu.enqueue_dma source(%dma_start3A_302 : memref<3x80xi32, #tpu.memory_space<hbm>>) target(%dma_start3A_298 : memref<3x80xi32, #tpu.memory_space<vmem>>) target_semaphore(%run_scoped3A : memref<!tpu.dma_semaphore, #tpu.memory_space<semaphore_mem>>)
      %dma_wait3A = arith.constant 125 : i32
      %dma_wait3A_303 = arith.constant 0 : i32
      %dma_wait3A_304 = tpu.memref_slice %arg5[%dma_wait3A, %dma_wait3A_303] : memref<128x80xi32, #tpu.memory_space<vmem>> -> memref<3x80xi32, #tpu.memory_space<vmem>>
      %dma_wait3A_305 = arith.constant 0 : i32
      %dma_wait3A_306 = arith.constant 0 : i32
      %dma_wait3A_307 = tpu.memref_slice %arg3[%add3A, %dma_wait3A_305, %dma_wait3A_306] : memref<32x3x80xi32, #tpu.memory_space<hbm>> -> memref<1x3x80xi32, #tpu.memory_space<hbm>>
      %dma_wait3A_308 = tpu.memref_squeeze %dma_wait3A_307 : memref<1x3x80xi32, #tpu.memory_space<hbm>> -> memref<3x80xi32, #tpu.memory_space<hbm>>
      %dma_wait3A_309 = arith.constant 125 : i32
      %dma_wait3A_310 = arith.constant 0 : i32
      %dma_wait3A_311 = tpu.memref_slice %arg5[%dma_wait3A_309, %dma_wait3A_310] : memref<128x80xi32, #tpu.memory_space<vmem>> -> memref<3x80xi32, #tpu.memory_space<vmem>>
      %dma_wait3A_312 = arith.constant 0 : i32
      %dma_wait3A_313 = arith.constant 0 : i32
      %dma_wait3A_314 = tpu.memref_slice %arg3[%add3A, %dma_wait3A_312, %dma_wait3A_313] : memref<32x3x80xi32, #tpu.memory_space<hbm>> -> memref<1x3x80xi32, #tpu.memory_space<hbm>>
      %dma_wait3A_315 = tpu.memref_squeeze %dma_wait3A_314 : memref<1x3x80xi32, #tpu.memory_space<hbm>> -> memref<3x80xi32, #tpu.memory_space<hbm>>
      tpu.wait_dma2 semaphore(%run_scoped3A : memref<!tpu.dma_semaphore, #tpu.memory_space<semaphore_mem>>) src(%dma_wait3A_315 : memref<3x80xi32, #tpu.memory_space<hbm>>) dst(%dma_wait3A_311 : memref<3x80xi32, #tpu.memory_space<vmem>>)
      tpu.yield
    }) : () -> ()
    %mul3A_269 = arith.constant 640 : i32
    %mul3A_270 = arith.muli %mul3A_269, %arg1 : i32
    "tpu.region"() ({
      %run_scoped3A = tpu.sem_alloc : memref<!tpu.dma_semaphore, #tpu.memory_space<semaphore_mem>>
      %dma_start3A = tpu.memref_slice %arg8[%mul3A_270] : memref<10240xf32, #tpu.memory_space<vmem_shared>> -> memref<640xf32, #tpu.memory_space<vmem_shared>>
      %dma_start3A_290 = tpu.memref_slice %arg8[%mul3A_270] : memref<10240xf32, #tpu.memory_space<vmem_shared>> -> memref<640xf32, #tpu.memory_space<vmem_shared>>
      tpu.enqueue_dma source(%arg7 : memref<640xf32, #tpu.memory_space<vmem>>) target(%dma_start3A_290 : memref<640xf32, #tpu.memory_space<vmem_shared>>) target_semaphore(%run_scoped3A : memref<!tpu.dma_semaphore, #tpu.memory_space<semaphore_mem>>)
      %dma_wait3A = tpu.memref_slice %arg8[%mul3A_270] : memref<10240xf32, #tpu.memory_space<vmem_shared>> -> memref<640xf32, #tpu.memory_space<vmem_shared>>
      %dma_wait3A_291 = tpu.memref_slice %arg8[%mul3A_270] : memref<10240xf32, #tpu.memory_space<vmem_shared>> -> memref<640xf32, #tpu.memory_space<vmem_shared>>
      tpu.wait_dma2 semaphore(%run_scoped3A : memref<!tpu.dma_semaphore, #tpu.memory_space<semaphore_mem>>) src(%arg7 : memref<640xf32, #tpu.memory_space<vmem>>) dst(%dma_wait3A_291 : memref<640xf32, #tpu.memory_space<vmem_shared>>)
      tpu.yield
    }) : () -> ()
    %barrier3A = arith.constant 0 : index
    tpu.barrier barrier_id(%barrier3A)
    %scan3A = arith.constant 0 : i32
    %scan3A_271 = arith.constant 0 : i32
    %scan3A_272 = arith.constant 128 : i32
    %scan3A_273 = arith.addi %scan3A_271, %scan3A_272 : i32
    %scan3A_274 = arith.constant 1 : i32
    scf.for %scan3A_290 = %scan3A_271 to %scan3A_273 step %scan3A_274  : i32 {
      %dma_start3A = arith.constant 0 : i32
      %dma_start3A_291 = tpu.memref_slice %arg5[%scan3A_290, %dma_start3A] : memref<128x80xi32, #tpu.memory_space<vmem>> -> memref<1x80xi32, #tpu.memory_space<vmem>>
      %dma_start3A_292 = tpu.memref_squeeze %dma_start3A_291 : memref<1x80xi32, #tpu.memory_space<vmem>> -> memref<80xi32, #tpu.memory_space<vmem>>
      %dma_start3A_293 = arith.constant 0 : i32
      %dma_start3A_294 = tpu.memref_slice %arg8[%dma_start3A_293] : memref<10240xf32, #tpu.memory_space<vmem_shared>> -> memref<10240xf32, #tpu.memory_space<vmem_shared>>
      tpu.enqueue_indirect_dma source(%arg6 : memref<80xf32, #tpu.memory_space<vmem>>) target(%dma_start3A_294 : memref<10240xf32, #tpu.memory_space<vmem_shared>>) offsets(%dma_start3A_292 : memref<80xi32, #tpu.memory_space<vmem>>) semaphore(%arg9 : memref<!tpu.dma_semaphore, #tpu.memory_space<semaphore_mem>>) {add = true}
    }
    %scan3A_275 = arith.constant 128 : i32
    %scan3A_276 = arith.constant 0 : i32
    %scan3A_277 = arith.constant 0 : i32
    %scan3A_278 = arith.constant 128 : i32
    %scan3A_279 = arith.addi %scan3A_277, %scan3A_278 : i32
    %scan3A_280 = arith.constant 1 : i32
    scf.for %scan3A_290 = %scan3A_277 to %scan3A_279 step %scan3A_280  : i32 {
      %dma_wait3A = arith.constant 0 : i32
      %dma_wait3A_291 = tpu.memref_slice %arg5[%scan3A_290, %dma_wait3A] : memref<128x80xi32, #tpu.memory_space<vmem>> -> memref<1x80xi32, #tpu.memory_space<vmem>>
      %dma_wait3A_292 = tpu.memref_squeeze %dma_wait3A_291 : memref<1x80xi32, #tpu.memory_space<vmem>> -> memref<80xi32, #tpu.memory_space<vmem>>
      %dma_wait3A_293 = arith.constant 0 : i32
      %dma_wait3A_294 = tpu.memref_slice %arg8[%dma_wait3A_293] : memref<10240xf32, #tpu.memory_space<vmem_shared>> -> memref<10240xf32, #tpu.memory_space<vmem_shared>>
      tpu.wait_indirect_dma semaphore(%arg9 : memref<!tpu.dma_semaphore, #tpu.memory_space<semaphore_mem>>) src(%arg6 : memref<80xf32, #tpu.memory_space<vmem>>) dst(%dma_wait3A_294 : memref<10240xf32, #tpu.memory_space<vmem_shared>>)
    }
    %scan3A_281 = arith.constant 128 : i32
    %barrier3A_282 = arith.constant 0 : index
    tpu.barrier barrier_id(%barrier3A_282)
    %mul3A_283 = arith.constant 640 : i32
    %mul3A_284 = arith.muli %mul3A_283, %arg1 : i32
    %mul3A_285 = arith.constant 10240 : i32
    %mul3A_286 = arith.muli %arg0, %mul3A_285 : i32
    %mul3A_287 = arith.constant 640 : i32
    %mul3A_288 = arith.muli %mul3A_287, %arg1 : i32
    %add3A_289 = arith.addi %mul3A_286, %mul3A_288 : i32
    "tpu.region"() ({
      %run_scoped3A = tpu.sem_alloc : memref<!tpu.dma_semaphore, #tpu.memory_space<semaphore_mem>>
      %dma_start3A = tpu.memref_slice %arg4[%add3A_289] : memref<20480xf32, #tpu.memory_space<hbm>> -> memref<640xf32, #tpu.memory_space<hbm>>
      %dma_start3A_290 = tpu.memref_slice %arg8[%mul3A_284] : memref<10240xf32, #tpu.memory_space<vmem_shared>> -> memref<640xf32, #tpu.memory_space<vmem_shared>>
      tpu.enqueue_dma source(%dma_start3A_290 : memref<640xf32, #tpu.memory_space<vmem_shared>>) target(%dma_start3A : memref<640xf32, #tpu.memory_space<hbm>>) target_semaphore(%run_scoped3A : memref<!tpu.dma_semaphore, #tpu.memory_space<semaphore_mem>>)
      %dma_wait3A = tpu.memref_slice %arg4[%add3A_289] : memref<20480xf32, #tpu.memory_space<hbm>> -> memref<640xf32, #tpu.memory_space<hbm>>
      %dma_wait3A_291 = tpu.memref_slice %arg8[%mul3A_284] : memref<10240xf32, #tpu.memory_space<vmem_shared>> -> memref<640xf32, #tpu.memory_space<vmem_shared>>
      tpu.wait_dma2 semaphore(%run_scoped3A : memref<!tpu.dma_semaphore, #tpu.memory_space<semaphore_mem>>) src(%dma_wait3A_291 : memref<640xf32, #tpu.memory_space<vmem_shared>>) dst(%dma_wait3A : memref<640xf32, #tpu.memory_space<hbm>>)
      tpu.yield
    }) : () -> ()
    return
  }
}

#map = affine_map<(d0, d1) -> (0, 0)>
#map1 = affine_map<(d0, d1) -> (0, 0, 0)>
module attributes {stable_mosaic.version = 14 : i64} {
  func.func @_agg_kernel(%arg0: i32, %arg1: i32, %arg2: memref<10000x128xf32, #tpu.memory_space<hbm>>, %arg3: memref<32x10240xi32, #tpu.memory_space<hbm>>, %arg4: memref<32x160x64xi32, #tpu.memory_space<hbm>>, %arg5: memref<10240x128xf32, #tpu.memory_space<hbm>>, %arg6: memref<20480x128xf32, #tpu.memory_space<hbm>>, %arg7: memref<10240xi32, #tpu.memory_space<vmem>>, %arg8: memref<8x64xi32, #tpu.memory_space<vmem>>, %arg9: memref<2x2x64x128xf32, #tpu.memory_space<vmem>>, %arg10: memref<10240x128xf32, #tpu.memory_space<vmem_shared>>, %arg11: memref<!tpu.dma_semaphore, #tpu.memory_space<semaphore_mem>>, %arg12: memref<!tpu.dma_semaphore, #tpu.memory_space<semaphore_mem>>, %arg13: memref<!tpu.dma_semaphore, #tpu.memory_space<semaphore_mem>>, %arg14: memref<!tpu.dma_semaphore, #tpu.memory_space<semaphore_mem>>) attributes {dimension_semantics = [#tpu.dimension_semantics<core_parallel>, #tpu.dimension_semantics<subcore_parallel>], iteration_bounds = array<i64: 2, 16>, scalar_prefetch = 0 : i64, scratch_operands = 8 : i64, tpu.core_type = #tpu.core_type<sc_vector_subcore>, window_params = [{transform_indices = #map}, {transform_indices = #map}, {transform_indices = #map1}, {transform_indices = #map}, {transform_indices = #map}]} {
    %mul3A = arith.constant 2 : i32
    %mul3A_0 = arith.muli %arg1, %mul3A : i32
    %add3A = arith.addi %mul3A_0, %arg0 : i32
    %mul3A_1 = arith.constant 640 : i32
    %mul3A_2 = arith.muli %mul3A_1, %arg1 : i32
    "tpu.region"() ({
      %run_scoped3A = tpu.sem_alloc : memref<!tpu.dma_semaphore, #tpu.memory_space<semaphore_mem>>
      %dma_start3A_62 = arith.constant 0 : i32
      %dma_start3A_63 = tpu.memref_slice %arg3[%add3A, %dma_start3A_62] : memref<32x10240xi32, #tpu.memory_space<hbm>> -> memref<1x10240xi32, #tpu.memory_space<hbm>>
      %dma_start3A_64 = tpu.memref_squeeze %dma_start3A_63 : memref<1x10240xi32, #tpu.memory_space<hbm>> -> memref<10240xi32, #tpu.memory_space<hbm>>
      %dma_start3A_65 = arith.constant 0 : i32
      %dma_start3A_66 = tpu.memref_slice %arg3[%add3A, %dma_start3A_65] : memref<32x10240xi32, #tpu.memory_space<hbm>> -> memref<1x10240xi32, #tpu.memory_space<hbm>>
      %dma_start3A_67 = tpu.memref_squeeze %dma_start3A_66 : memref<1x10240xi32, #tpu.memory_space<hbm>> -> memref<10240xi32, #tpu.memory_space<hbm>>
      tpu.enqueue_dma source(%dma_start3A_67 : memref<10240xi32, #tpu.memory_space<hbm>>) target(%arg7 : memref<10240xi32, #tpu.memory_space<vmem>>) target_semaphore(%run_scoped3A : memref<!tpu.dma_semaphore, #tpu.memory_space<semaphore_mem>>)
      %dma_wait3A = arith.constant 0 : i32
      %dma_wait3A_68 = tpu.memref_slice %arg3[%add3A, %dma_wait3A] : memref<32x10240xi32, #tpu.memory_space<hbm>> -> memref<1x10240xi32, #tpu.memory_space<hbm>>
      %dma_wait3A_69 = tpu.memref_squeeze %dma_wait3A_68 : memref<1x10240xi32, #tpu.memory_space<hbm>> -> memref<10240xi32, #tpu.memory_space<hbm>>
      %dma_wait3A_70 = arith.constant 0 : i32
      %dma_wait3A_71 = tpu.memref_slice %arg3[%add3A, %dma_wait3A_70] : memref<32x10240xi32, #tpu.memory_space<hbm>> -> memref<1x10240xi32, #tpu.memory_space<hbm>>
      %dma_wait3A_72 = tpu.memref_squeeze %dma_wait3A_71 : memref<1x10240xi32, #tpu.memory_space<hbm>> -> memref<10240xi32, #tpu.memory_space<hbm>>
      tpu.wait_dma2 semaphore(%run_scoped3A : memref<!tpu.dma_semaphore, #tpu.memory_space<semaphore_mem>>) src(%dma_wait3A_72 : memref<10240xi32, #tpu.memory_space<hbm>>) dst(%arg7 : memref<10240xi32, #tpu.memory_space<vmem>>)
      tpu.yield
    }) : () -> ()
    "tpu.region"() ({
      %run_scoped3A = tpu.sem_alloc : memref<!tpu.dma_semaphore, #tpu.memory_space<semaphore_mem>>
      %dma_start3A_62 = arith.constant 0 : i32
      %dma_start3A_63 = arith.constant 0 : i32
      %dma_start3A_64 = tpu.memref_slice %arg4[%add3A, %dma_start3A_62, %dma_start3A_63] : memref<32x160x64xi32, #tpu.memory_space<hbm>> -> memref<1x8x64xi32, #tpu.memory_space<hbm>>
      %dma_start3A_65 = tpu.memref_squeeze %dma_start3A_64 : memref<1x8x64xi32, #tpu.memory_space<hbm>> -> memref<8x64xi32, #tpu.memory_space<hbm>>
      %dma_start3A_66 = arith.constant 0 : i32
      %dma_start3A_67 = arith.constant 0 : i32
      %dma_start3A_68 = tpu.memref_slice %arg4[%add3A, %dma_start3A_66, %dma_start3A_67] : memref<32x160x64xi32, #tpu.memory_space<hbm>> -> memref<1x8x64xi32, #tpu.memory_space<hbm>>
      %dma_start3A_69 = tpu.memref_squeeze %dma_start3A_68 : memref<1x8x64xi32, #tpu.memory_space<hbm>> -> memref<8x64xi32, #tpu.memory_space<hbm>>
      tpu.enqueue_dma source(%dma_start3A_69 : memref<8x64xi32, #tpu.memory_space<hbm>>) target(%arg8 : memref<8x64xi32, #tpu.memory_space<vmem>>) target_semaphore(%run_scoped3A : memref<!tpu.dma_semaphore, #tpu.memory_space<semaphore_mem>>)
      %dma_wait3A = arith.constant 0 : i32
      %dma_wait3A_70 = arith.constant 0 : i32
      %dma_wait3A_71 = tpu.memref_slice %arg4[%add3A, %dma_wait3A, %dma_wait3A_70] : memref<32x160x64xi32, #tpu.memory_space<hbm>> -> memref<1x8x64xi32, #tpu.memory_space<hbm>>
      %dma_wait3A_72 = tpu.memref_squeeze %dma_wait3A_71 : memref<1x8x64xi32, #tpu.memory_space<hbm>> -> memref<8x64xi32, #tpu.memory_space<hbm>>
      %dma_wait3A_73 = arith.constant 0 : i32
      %dma_wait3A_74 = arith.constant 0 : i32
      %dma_wait3A_75 = tpu.memref_slice %arg4[%add3A, %dma_wait3A_73, %dma_wait3A_74] : memref<32x160x64xi32, #tpu.memory_space<hbm>> -> memref<1x8x64xi32, #tpu.memory_space<hbm>>
      %dma_wait3A_76 = tpu.memref_squeeze %dma_wait3A_75 : memref<1x8x64xi32, #tpu.memory_space<hbm>> -> memref<8x64xi32, #tpu.memory_space<hbm>>
      tpu.wait_dma2 semaphore(%run_scoped3A : memref<!tpu.dma_semaphore, #tpu.memory_space<semaphore_mem>>) src(%dma_wait3A_76 : memref<8x64xi32, #tpu.memory_space<hbm>>) dst(%arg8 : memref<8x64xi32, #tpu.memory_space<vmem>>)
      tpu.yield
    }) : () -> ()
    %eq3A = arith.constant 0 : i32
    %eq3A_3 = arith.cmpi eq, %arg0, %eq3A : i32
    %convert_element_type3A = arith.extui %eq3A_3 : i1 to i32
    %cond3A = arith.constant 0 : i32
    %cond3A_4 = arith.cmpi ne, %convert_element_type3A, %cond3A : i32
    scf.if %cond3A_4 {
      %eq3A_62 = arith.constant 15 : i32
      %eq3A_63 = arith.cmpi eq, %arg1, %eq3A_62 : i32
      %convert_element_type3A_64 = arith.extui %eq3A_63 : i1 to i32
      %cond3A_65 = arith.constant 0 : i32
      %cond3A_66 = arith.cmpi ne, %convert_element_type3A_64, %cond3A_65 : i32
      scf.if %cond3A_66 {
        %sub3A = arith.constant 10000 : i32
        %sub3A_71 = arith.subi %sub3A, %mul3A_2 : i32
        %sub3A_72 = arith.constant 10000 : i32
        %sub3A_73 = arith.subi %sub3A_72, %mul3A_2 : i32
        "tpu.region"() ({
          %run_scoped3A = tpu.sem_alloc : memref<!tpu.dma_semaphore, #tpu.memory_space<semaphore_mem>>
          %dma_start3A_74 = arith.constant 0 : i32
          %dma_start3A_75 = tpu.memref_slice %arg10[%mul3A_2, %dma_start3A_74] <%sub3A_73> : memref<10240x128xf32, #tpu.memory_space<vmem_shared>> -> memref<?x128xf32, #tpu.memory_space<vmem_shared>>
          %dma_start3A_76 = arith.constant 0 : i32
          %dma_start3A_77 = tpu.memref_slice %arg2[%mul3A_2, %dma_start3A_76] <%sub3A_71> : memref<10000x128xf32, #tpu.memory_space<hbm>> -> memref<?x128xf32, #tpu.memory_space<hbm>>
          tpu.enqueue_dma source(%dma_start3A_77 : memref<?x128xf32, #tpu.memory_space<hbm>>) target(%dma_start3A_75 : memref<?x128xf32, #tpu.memory_space<vmem_shared>>) target_semaphore(%run_scoped3A : memref<!tpu.dma_semaphore, #tpu.memory_space<semaphore_mem>>)
          %dma_wait3A = arith.constant 0 : i32
          %dma_wait3A_78 = tpu.memref_slice %arg10[%mul3A_2, %dma_wait3A] <%sub3A_73> : memref<10240x128xf32, #tpu.memory_space<vmem_shared>> -> memref<?x128xf32, #tpu.memory_space<vmem_shared>>
          %dma_wait3A_79 = arith.constant 0 : i32
          %dma_wait3A_80 = tpu.memref_slice %arg2[%mul3A_2, %dma_wait3A_79] <%sub3A_71> : memref<10000x128xf32, #tpu.memory_space<hbm>> -> memref<?x128xf32, #tpu.memory_space<hbm>>
          tpu.wait_dma2 semaphore(%run_scoped3A : memref<!tpu.dma_semaphore, #tpu.memory_space<semaphore_mem>>) src(%dma_wait3A_80 : memref<?x128xf32, #tpu.memory_space<hbm>>) dst(%dma_wait3A_78 : memref<?x128xf32, #tpu.memory_space<vmem_shared>>)
          tpu.yield
        }) : () -> ()
        "tpu.region"() ({
          %run_scoped3A = tpu.sem_alloc : memref<!tpu.dma_semaphore, #tpu.memory_space<semaphore_mem>>
          %dma_start3A_74 = arith.constant 10000 : i32
          %dma_start3A_75 = arith.constant 0 : i32
          %dma_start3A_76 = tpu.memref_slice %arg10[%dma_start3A_74, %dma_start3A_75] : memref<10240x128xf32, #tpu.memory_space<vmem_shared>> -> memref<240x128xf32, #tpu.memory_space<vmem_shared>>
          %dma_start3A_77 = arith.constant 0 : i32
          %dma_start3A_78 = arith.constant 0 : i32
          %dma_start3A_79 = tpu.memref_slice %arg5[%dma_start3A_77, %dma_start3A_78] : memref<10240x128xf32, #tpu.memory_space<hbm>> -> memref<240x128xf32, #tpu.memory_space<hbm>>
          tpu.enqueue_dma source(%dma_start3A_79 : memref<240x128xf32, #tpu.memory_space<hbm>>) target(%dma_start3A_76 : memref<240x128xf32, #tpu.memory_space<vmem_shared>>) target_semaphore(%run_scoped3A : memref<!tpu.dma_semaphore, #tpu.memory_space<semaphore_mem>>)
          %dma_wait3A = arith.constant 10000 : i32
          %dma_wait3A_80 = arith.constant 0 : i32
          %dma_wait3A_81 = tpu.memref_slice %arg10[%dma_wait3A, %dma_wait3A_80] : memref<10240x128xf32, #tpu.memory_space<vmem_shared>> -> memref<240x128xf32, #tpu.memory_space<vmem_shared>>
          %dma_wait3A_82 = arith.constant 0 : i32
          %dma_wait3A_83 = arith.constant 0 : i32
          %dma_wait3A_84 = tpu.memref_slice %arg5[%dma_wait3A_82, %dma_wait3A_83] : memref<10240x128xf32, #tpu.memory_space<hbm>> -> memref<240x128xf32, #tpu.memory_space<hbm>>
          tpu.wait_dma2 semaphore(%run_scoped3A : memref<!tpu.dma_semaphore, #tpu.memory_space<semaphore_mem>>) src(%dma_wait3A_84 : memref<240x128xf32, #tpu.memory_space<hbm>>) dst(%dma_wait3A_81 : memref<240x128xf32, #tpu.memory_space<vmem_shared>>)
          tpu.yield
        }) : () -> ()
      } else {
      }
      %lt3A = arith.constant 15 : i32
      %lt3A_67 = arith.cmpi slt, %arg1, %lt3A : i32
      %convert_element_type3A_68 = arith.extui %lt3A_67 : i1 to i32
      %cond3A_69 = arith.constant 0 : i32
      %cond3A_70 = arith.cmpi ne, %convert_element_type3A_68, %cond3A_69 : i32
      scf.if %cond3A_70 {
        "tpu.region"() ({
          %run_scoped3A = tpu.sem_alloc : memref<!tpu.dma_semaphore, #tpu.memory_space<semaphore_mem>>
          %dma_start3A_71 = arith.constant 0 : i32
          %dma_start3A_72 = tpu.memref_slice %arg10[%mul3A_2, %dma_start3A_71] : memref<10240x128xf32, #tpu.memory_space<vmem_shared>> -> memref<640x128xf32, #tpu.memory_space<vmem_shared>>
          %dma_start3A_73 = arith.constant 0 : i32
          %dma_start3A_74 = tpu.memref_slice %arg2[%mul3A_2, %dma_start3A_73] : memref<10000x128xf32, #tpu.memory_space<hbm>> -> memref<640x128xf32, #tpu.memory_space<hbm>>
          tpu.enqueue_dma source(%dma_start3A_74 : memref<640x128xf32, #tpu.memory_space<hbm>>) target(%dma_start3A_72 : memref<640x128xf32, #tpu.memory_space<vmem_shared>>) target_semaphore(%run_scoped3A : memref<!tpu.dma_semaphore, #tpu.memory_space<semaphore_mem>>)
          %dma_wait3A = arith.constant 0 : i32
          %dma_wait3A_75 = tpu.memref_slice %arg10[%mul3A_2, %dma_wait3A] : memref<10240x128xf32, #tpu.memory_space<vmem_shared>> -> memref<640x128xf32, #tpu.memory_space<vmem_shared>>
          %dma_wait3A_76 = arith.constant 0 : i32
          %dma_wait3A_77 = tpu.memref_slice %arg2[%mul3A_2, %dma_wait3A_76] : memref<10000x128xf32, #tpu.memory_space<hbm>> -> memref<640x128xf32, #tpu.memory_space<hbm>>
          tpu.wait_dma2 semaphore(%run_scoped3A : memref<!tpu.dma_semaphore, #tpu.memory_space<semaphore_mem>>) src(%dma_wait3A_77 : memref<640x128xf32, #tpu.memory_space<hbm>>) dst(%dma_wait3A_75 : memref<640x128xf32, #tpu.memory_space<vmem_shared>>)
          tpu.yield
        }) : () -> ()
      } else {
      }
    } else {
    }
    %eq3A_5 = arith.constant 1 : i32
    %eq3A_6 = arith.cmpi eq, %arg0, %eq3A_5 : i32
    %convert_element_type3A_7 = arith.extui %eq3A_6 : i1 to i32
    %cond3A_8 = arith.constant 0 : i32
    %cond3A_9 = arith.cmpi ne, %convert_element_type3A_7, %cond3A_8 : i32
    scf.if %cond3A_9 {
      "tpu.region"() ({
        %run_scoped3A = tpu.sem_alloc : memref<!tpu.dma_semaphore, #tpu.memory_space<semaphore_mem>>
        %dma_start3A_62 = arith.constant 0 : i32
        %dma_start3A_63 = tpu.memref_slice %arg10[%mul3A_2, %dma_start3A_62] : memref<10240x128xf32, #tpu.memory_space<vmem_shared>> -> memref<640x128xf32, #tpu.memory_space<vmem_shared>>
        %dma_start3A_64 = arith.constant 0 : i32
        %dma_start3A_65 = tpu.memref_slice %arg5[%mul3A_2, %dma_start3A_64] : memref<10240x128xf32, #tpu.memory_space<hbm>> -> memref<640x128xf32, #tpu.memory_space<hbm>>
        tpu.enqueue_dma source(%dma_start3A_65 : memref<640x128xf32, #tpu.memory_space<hbm>>) target(%dma_start3A_63 : memref<640x128xf32, #tpu.memory_space<vmem_shared>>) target_semaphore(%run_scoped3A : memref<!tpu.dma_semaphore, #tpu.memory_space<semaphore_mem>>)
        %dma_wait3A = arith.constant 0 : i32
        %dma_wait3A_66 = tpu.memref_slice %arg10[%mul3A_2, %dma_wait3A] : memref<10240x128xf32, #tpu.memory_space<vmem_shared>> -> memref<640x128xf32, #tpu.memory_space<vmem_shared>>
        %dma_wait3A_67 = arith.constant 0 : i32
        %dma_wait3A_68 = tpu.memref_slice %arg5[%mul3A_2, %dma_wait3A_67] : memref<10240x128xf32, #tpu.memory_space<hbm>> -> memref<640x128xf32, #tpu.memory_space<hbm>>
        tpu.wait_dma2 semaphore(%run_scoped3A : memref<!tpu.dma_semaphore, #tpu.memory_space<semaphore_mem>>) src(%dma_wait3A_68 : memref<640x128xf32, #tpu.memory_space<hbm>>) dst(%dma_wait3A_66 : memref<640x128xf32, #tpu.memory_space<vmem_shared>>)
        tpu.yield
      }) : () -> ()
    } else {
    }
    %barrier3A = arith.constant 0 : index
    tpu.barrier barrier_id(%barrier3A)
    %dma_start3A = arith.constant 0 : i32
    %dma_start3A_10 = arith.constant 0 : i32
    %dma_start3A_11 = arith.constant 0 : i32
    %dma_start3A_12 = arith.constant 0 : i32
    %dma_start3A_13 = tpu.memref_slice %arg9[%dma_start3A, %dma_start3A_10, %dma_start3A_11, %dma_start3A_12] : memref<2x2x64x128xf32, #tpu.memory_space<vmem>> -> memref<1x1x64x128xf32, #tpu.memory_space<vmem>>
    %dma_start3A_14 = tpu.memref_squeeze %dma_start3A_13 : memref<1x1x64x128xf32, #tpu.memory_space<vmem>> -> memref<64x128xf32, #tpu.memory_space<vmem>>
    %dma_start3A_15 = arith.constant 0 : i32
    %dma_start3A_16 = tpu.memref_slice %arg7[%dma_start3A_15] : memref<10240xi32, #tpu.memory_space<vmem>> -> memref<64xi32, #tpu.memory_space<vmem>>
    %dma_start3A_17 = arith.constant 0 : i32
    %dma_start3A_18 = arith.constant 0 : i32
    %dma_start3A_19 = tpu.memref_slice %arg2[%dma_start3A_17, %dma_start3A_18] : memref<10000x128xf32, #tpu.memory_space<hbm>> -> memref<10000x128xf32, #tpu.memory_space<hbm>>
    tpu.enqueue_indirect_dma source(%dma_start3A_19 : memref<10000x128xf32, #tpu.memory_space<hbm>>) target(%dma_start3A_14 : memref<64x128xf32, #tpu.memory_space<vmem>>) offsets(%dma_start3A_16 : memref<64xi32, #tpu.memory_space<vmem>>) semaphore(%arg11 : memref<!tpu.dma_semaphore, #tpu.memory_space<semaphore_mem>>)
    %dma_start3A_20 = arith.constant 0 : i32
    %dma_start3A_21 = arith.constant 1 : i32
    %dma_start3A_22 = arith.constant 0 : i32
    %dma_start3A_23 = arith.constant 0 : i32
    %dma_start3A_24 = tpu.memref_slice %arg9[%dma_start3A_20, %dma_start3A_21, %dma_start3A_22, %dma_start3A_23] : memref<2x2x64x128xf32, #tpu.memory_space<vmem>> -> memref<1x1x64x128xf32, #tpu.memory_space<vmem>>
    %dma_start3A_25 = tpu.memref_squeeze %dma_start3A_24 : memref<1x1x64x128xf32, #tpu.memory_space<vmem>> -> memref<64x128xf32, #tpu.memory_space<vmem>>
    %dma_start3A_26 = arith.constant 64 : i32
    %dma_start3A_27 = tpu.memref_slice %arg7[%dma_start3A_26] : memref<10240xi32, #tpu.memory_space<vmem>> -> memref<64xi32, #tpu.memory_space<vmem>>
    %dma_start3A_28 = arith.constant 0 : i32
    %dma_start3A_29 = arith.constant 0 : i32
    %dma_start3A_30 = tpu.memref_slice %arg2[%dma_start3A_28, %dma_start3A_29] : memref<10000x128xf32, #tpu.memory_space<hbm>> -> memref<10000x128xf32, #tpu.memory_space<hbm>>
    tpu.enqueue_indirect_dma source(%dma_start3A_30 : memref<10000x128xf32, #tpu.memory_space<hbm>>) target(%dma_start3A_25 : memref<64x128xf32, #tpu.memory_space<vmem>>) offsets(%dma_start3A_27 : memref<64xi32, #tpu.memory_space<vmem>>) semaphore(%arg11 : memref<!tpu.dma_semaphore, #tpu.memory_space<semaphore_mem>>)
    %dma_start3A_31 = arith.constant 1 : i32
    %dma_start3A_32 = arith.constant 0 : i32
    %dma_start3A_33 = arith.constant 0 : i32
    %dma_start3A_34 = arith.constant 0 : i32
    %dma_start3A_35 = tpu.memref_slice %arg9[%dma_start3A_31, %dma_start3A_32, %dma_start3A_33, %dma_start3A_34] : memref<2x2x64x128xf32, #tpu.memory_space<vmem>> -> memref<1x1x64x128xf32, #tpu.memory_space<vmem>>
    %dma_start3A_36 = tpu.memref_squeeze %dma_start3A_35 : memref<1x1x64x128xf32, #tpu.memory_space<vmem>> -> memref<64x128xf32, #tpu.memory_space<vmem>>
    %dma_start3A_37 = arith.constant 128 : i32
    %dma_start3A_38 = tpu.memref_slice %arg7[%dma_start3A_37] : memref<10240xi32, #tpu.memory_space<vmem>> -> memref<64xi32, #tpu.memory_space<vmem>>
    %dma_start3A_39 = arith.constant 0 : i32
    %dma_start3A_40 = arith.constant 0 : i32
    %dma_start3A_41 = tpu.memref_slice %arg2[%dma_start3A_39, %dma_start3A_40] : memref<10000x128xf32, #tpu.memory_space<hbm>> -> memref<10000x128xf32, #tpu.memory_space<hbm>>
    tpu.enqueue_indirect_dma source(%dma_start3A_41 : memref<10000x128xf32, #tpu.memory_space<hbm>>) target(%dma_start3A_36 : memref<64x128xf32, #tpu.memory_space<vmem>>) offsets(%dma_start3A_38 : memref<64xi32, #tpu.memory_space<vmem>>) semaphore(%arg12 : memref<!tpu.dma_semaphore, #tpu.memory_space<semaphore_mem>>)
    %dma_start3A_42 = arith.constant 1 : i32
    %dma_start3A_43 = arith.constant 1 : i32
    %dma_start3A_44 = arith.constant 0 : i32
    %dma_start3A_45 = arith.constant 0 : i32
    %dma_start3A_46 = tpu.memref_slice %arg9[%dma_start3A_42, %dma_start3A_43, %dma_start3A_44, %dma_start3A_45] : memref<2x2x64x128xf32, #tpu.memory_space<vmem>> -> memref<1x1x64x128xf32, #tpu.memory_space<vmem>>
    %dma_start3A_47 = tpu.memref_squeeze %dma_start3A_46 : memref<1x1x64x128xf32, #tpu.memory_space<vmem>> -> memref<64x128xf32, #tpu.memory_space<vmem>>
    %dma_start3A_48 = arith.constant 192 : i32
    %dma_start3A_49 = tpu.memref_slice %arg7[%dma_start3A_48] : memref<10240xi32, #tpu.memory_space<vmem>> -> memref<64xi32, #tpu.memory_space<vmem>>
    %dma_start3A_50 = arith.constant 0 : i32
    %dma_start3A_51 = arith.constant 0 : i32
    %dma_start3A_52 = tpu.memref_slice %arg2[%dma_start3A_50, %dma_start3A_51] : memref<10000x128xf32, #tpu.memory_space<hbm>> -> memref<10000x128xf32, #tpu.memory_space<hbm>>
    tpu.enqueue_indirect_dma source(%dma_start3A_52 : memref<10000x128xf32, #tpu.memory_space<hbm>>) target(%dma_start3A_47 : memref<64x128xf32, #tpu.memory_space<vmem>>) offsets(%dma_start3A_49 : memref<64xi32, #tpu.memory_space<vmem>>) semaphore(%arg12 : memref<!tpu.dma_semaphore, #tpu.memory_space<semaphore_mem>>)
    %scan3A = arith.constant 0 : i32
    %scan3A_53 = arith.constant 0 : i32
    %scan3A_54 = arith.constant 40 : i32
    %scan3A_55 = arith.addi %scan3A_53, %scan3A_54 : i32
    %scan3A_56 = arith.constant 1 : i32
    scf.for %scan3A_62 = %scan3A_53 to %scan3A_55 step %scan3A_56  : i32 {
      %mul3A_63 = arith.constant 2 : i32
      %mul3A_64 = arith.muli %mul3A_63, %scan3A_62 : i32
      %add3A_65 = arith.constant 0 : i32
      %add3A_66 = arith.addi %mul3A_64, %add3A_65 : i32
      %rem3A = arith.constant 4 : i32
      %rem3A_67 = arith.remsi %add3A_66, %rem3A : i32
      %mul3A_68 = arith.constant 2 : i32
      %mul3A_69 = arith.muli %rem3A_67, %mul3A_68 : i32
      %ge3A = arith.constant 4 : i32
      %ge3A_70 = arith.cmpi sge, %add3A_66, %ge3A : i32
      %convert_element_type3A_71 = arith.extui %ge3A_70 : i1 to i32
      %cond3A_72 = arith.constant 0 : i32
      %cond3A_73 = arith.cmpi ne, %convert_element_type3A_71, %cond3A_72 : i32
      scf.if %cond3A_73 {
        %mul3A_319 = arith.constant 2 : i32
        %mul3A_320 = arith.muli %add3A_66, %mul3A_319 : i32
        %dma_wait3A_321 = arith.constant 0 : i32
        %dma_wait3A_322 = tpu.memref_slice %arg8[%mul3A_69, %dma_wait3A_321] : memref<8x64xi32, #tpu.memory_space<vmem>> -> memref<2x64xi32, #tpu.memory_space<vmem>>
        %dma_wait3A_323 = arith.constant 0 : i32
        %dma_wait3A_324 = tpu.memref_slice %arg4[%add3A, %mul3A_320, %dma_wait3A_323] : memref<32x160x64xi32, #tpu.memory_space<hbm>> -> memref<1x2x64xi32, #tpu.memory_space<hbm>>
        %dma_wait3A_325 = tpu.memref_squeeze %dma_wait3A_324 : memref<1x2x64xi32, #tpu.memory_space<hbm>> -> memref<2x64xi32, #tpu.memory_space<hbm>>
        %dma_wait3A_326 = arith.constant 0 : i32
        %dma_wait3A_327 = tpu.memref_slice %arg8[%mul3A_69, %dma_wait3A_326] : memref<8x64xi32, #tpu.memory_space<vmem>> -> memref<2x64xi32, #tpu.memory_space<vmem>>
        %dma_wait3A_328 = arith.constant 0 : i32
        %dma_wait3A_329 = tpu.memref_slice %arg4[%add3A, %mul3A_320, %dma_wait3A_328] : memref<32x160x64xi32, #tpu.memory_space<hbm>> -> memref<1x2x64xi32, #tpu.memory_space<hbm>>
        %dma_wait3A_330 = tpu.memref_squeeze %dma_wait3A_329 : memref<1x2x64xi32, #tpu.memory_space<hbm>> -> memref<2x64xi32, #tpu.memory_space<hbm>>
        tpu.wait_dma2 semaphore(%arg14 : memref<!tpu.dma_semaphore, #tpu.memory_space<semaphore_mem>>) src(%dma_wait3A_330 : memref<2x64xi32, #tpu.memory_space<hbm>>) dst(%dma_wait3A_327 : memref<2x64xi32, #tpu.memory_space<vmem>>)
      } else {
      }
      %mul3A_74 = arith.constant 2 : i32
      %mul3A_75 = arith.muli %add3A_66, %mul3A_74 : i32
      %add3A_76 = arith.constant 0 : i32
      %add3A_77 = arith.addi %mul3A_75, %add3A_76 : i32
      %mul3A_78 = arith.constant 64 : i32
      %mul3A_79 = arith.muli %add3A_77, %mul3A_78 : i32
      %dma_wait3A = arith.constant 0 : i32
      %dma_wait3A_80 = arith.constant 0 : i32
      %dma_wait3A_81 = arith.constant 0 : i32
      %dma_wait3A_82 = arith.constant 0 : i32
      %dma_wait3A_83 = tpu.memref_slice %arg9[%dma_wait3A, %dma_wait3A_80, %dma_wait3A_81, %dma_wait3A_82] : memref<2x2x64x128xf32, #tpu.memory_space<vmem>> -> memref<1x1x64x128xf32, #tpu.memory_space<vmem>>
      %dma_wait3A_84 = tpu.memref_squeeze %dma_wait3A_83 : memref<1x1x64x128xf32, #tpu.memory_space<vmem>> -> memref<64x128xf32, #tpu.memory_space<vmem>>
      %dma_wait3A_85 = tpu.memref_slice %arg7[%mul3A_79] : memref<10240xi32, #tpu.memory_space<vmem>> -> memref<64xi32, #tpu.memory_space<vmem>>
      %dma_wait3A_86 = arith.constant 0 : i32
      %dma_wait3A_87 = arith.constant 0 : i32
      %dma_wait3A_88 = tpu.memref_slice %arg2[%dma_wait3A_86, %dma_wait3A_87] : memref<10000x128xf32, #tpu.memory_space<hbm>> -> memref<10000x128xf32, #tpu.memory_space<hbm>>
      tpu.wait_indirect_dma semaphore(%arg11 : memref<!tpu.dma_semaphore, #tpu.memory_space<semaphore_mem>>) src(%dma_wait3A_88 : memref<10000x128xf32, #tpu.memory_space<hbm>>) dst(%dma_wait3A_84 : memref<64x128xf32, #tpu.memory_space<vmem>>)
      %add3A_89 = arith.constant 0 : i32
      %add3A_90 = arith.addi %mul3A_69, %add3A_89 : i32
      %dma_start3A_91 = arith.constant 0 : i32
      %dma_start3A_92 = arith.constant 0 : i32
      %dma_start3A_93 = arith.constant 0 : i32
      %dma_start3A_94 = arith.constant 0 : i32
      %dma_start3A_95 = tpu.memref_slice %arg9[%dma_start3A_91, %dma_start3A_92, %dma_start3A_93, %dma_start3A_94] : memref<2x2x64x128xf32, #tpu.memory_space<vmem>> -> memref<1x1x64x128xf32, #tpu.memory_space<vmem>>
      %dma_start3A_96 = tpu.memref_squeeze %dma_start3A_95 : memref<1x1x64x128xf32, #tpu.memory_space<vmem>> -> memref<64x128xf32, #tpu.memory_space<vmem>>
      %dma_start3A_97 = arith.constant 0 : i32
      %dma_start3A_98 = tpu.memref_slice %arg8[%add3A_90, %dma_start3A_97] : memref<8x64xi32, #tpu.memory_space<vmem>> -> memref<1x64xi32, #tpu.memory_space<vmem>>
      %dma_start3A_99 = tpu.memref_squeeze %dma_start3A_98 : memref<1x64xi32, #tpu.memory_space<vmem>> -> memref<64xi32, #tpu.memory_space<vmem>>
      %dma_start3A_100 = arith.constant 0 : i32
      %dma_start3A_101 = arith.constant 0 : i32
      %dma_start3A_102 = tpu.memref_slice %arg10[%dma_start3A_100, %dma_start3A_101] : memref<10240x128xf32, #tpu.memory_space<vmem_shared>> -> memref<10240x128xf32, #tpu.memory_space<vmem_shared>>
      tpu.enqueue_indirect_dma source(%dma_start3A_96 : memref<64x128xf32, #tpu.memory_space<vmem>>) target(%dma_start3A_102 : memref<10240x128xf32, #tpu.memory_space<vmem_shared>>) offsets(%dma_start3A_99 : memref<64xi32, #tpu.memory_space<vmem>>) semaphore(%arg13 : memref<!tpu.dma_semaphore, #tpu.memory_space<semaphore_mem>>) {add = true}
      %mul3A_103 = arith.constant 2 : i32
      %mul3A_104 = arith.muli %add3A_66, %mul3A_103 : i32
      %add3A_105 = arith.constant 1 : i32
      %add3A_106 = arith.addi %mul3A_104, %add3A_105 : i32
      %mul3A_107 = arith.constant 64 : i32
      %mul3A_108 = arith.muli %add3A_106, %mul3A_107 : i32
      %dma_wait3A_109 = arith.constant 0 : i32
      %dma_wait3A_110 = arith.constant 1 : i32
      %dma_wait3A_111 = arith.constant 0 : i32
      %dma_wait3A_112 = arith.constant 0 : i32
      %dma_wait3A_113 = tpu.memref_slice %arg9[%dma_wait3A_109, %dma_wait3A_110, %dma_wait3A_111, %dma_wait3A_112] : memref<2x2x64x128xf32, #tpu.memory_space<vmem>> -> memref<1x1x64x128xf32, #tpu.memory_space<vmem>>
      %dma_wait3A_114 = tpu.memref_squeeze %dma_wait3A_113 : memref<1x1x64x128xf32, #tpu.memory_space<vmem>> -> memref<64x128xf32, #tpu.memory_space<vmem>>
      %dma_wait3A_115 = tpu.memref_slice %arg7[%mul3A_108] : memref<10240xi32, #tpu.memory_space<vmem>> -> memref<64xi32, #tpu.memory_space<vmem>>
      %dma_wait3A_116 = arith.constant 0 : i32
      %dma_wait3A_117 = arith.constant 0 : i32
      %dma_wait3A_118 = tpu.memref_slice %arg2[%dma_wait3A_116, %dma_wait3A_117] : memref<10000x128xf32, #tpu.memory_space<hbm>> -> memref<10000x128xf32, #tpu.memory_space<hbm>>
      tpu.wait_indirect_dma semaphore(%arg11 : memref<!tpu.dma_semaphore, #tpu.memory_space<semaphore_mem>>) src(%dma_wait3A_118 : memref<10000x128xf32, #tpu.memory_space<hbm>>) dst(%dma_wait3A_114 : memref<64x128xf32, #tpu.memory_space<vmem>>)
      %add3A_119 = arith.constant 1 : i32
      %add3A_120 = arith.addi %mul3A_69, %add3A_119 : i32
      %dma_start3A_121 = arith.constant 0 : i32
      %dma_start3A_122 = arith.constant 1 : i32
      %dma_start3A_123 = arith.constant 0 : i32
      %dma_start3A_124 = arith.constant 0 : i32
      %dma_start3A_125 = tpu.memref_slice %arg9[%dma_start3A_121, %dma_start3A_122, %dma_start3A_123, %dma_start3A_124] : memref<2x2x64x128xf32, #tpu.memory_space<vmem>> -> memref<1x1x64x128xf32, #tpu.memory_space<vmem>>
      %dma_start3A_126 = tpu.memref_squeeze %dma_start3A_125 : memref<1x1x64x128xf32, #tpu.memory_space<vmem>> -> memref<64x128xf32, #tpu.memory_space<vmem>>
      %dma_start3A_127 = arith.constant 0 : i32
      %dma_start3A_128 = tpu.memref_slice %arg8[%add3A_120, %dma_start3A_127] : memref<8x64xi32, #tpu.memory_space<vmem>> -> memref<1x64xi32, #tpu.memory_space<vmem>>
      %dma_start3A_129 = tpu.memref_squeeze %dma_start3A_128 : memref<1x64xi32, #tpu.memory_space<vmem>> -> memref<64xi32, #tpu.memory_space<vmem>>
      %dma_start3A_130 = arith.constant 0 : i32
      %dma_start3A_131 = arith.constant 0 : i32
      %dma_start3A_132 = tpu.memref_slice %arg10[%dma_start3A_130, %dma_start3A_131] : memref<10240x128xf32, #tpu.memory_space<vmem_shared>> -> memref<10240x128xf32, #tpu.memory_space<vmem_shared>>
      tpu.enqueue_indirect_dma source(%dma_start3A_126 : memref<64x128xf32, #tpu.memory_space<vmem>>) target(%dma_start3A_132 : memref<10240x128xf32, #tpu.memory_space<vmem_shared>>) offsets(%dma_start3A_129 : memref<64xi32, #tpu.memory_space<vmem>>) semaphore(%arg13 : memref<!tpu.dma_semaphore, #tpu.memory_space<semaphore_mem>>) {add = true}
      %mul3A_133 = arith.constant 2 : i32
      %mul3A_134 = arith.muli %add3A_66, %mul3A_133 : i32
      %add3A_135 = arith.constant 0 : i32
      %add3A_136 = arith.addi %mul3A_134, %add3A_135 : i32
      %add3A_137 = arith.constant 0 : i32
      %add3A_138 = arith.addi %mul3A_69, %add3A_137 : i32
      %dma_wait3A_139 = arith.constant 0 : i32
      %dma_wait3A_140 = arith.constant 0 : i32
      %dma_wait3A_141 = arith.constant 0 : i32
      %dma_wait3A_142 = arith.constant 0 : i32
      %dma_wait3A_143 = tpu.memref_slice %arg9[%dma_wait3A_139, %dma_wait3A_140, %dma_wait3A_141, %dma_wait3A_142] : memref<2x2x64x128xf32, #tpu.memory_space<vmem>> -> memref<1x1x64x128xf32, #tpu.memory_space<vmem>>
      %dma_wait3A_144 = tpu.memref_squeeze %dma_wait3A_143 : memref<1x1x64x128xf32, #tpu.memory_space<vmem>> -> memref<64x128xf32, #tpu.memory_space<vmem>>
      %dma_wait3A_145 = arith.constant 0 : i32
      %dma_wait3A_146 = tpu.memref_slice %arg8[%add3A_138, %dma_wait3A_145] : memref<8x64xi32, #tpu.memory_space<vmem>> -> memref<1x64xi32, #tpu.memory_space<vmem>>
      %dma_wait3A_147 = tpu.memref_squeeze %dma_wait3A_146 : memref<1x64xi32, #tpu.memory_space<vmem>> -> memref<64xi32, #tpu.memory_space<vmem>>
      %dma_wait3A_148 = arith.constant 0 : i32
      %dma_wait3A_149 = arith.constant 0 : i32
      %dma_wait3A_150 = tpu.memref_slice %arg10[%dma_wait3A_148, %dma_wait3A_149] : memref<10240x128xf32, #tpu.memory_space<vmem_shared>> -> memref<10240x128xf32, #tpu.memory_space<vmem_shared>>
      tpu.wait_indirect_dma semaphore(%arg13 : memref<!tpu.dma_semaphore, #tpu.memory_space<semaphore_mem>>) src(%dma_wait3A_144 : memref<64x128xf32, #tpu.memory_space<vmem>>) dst(%dma_wait3A_150 : memref<10240x128xf32, #tpu.memory_space<vmem_shared>>)
      %add3A_151 = arith.constant 2 : i32
      %add3A_152 = arith.addi %add3A_66, %add3A_151 : i32
      %lt3A = arith.constant 80 : i32
      %lt3A_153 = arith.cmpi slt, %add3A_152, %lt3A : i32
      %convert_element_type3A_154 = arith.extui %lt3A_153 : i1 to i32
      %cond3A_155 = arith.constant 0 : i32
      %cond3A_156 = arith.cmpi ne, %convert_element_type3A_154, %cond3A_155 : i32
      scf.if %cond3A_156 {
        %add3A_319 = arith.constant 2 : i32
        %add3A_320 = arith.addi %add3A_66, %add3A_319 : i32
        %mul3A_321 = arith.constant 2 : i32
        %mul3A_322 = arith.muli %add3A_320, %mul3A_321 : i32
        %add3A_323 = arith.constant 0 : i32
        %add3A_324 = arith.addi %mul3A_322, %add3A_323 : i32
        %mul3A_325 = arith.constant 64 : i32
        %mul3A_326 = arith.muli %add3A_324, %mul3A_325 : i32
        %dma_start3A_327 = arith.constant 0 : i32
        %dma_start3A_328 = arith.constant 0 : i32
        %dma_start3A_329 = arith.constant 0 : i32
        %dma_start3A_330 = arith.constant 0 : i32
        %dma_start3A_331 = tpu.memref_slice %arg9[%dma_start3A_327, %dma_start3A_328, %dma_start3A_329, %dma_start3A_330] : memref<2x2x64x128xf32, #tpu.memory_space<vmem>> -> memref<1x1x64x128xf32, #tpu.memory_space<vmem>>
        %dma_start3A_332 = tpu.memref_squeeze %dma_start3A_331 : memref<1x1x64x128xf32, #tpu.memory_space<vmem>> -> memref<64x128xf32, #tpu.memory_space<vmem>>
        %dma_start3A_333 = tpu.memref_slice %arg7[%mul3A_326] : memref<10240xi32, #tpu.memory_space<vmem>> -> memref<64xi32, #tpu.memory_space<vmem>>
        %dma_start3A_334 = arith.constant 0 : i32
        %dma_start3A_335 = arith.constant 0 : i32
        %dma_start3A_336 = tpu.memref_slice %arg2[%dma_start3A_334, %dma_start3A_335] : memref<10000x128xf32, #tpu.memory_space<hbm>> -> memref<10000x128xf32, #tpu.memory_space<hbm>>
        tpu.enqueue_indirect_dma source(%dma_start3A_336 : memref<10000x128xf32, #tpu.memory_space<hbm>>) target(%dma_start3A_332 : memref<64x128xf32, #tpu.memory_space<vmem>>) offsets(%dma_start3A_333 : memref<64xi32, #tpu.memory_space<vmem>>) semaphore(%arg11 : memref<!tpu.dma_semaphore, #tpu.memory_space<semaphore_mem>>)
      } else {
      }
      %mul3A_157 = arith.constant 2 : i32
      %mul3A_158 = arith.muli %add3A_66, %mul3A_157 : i32
      %add3A_159 = arith.constant 1 : i32
      %add3A_160 = arith.addi %mul3A_158, %add3A_159 : i32
      %add3A_161 = arith.constant 1 : i32
      %add3A_162 = arith.addi %mul3A_69, %add3A_161 : i32
      %dma_wait3A_163 = arith.constant 0 : i32
      %dma_wait3A_164 = arith.constant 1 : i32
      %dma_wait3A_165 = arith.constant 0 : i32
      %dma_wait3A_166 = arith.constant 0 : i32
      %dma_wait3A_167 = tpu.memref_slice %arg9[%dma_wait3A_163, %dma_wait3A_164, %dma_wait3A_165, %dma_wait3A_166] : memref<2x2x64x128xf32, #tpu.memory_space<vmem>> -> memref<1x1x64x128xf32, #tpu.memory_space<vmem>>
      %dma_wait3A_168 = tpu.memref_squeeze %dma_wait3A_167 : memref<1x1x64x128xf32, #tpu.memory_space<vmem>> -> memref<64x128xf32, #tpu.memory_space<vmem>>
      %dma_wait3A_169 = arith.constant 0 : i32
      %dma_wait3A_170 = tpu.memref_slice %arg8[%add3A_162, %dma_wait3A_169] : memref<8x64xi32, #tpu.memory_space<vmem>> -> memref<1x64xi32, #tpu.memory_space<vmem>>
      %dma_wait3A_171 = tpu.memref_squeeze %dma_wait3A_170 : memref<1x64xi32, #tpu.memory_space<vmem>> -> memref<64xi32, #tpu.memory_space<vmem>>
      %dma_wait3A_172 = arith.constant 0 : i32
      %dma_wait3A_173 = arith.constant 0 : i32
      %dma_wait3A_174 = tpu.memref_slice %arg10[%dma_wait3A_172, %dma_wait3A_173] : memref<10240x128xf32, #tpu.memory_space<vmem_shared>> -> memref<10240x128xf32, #tpu.memory_space<vmem_shared>>
      tpu.wait_indirect_dma semaphore(%arg13 : memref<!tpu.dma_semaphore, #tpu.memory_space<semaphore_mem>>) src(%dma_wait3A_168 : memref<64x128xf32, #tpu.memory_space<vmem>>) dst(%dma_wait3A_174 : memref<10240x128xf32, #tpu.memory_space<vmem_shared>>)
      %add3A_175 = arith.constant 2 : i32
      %add3A_176 = arith.addi %add3A_66, %add3A_175 : i32
      %lt3A_177 = arith.constant 80 : i32
      %lt3A_178 = arith.cmpi slt, %add3A_176, %lt3A_177 : i32
      %convert_element_type3A_179 = arith.extui %lt3A_178 : i1 to i32
      %cond3A_180 = arith.constant 0 : i32
      %cond3A_181 = arith.cmpi ne, %convert_element_type3A_179, %cond3A_180 : i32
      scf.if %cond3A_181 {
        %add3A_319 = arith.constant 2 : i32
        %add3A_320 = arith.addi %add3A_66, %add3A_319 : i32
        %mul3A_321 = arith.constant 2 : i32
        %mul3A_322 = arith.muli %add3A_320, %mul3A_321 : i32
        %add3A_323 = arith.constant 1 : i32
        %add3A_324 = arith.addi %mul3A_322, %add3A_323 : i32
        %mul3A_325 = arith.constant 64 : i32
        %mul3A_326 = arith.muli %add3A_324, %mul3A_325 : i32
        %dma_start3A_327 = arith.constant 0 : i32
        %dma_start3A_328 = arith.constant 1 : i32
        %dma_start3A_329 = arith.constant 0 : i32
        %dma_start3A_330 = arith.constant 0 : i32
        %dma_start3A_331 = tpu.memref_slice %arg9[%dma_start3A_327, %dma_start3A_328, %dma_start3A_329, %dma_start3A_330] : memref<2x2x64x128xf32, #tpu.memory_space<vmem>> -> memref<1x1x64x128xf32, #tpu.memory_space<vmem>>
        %dma_start3A_332 = tpu.memref_squeeze %dma_start3A_331 : memref<1x1x64x128xf32, #tpu.memory_space<vmem>> -> memref<64x128xf32, #tpu.memory_space<vmem>>
        %dma_start3A_333 = tpu.memref_slice %arg7[%mul3A_326] : memref<10240xi32, #tpu.memory_space<vmem>> -> memref<64xi32, #tpu.memory_space<vmem>>
        %dma_start3A_334 = arith.constant 0 : i32
        %dma_start3A_335 = arith.constant 0 : i32
        %dma_start3A_336 = tpu.memref_slice %arg2[%dma_start3A_334, %dma_start3A_335] : memref<10000x128xf32, #tpu.memory_space<hbm>> -> memref<10000x128xf32, #tpu.memory_space<hbm>>
        tpu.enqueue_indirect_dma source(%dma_start3A_336 : memref<10000x128xf32, #tpu.memory_space<hbm>>) target(%dma_start3A_332 : memref<64x128xf32, #tpu.memory_space<vmem>>) offsets(%dma_start3A_333 : memref<64xi32, #tpu.memory_space<vmem>>) semaphore(%arg11 : memref<!tpu.dma_semaphore, #tpu.memory_space<semaphore_mem>>)
      } else {
      }
      %add3A_182 = arith.constant 4 : i32
      %add3A_183 = arith.addi %add3A_66, %add3A_182 : i32
      %lt3A_184 = arith.constant 80 : i32
      %lt3A_185 = arith.cmpi slt, %add3A_183, %lt3A_184 : i32
      %convert_element_type3A_186 = arith.extui %lt3A_185 : i1 to i32
      %cond3A_187 = arith.constant 0 : i32
      %cond3A_188 = arith.cmpi ne, %convert_element_type3A_186, %cond3A_187 : i32
      scf.if %cond3A_188 {
        %add3A_319 = arith.constant 4 : i32
        %add3A_320 = arith.addi %add3A_66, %add3A_319 : i32
        %mul3A_321 = arith.constant 2 : i32
        %mul3A_322 = arith.muli %add3A_320, %mul3A_321 : i32
        %dma_start3A_323 = arith.constant 0 : i32
        %dma_start3A_324 = tpu.memref_slice %arg8[%mul3A_69, %dma_start3A_323] : memref<8x64xi32, #tpu.memory_space<vmem>> -> memref<2x64xi32, #tpu.memory_space<vmem>>
        %dma_start3A_325 = arith.constant 0 : i32
        %dma_start3A_326 = tpu.memref_slice %arg4[%add3A, %mul3A_322, %dma_start3A_325] : memref<32x160x64xi32, #tpu.memory_space<hbm>> -> memref<1x2x64xi32, #tpu.memory_space<hbm>>
        %dma_start3A_327 = tpu.memref_squeeze %dma_start3A_326 : memref<1x2x64xi32, #tpu.memory_space<hbm>> -> memref<2x64xi32, #tpu.memory_space<hbm>>
        %dma_start3A_328 = arith.constant 0 : i32
        %dma_start3A_329 = tpu.memref_slice %arg8[%mul3A_69, %dma_start3A_328] : memref<8x64xi32, #tpu.memory_space<vmem>> -> memref<2x64xi32, #tpu.memory_space<vmem>>
        %dma_start3A_330 = arith.constant 0 : i32
        %dma_start3A_331 = tpu.memref_slice %arg4[%add3A, %mul3A_322, %dma_start3A_330] : memref<32x160x64xi32, #tpu.memory_space<hbm>> -> memref<1x2x64xi32, #tpu.memory_space<hbm>>
        %dma_start3A_332 = tpu.memref_squeeze %dma_start3A_331 : memref<1x2x64xi32, #tpu.memory_space<hbm>> -> memref<2x64xi32, #tpu.memory_space<hbm>>
        tpu.enqueue_dma source(%dma_start3A_332 : memref<2x64xi32, #tpu.memory_space<hbm>>) target(%dma_start3A_329 : memref<2x64xi32, #tpu.memory_space<vmem>>) target_semaphore(%arg14 : memref<!tpu.dma_semaphore, #tpu.memory_space<semaphore_mem>>)
      } else {
      }
      %mul3A_189 = arith.constant 2 : i32
      %mul3A_190 = arith.muli %mul3A_189, %scan3A_62 : i32
      %add3A_191 = arith.constant 1 : i32
      %add3A_192 = arith.addi %mul3A_190, %add3A_191 : i32
      %rem3A_193 = arith.constant 4 : i32
      %rem3A_194 = arith.remsi %add3A_192, %rem3A_193 : i32
      %mul3A_195 = arith.constant 2 : i32
      %mul3A_196 = arith.muli %rem3A_194, %mul3A_195 : i32
      %ge3A_197 = arith.constant 4 : i32
      %ge3A_198 = arith.cmpi sge, %add3A_192, %ge3A_197 : i32
      %convert_element_type3A_199 = arith.extui %ge3A_198 : i1 to i32
      %cond3A_200 = arith.constant 0 : i32
      %cond3A_201 = arith.cmpi ne, %convert_element_type3A_199, %cond3A_200 : i32
      scf.if %cond3A_201 {
        %mul3A_319 = arith.constant 2 : i32
        %mul3A_320 = arith.muli %add3A_192, %mul3A_319 : i32
        %dma_wait3A_321 = arith.constant 0 : i32
        %dma_wait3A_322 = tpu.memref_slice %arg8[%mul3A_196, %dma_wait3A_321] : memref<8x64xi32, #tpu.memory_space<vmem>> -> memref<2x64xi32, #tpu.memory_space<vmem>>
        %dma_wait3A_323 = arith.constant 0 : i32
        %dma_wait3A_324 = tpu.memref_slice %arg4[%add3A, %mul3A_320, %dma_wait3A_323] : memref<32x160x64xi32, #tpu.memory_space<hbm>> -> memref<1x2x64xi32, #tpu.memory_space<hbm>>
        %dma_wait3A_325 = tpu.memref_squeeze %dma_wait3A_324 : memref<1x2x64xi32, #tpu.memory_space<hbm>> -> memref<2x64xi32, #tpu.memory_space<hbm>>
        %dma_wait3A_326 = arith.constant 0 : i32
        %dma_wait3A_327 = tpu.memref_slice %arg8[%mul3A_196, %dma_wait3A_326] : memref<8x64xi32, #tpu.memory_space<vmem>> -> memref<2x64xi32, #tpu.memory_space<vmem>>
        %dma_wait3A_328 = arith.constant 0 : i32
        %dma_wait3A_329 = tpu.memref_slice %arg4[%add3A, %mul3A_320, %dma_wait3A_328] : memref<32x160x64xi32, #tpu.memory_space<hbm>> -> memref<1x2x64xi32, #tpu.memory_space<hbm>>
        %dma_wait3A_330 = tpu.memref_squeeze %dma_wait3A_329 : memref<1x2x64xi32, #tpu.memory_space<hbm>> -> memref<2x64xi32, #tpu.memory_space<hbm>>
        tpu.wait_dma2 semaphore(%arg14 : memref<!tpu.dma_semaphore, #tpu.memory_space<semaphore_mem>>) src(%dma_wait3A_330 : memref<2x64xi32, #tpu.memory_space<hbm>>) dst(%dma_wait3A_327 : memref<2x64xi32, #tpu.memory_space<vmem>>)
      } else {
      }
      %mul3A_202 = arith.constant 2 : i32
      %mul3A_203 = arith.muli %add3A_192, %mul3A_202 : i32
      %add3A_204 = arith.constant 0 : i32
      %add3A_205 = arith.addi %mul3A_203, %add3A_204 : i32
      %mul3A_206 = arith.constant 64 : i32
      %mul3A_207 = arith.muli %add3A_205, %mul3A_206 : i32
      %dma_wait3A_208 = arith.constant 1 : i32
      %dma_wait3A_209 = arith.constant 0 : i32
      %dma_wait3A_210 = arith.constant 0 : i32
      %dma_wait3A_211 = arith.constant 0 : i32
      %dma_wait3A_212 = tpu.memref_slice %arg9[%dma_wait3A_208, %dma_wait3A_209, %dma_wait3A_210, %dma_wait3A_211] : memref<2x2x64x128xf32, #tpu.memory_space<vmem>> -> memref<1x1x64x128xf32, #tpu.memory_space<vmem>>
      %dma_wait3A_213 = tpu.memref_squeeze %dma_wait3A_212 : memref<1x1x64x128xf32, #tpu.memory_space<vmem>> -> memref<64x128xf32, #tpu.memory_space<vmem>>
      %dma_wait3A_214 = tpu.memref_slice %arg7[%mul3A_207] : memref<10240xi32, #tpu.memory_space<vmem>> -> memref<64xi32, #tpu.memory_space<vmem>>
      %dma_wait3A_215 = arith.constant 0 : i32
      %dma_wait3A_216 = arith.constant 0 : i32
      %dma_wait3A_217 = tpu.memref_slice %arg2[%dma_wait3A_215, %dma_wait3A_216] : memref<10000x128xf32, #tpu.memory_space<hbm>> -> memref<10000x128xf32, #tpu.memory_space<hbm>>
      tpu.wait_indirect_dma semaphore(%arg12 : memref<!tpu.dma_semaphore, #tpu.memory_space<semaphore_mem>>) src(%dma_wait3A_217 : memref<10000x128xf32, #tpu.memory_space<hbm>>) dst(%dma_wait3A_213 : memref<64x128xf32, #tpu.memory_space<vmem>>)
      %add3A_218 = arith.constant 0 : i32
      %add3A_219 = arith.addi %mul3A_196, %add3A_218 : i32
      %dma_start3A_220 = arith.constant 1 : i32
      %dma_start3A_221 = arith.constant 0 : i32
      %dma_start3A_222 = arith.constant 0 : i32
      %dma_start3A_223 = arith.constant 0 : i32
      %dma_start3A_224 = tpu.memref_slice %arg9[%dma_start3A_220, %dma_start3A_221, %dma_start3A_222, %dma_start3A_223] : memref<2x2x64x128xf32, #tpu.memory_space<vmem>> -> memref<1x1x64x128xf32, #tpu.memory_space<vmem>>
      %dma_start3A_225 = tpu.memref_squeeze %dma_start3A_224 : memref<1x1x64x128xf32, #tpu.memory_space<vmem>> -> memref<64x128xf32, #tpu.memory_space<vmem>>
      %dma_start3A_226 = arith.constant 0 : i32
      %dma_start3A_227 = tpu.memref_slice %arg8[%add3A_219, %dma_start3A_226] : memref<8x64xi32, #tpu.memory_space<vmem>> -> memref<1x64xi32, #tpu.memory_space<vmem>>
      %dma_start3A_228 = tpu.memref_squeeze %dma_start3A_227 : memref<1x64xi32, #tpu.memory_space<vmem>> -> memref<64xi32, #tpu.memory_space<vmem>>
      %dma_start3A_229 = arith.constant 0 : i32
      %dma_start3A_230 = arith.constant 0 : i32
      %dma_start3A_231 = tpu.memref_slice %arg10[%dma_start3A_229, %dma_start3A_230] : memref<10240x128xf32, #tpu.memory_space<vmem_shared>> -> memref<10240x128xf32, #tpu.memory_space<vmem_shared>>
      tpu.enqueue_indirect_dma source(%dma_start3A_225 : memref<64x128xf32, #tpu.memory_space<vmem>>) target(%dma_start3A_231 : memref<10240x128xf32, #tpu.memory_space<vmem_shared>>) offsets(%dma_start3A_228 : memref<64xi32, #tpu.memory_space<vmem>>) semaphore(%arg13 : memref<!tpu.dma_semaphore, #tpu.memory_space<semaphore_mem>>) {add = true}
      %mul3A_232 = arith.constant 2 : i32
      %mul3A_233 = arith.muli %add3A_192, %mul3A_232 : i32
      %add3A_234 = arith.constant 1 : i32
      %add3A_235 = arith.addi %mul3A_233, %add3A_234 : i32
      %mul3A_236 = arith.constant 64 : i32
      %mul3A_237 = arith.muli %add3A_235, %mul3A_236 : i32
      %dma_wait3A_238 = arith.constant 1 : i32
      %dma_wait3A_239 = arith.constant 1 : i32
      %dma_wait3A_240 = arith.constant 0 : i32
      %dma_wait3A_241 = arith.constant 0 : i32
      %dma_wait3A_242 = tpu.memref_slice %arg9[%dma_wait3A_238, %dma_wait3A_239, %dma_wait3A_240, %dma_wait3A_241] : memref<2x2x64x128xf32, #tpu.memory_space<vmem>> -> memref<1x1x64x128xf32, #tpu.memory_space<vmem>>
      %dma_wait3A_243 = tpu.memref_squeeze %dma_wait3A_242 : memref<1x1x64x128xf32, #tpu.memory_space<vmem>> -> memref<64x128xf32, #tpu.memory_space<vmem>>
      %dma_wait3A_244 = tpu.memref_slice %arg7[%mul3A_237] : memref<10240xi32, #tpu.memory_space<vmem>> -> memref<64xi32, #tpu.memory_space<vmem>>
      %dma_wait3A_245 = arith.constant 0 : i32
      %dma_wait3A_246 = arith.constant 0 : i32
      %dma_wait3A_247 = tpu.memref_slice %arg2[%dma_wait3A_245, %dma_wait3A_246] : memref<10000x128xf32, #tpu.memory_space<hbm>> -> memref<10000x128xf32, #tpu.memory_space<hbm>>
      tpu.wait_indirect_dma semaphore(%arg12 : memref<!tpu.dma_semaphore, #tpu.memory_space<semaphore_mem>>) src(%dma_wait3A_247 : memref<10000x128xf32, #tpu.memory_space<hbm>>) dst(%dma_wait3A_243 : memref<64x128xf32, #tpu.memory_space<vmem>>)
      %add3A_248 = arith.constant 1 : i32
      %add3A_249 = arith.addi %mul3A_196, %add3A_248 : i32
      %dma_start3A_250 = arith.constant 1 : i32
      %dma_start3A_251 = arith.constant 1 : i32
      %dma_start3A_252 = arith.constant 0 : i32
      %dma_start3A_253 = arith.constant 0 : i32
      %dma_start3A_254 = tpu.memref_slice %arg9[%dma_start3A_250, %dma_start3A_251, %dma_start3A_252, %dma_start3A_253] : memref<2x2x64x128xf32, #tpu.memory_space<vmem>> -> memref<1x1x64x128xf32, #tpu.memory_space<vmem>>
      %dma_start3A_255 = tpu.memref_squeeze %dma_start3A_254 : memref<1x1x64x128xf32, #tpu.memory_space<vmem>> -> memref<64x128xf32, #tpu.memory_space<vmem>>
      %dma_start3A_256 = arith.constant 0 : i32
      %dma_start3A_257 = tpu.memref_slice %arg8[%add3A_249, %dma_start3A_256] : memref<8x64xi32, #tpu.memory_space<vmem>> -> memref<1x64xi32, #tpu.memory_space<vmem>>
      %dma_start3A_258 = tpu.memref_squeeze %dma_start3A_257 : memref<1x64xi32, #tpu.memory_space<vmem>> -> memref<64xi32, #tpu.memory_space<vmem>>
      %dma_start3A_259 = arith.constant 0 : i32
      %dma_start3A_260 = arith.constant 0 : i32
      %dma_start3A_261 = tpu.memref_slice %arg10[%dma_start3A_259, %dma_start3A_260] : memref<10240x128xf32, #tpu.memory_space<vmem_shared>> -> memref<10240x128xf32, #tpu.memory_space<vmem_shared>>
      tpu.enqueue_indirect_dma source(%dma_start3A_255 : memref<64x128xf32, #tpu.memory_space<vmem>>) target(%dma_start3A_261 : memref<10240x128xf32, #tpu.memory_space<vmem_shared>>) offsets(%dma_start3A_258 : memref<64xi32, #tpu.memory_space<vmem>>) semaphore(%arg13 : memref<!tpu.dma_semaphore, #tpu.memory_space<semaphore_mem>>) {add = true}
      %mul3A_262 = arith.constant 2 : i32
      %mul3A_263 = arith.muli %add3A_192, %mul3A_262 : i32
      %add3A_264 = arith.constant 0 : i32
      %add3A_265 = arith.addi %mul3A_263, %add3A_264 : i32
      %add3A_266 = arith.constant 0 : i32
      %add3A_267 = arith.addi %mul3A_196, %add3A_266 : i32
      %dma_wait3A_268 = arith.constant 1 : i32
      %dma_wait3A_269 = arith.constant 0 : i32
      %dma_wait3A_270 = arith.constant 0 : i32
      %dma_wait3A_271 = arith.constant 0 : i32
      %dma_wait3A_272 = tpu.memref_slice %arg9[%dma_wait3A_268, %dma_wait3A_269, %dma_wait3A_270, %dma_wait3A_271] : memref<2x2x64x128xf32, #tpu.memory_space<vmem>> -> memref<1x1x64x128xf32, #tpu.memory_space<vmem>>
      %dma_wait3A_273 = tpu.memref_squeeze %dma_wait3A_272 : memref<1x1x64x128xf32, #tpu.memory_space<vmem>> -> memref<64x128xf32, #tpu.memory_space<vmem>>
      %dma_wait3A_274 = arith.constant 0 : i32
      %dma_wait3A_275 = tpu.memref_slice %arg8[%add3A_267, %dma_wait3A_274] : memref<8x64xi32, #tpu.memory_space<vmem>> -> memref<1x64xi32, #tpu.memory_space<vmem>>
      %dma_wait3A_276 = tpu.memref_squeeze %dma_wait3A_275 : memref<1x64xi32, #tpu.memory_space<vmem>> -> memref<64xi32, #tpu.memory_space<vmem>>
      %dma_wait3A_277 = arith.constant 0 : i32
      %dma_wait3A_278 = arith.constant 0 : i32
      %dma_wait3A_279 = tpu.memref_slice %arg10[%dma_wait3A_277, %dma_wait3A_278] : memref<10240x128xf32, #tpu.memory_space<vmem_shared>> -> memref<10240x128xf32, #tpu.memory_space<vmem_shared>>
      tpu.wait_indirect_dma semaphore(%arg13 : memref<!tpu.dma_semaphore, #tpu.memory_space<semaphore_mem>>) src(%dma_wait3A_273 : memref<64x128xf32, #tpu.memory_space<vmem>>) dst(%dma_wait3A_279 : memref<10240x128xf32, #tpu.memory_space<vmem_shared>>)
      %add3A_280 = arith.constant 2 : i32
      %add3A_281 = arith.addi %add3A_192, %add3A_280 : i32
      %lt3A_282 = arith.constant 80 : i32
      %lt3A_283 = arith.cmpi slt, %add3A_281, %lt3A_282 : i32
      %convert_element_type3A_284 = arith.extui %lt3A_283 : i1 to i32
      %cond3A_285 = arith.constant 0 : i32
      %cond3A_286 = arith.cmpi ne, %convert_element_type3A_284, %cond3A_285 : i32
      scf.if %cond3A_286 {
        %add3A_319 = arith.constant 2 : i32
        %add3A_320 = arith.addi %add3A_192, %add3A_319 : i32
        %mul3A_321 = arith.constant 2 : i32
        %mul3A_322 = arith.muli %add3A_320, %mul3A_321 : i32
        %add3A_323 = arith.constant 0 : i32
        %add3A_324 = arith.addi %mul3A_322, %add3A_323 : i32
        %mul3A_325 = arith.constant 64 : i32
        %mul3A_326 = arith.muli %add3A_324, %mul3A_325 : i32
        %dma_start3A_327 = arith.constant 1 : i32
        %dma_start3A_328 = arith.constant 0 : i32
        %dma_start3A_329 = arith.constant 0 : i32
        %dma_start3A_330 = arith.constant 0 : i32
        %dma_start3A_331 = tpu.memref_slice %arg9[%dma_start3A_327, %dma_start3A_328, %dma_start3A_329, %dma_start3A_330] : memref<2x2x64x128xf32, #tpu.memory_space<vmem>> -> memref<1x1x64x128xf32, #tpu.memory_space<vmem>>
        %dma_start3A_332 = tpu.memref_squeeze %dma_start3A_331 : memref<1x1x64x128xf32, #tpu.memory_space<vmem>> -> memref<64x128xf32, #tpu.memory_space<vmem>>
        %dma_start3A_333 = tpu.memref_slice %arg7[%mul3A_326] : memref<10240xi32, #tpu.memory_space<vmem>> -> memref<64xi32, #tpu.memory_space<vmem>>
        %dma_start3A_334 = arith.constant 0 : i32
        %dma_start3A_335 = arith.constant 0 : i32
        %dma_start3A_336 = tpu.memref_slice %arg2[%dma_start3A_334, %dma_start3A_335] : memref<10000x128xf32, #tpu.memory_space<hbm>> -> memref<10000x128xf32, #tpu.memory_space<hbm>>
        tpu.enqueue_indirect_dma source(%dma_start3A_336 : memref<10000x128xf32, #tpu.memory_space<hbm>>) target(%dma_start3A_332 : memref<64x128xf32, #tpu.memory_space<vmem>>) offsets(%dma_start3A_333 : memref<64xi32, #tpu.memory_space<vmem>>) semaphore(%arg12 : memref<!tpu.dma_semaphore, #tpu.memory_space<semaphore_mem>>)
      } else {
      }
      %mul3A_287 = arith.constant 2 : i32
      %mul3A_288 = arith.muli %add3A_192, %mul3A_287 : i32
      %add3A_289 = arith.constant 1 : i32
      %add3A_290 = arith.addi %mul3A_288, %add3A_289 : i32
      %add3A_291 = arith.constant 1 : i32
      %add3A_292 = arith.addi %mul3A_196, %add3A_291 : i32
      %dma_wait3A_293 = arith.constant 1 : i32
      %dma_wait3A_294 = arith.constant 1 : i32
      %dma_wait3A_295 = arith.constant 0 : i32
      %dma_wait3A_296 = arith.constant 0 : i32
      %dma_wait3A_297 = tpu.memref_slice %arg9[%dma_wait3A_293, %dma_wait3A_294, %dma_wait3A_295, %dma_wait3A_296] : memref<2x2x64x128xf32, #tpu.memory_space<vmem>> -> memref<1x1x64x128xf32, #tpu.memory_space<vmem>>
      %dma_wait3A_298 = tpu.memref_squeeze %dma_wait3A_297 : memref<1x1x64x128xf32, #tpu.memory_space<vmem>> -> memref<64x128xf32, #tpu.memory_space<vmem>>
      %dma_wait3A_299 = arith.constant 0 : i32
      %dma_wait3A_300 = tpu.memref_slice %arg8[%add3A_292, %dma_wait3A_299] : memref<8x64xi32, #tpu.memory_space<vmem>> -> memref<1x64xi32, #tpu.memory_space<vmem>>
      %dma_wait3A_301 = tpu.memref_squeeze %dma_wait3A_300 : memref<1x64xi32, #tpu.memory_space<vmem>> -> memref<64xi32, #tpu.memory_space<vmem>>
      %dma_wait3A_302 = arith.constant 0 : i32
      %dma_wait3A_303 = arith.constant 0 : i32
      %dma_wait3A_304 = tpu.memref_slice %arg10[%dma_wait3A_302, %dma_wait3A_303] : memref<10240x128xf32, #tpu.memory_space<vmem_shared>> -> memref<10240x128xf32, #tpu.memory_space<vmem_shared>>
      tpu.wait_indirect_dma semaphore(%arg13 : memref<!tpu.dma_semaphore, #tpu.memory_space<semaphore_mem>>) src(%dma_wait3A_298 : memref<64x128xf32, #tpu.memory_space<vmem>>) dst(%dma_wait3A_304 : memref<10240x128xf32, #tpu.memory_space<vmem_shared>>)
      %add3A_305 = arith.constant 2 : i32
      %add3A_306 = arith.addi %add3A_192, %add3A_305 : i32
      %lt3A_307 = arith.constant 80 : i32
      %lt3A_308 = arith.cmpi slt, %add3A_306, %lt3A_307 : i32
      %convert_element_type3A_309 = arith.extui %lt3A_308 : i1 to i32
      %cond3A_310 = arith.constant 0 : i32
      %cond3A_311 = arith.cmpi ne, %convert_element_type3A_309, %cond3A_310 : i32
      scf.if %cond3A_311 {
        %add3A_319 = arith.constant 2 : i32
        %add3A_320 = arith.addi %add3A_192, %add3A_319 : i32
        %mul3A_321 = arith.constant 2 : i32
        %mul3A_322 = arith.muli %add3A_320, %mul3A_321 : i32
        %add3A_323 = arith.constant 1 : i32
        %add3A_324 = arith.addi %mul3A_322, %add3A_323 : i32
        %mul3A_325 = arith.constant 64 : i32
        %mul3A_326 = arith.muli %add3A_324, %mul3A_325 : i32
        %dma_start3A_327 = arith.constant 1 : i32
        %dma_start3A_328 = arith.constant 1 : i32
        %dma_start3A_329 = arith.constant 0 : i32
        %dma_start3A_330 = arith.constant 0 : i32
        %dma_start3A_331 = tpu.memref_slice %arg9[%dma_start3A_327, %dma_start3A_328, %dma_start3A_329, %dma_start3A_330] : memref<2x2x64x128xf32, #tpu.memory_space<vmem>> -> memref<1x1x64x128xf32, #tpu.memory_space<vmem>>
        %dma_start3A_332 = tpu.memref_squeeze %dma_start3A_331 : memref<1x1x64x128xf32, #tpu.memory_space<vmem>> -> memref<64x128xf32, #tpu.memory_space<vmem>>
        %dma_start3A_333 = tpu.memref_slice %arg7[%mul3A_326] : memref<10240xi32, #tpu.memory_space<vmem>> -> memref<64xi32, #tpu.memory_space<vmem>>
        %dma_start3A_334 = arith.constant 0 : i32
        %dma_start3A_335 = arith.constant 0 : i32
        %dma_start3A_336 = tpu.memref_slice %arg2[%dma_start3A_334, %dma_start3A_335] : memref<10000x128xf32, #tpu.memory_space<hbm>> -> memref<10000x128xf32, #tpu.memory_space<hbm>>
        tpu.enqueue_indirect_dma source(%dma_start3A_336 : memref<10000x128xf32, #tpu.memory_space<hbm>>) target(%dma_start3A_332 : memref<64x128xf32, #tpu.memory_space<vmem>>) offsets(%dma_start3A_333 : memref<64xi32, #tpu.memory_space<vmem>>) semaphore(%arg12 : memref<!tpu.dma_semaphore, #tpu.memory_space<semaphore_mem>>)
      } else {
      }
      %add3A_312 = arith.constant 4 : i32
      %add3A_313 = arith.addi %add3A_192, %add3A_312 : i32
      %lt3A_314 = arith.constant 80 : i32
      %lt3A_315 = arith.cmpi slt, %add3A_313, %lt3A_314 : i32
      %convert_element_type3A_316 = arith.extui %lt3A_315 : i1 to i32
      %cond3A_317 = arith.constant 0 : i32
      %cond3A_318 = arith.cmpi ne, %convert_element_type3A_316, %cond3A_317 : i32
      scf.if %cond3A_318 {
        %add3A_319 = arith.constant 4 : i32
        %add3A_320 = arith.addi %add3A_192, %add3A_319 : i32
        %mul3A_321 = arith.constant 2 : i32
        %mul3A_322 = arith.muli %add3A_320, %mul3A_321 : i32
        %dma_start3A_323 = arith.constant 0 : i32
        %dma_start3A_324 = tpu.memref_slice %arg8[%mul3A_196, %dma_start3A_323] : memref<8x64xi32, #tpu.memory_space<vmem>> -> memref<2x64xi32, #tpu.memory_space<vmem>>
        %dma_start3A_325 = arith.constant 0 : i32
        %dma_start3A_326 = tpu.memref_slice %arg4[%add3A, %mul3A_322, %dma_start3A_325] : memref<32x160x64xi32, #tpu.memory_space<hbm>> -> memref<1x2x64xi32, #tpu.memory_space<hbm>>
        %dma_start3A_327 = tpu.memref_squeeze %dma_start3A_326 : memref<1x2x64xi32, #tpu.memory_space<hbm>> -> memref<2x64xi32, #tpu.memory_space<hbm>>
        %dma_start3A_328 = arith.constant 0 : i32
        %dma_start3A_329 = tpu.memref_slice %arg8[%mul3A_196, %dma_start3A_328] : memref<8x64xi32, #tpu.memory_space<vmem>> -> memref<2x64xi32, #tpu.memory_space<vmem>>
        %dma_start3A_330 = arith.constant 0 : i32
        %dma_start3A_331 = tpu.memref_slice %arg4[%add3A, %mul3A_322, %dma_start3A_330] : memref<32x160x64xi32, #tpu.memory_space<hbm>> -> memref<1x2x64xi32, #tpu.memory_space<hbm>>
        %dma_start3A_332 = tpu.memref_squeeze %dma_start3A_331 : memref<1x2x64xi32, #tpu.memory_space<hbm>> -> memref<2x64xi32, #tpu.memory_space<hbm>>
        tpu.enqueue_dma source(%dma_start3A_332 : memref<2x64xi32, #tpu.memory_space<hbm>>) target(%dma_start3A_329 : memref<2x64xi32, #tpu.memory_space<vmem>>) target_semaphore(%arg14 : memref<!tpu.dma_semaphore, #tpu.memory_space<semaphore_mem>>)
      } else {
      }
    }
    %scan3A_57 = arith.constant 40 : i32
    %barrier3A_58 = arith.constant 0 : index
    tpu.barrier barrier_id(%barrier3A_58)
    %mul3A_59 = arith.constant 10240 : i32
    %mul3A_60 = arith.muli %arg0, %mul3A_59 : i32
    %add3A_61 = arith.addi %mul3A_60, %mul3A_2 : i32
    "tpu.region"() ({
      %run_scoped3A = tpu.sem_alloc : memref<!tpu.dma_semaphore, #tpu.memory_space<semaphore_mem>>
      %dma_start3A_62 = arith.constant 0 : i32
      %dma_start3A_63 = tpu.memref_slice %arg6[%add3A_61, %dma_start3A_62] : memref<20480x128xf32, #tpu.memory_space<hbm>> -> memref<640x128xf32, #tpu.memory_space<hbm>>
      %dma_start3A_64 = arith.constant 0 : i32
      %dma_start3A_65 = tpu.memref_slice %arg10[%mul3A_2, %dma_start3A_64] : memref<10240x128xf32, #tpu.memory_space<vmem_shared>> -> memref<640x128xf32, #tpu.memory_space<vmem_shared>>
      tpu.enqueue_dma source(%dma_start3A_65 : memref<640x128xf32, #tpu.memory_space<vmem_shared>>) target(%dma_start3A_63 : memref<640x128xf32, #tpu.memory_space<hbm>>) target_semaphore(%run_scoped3A : memref<!tpu.dma_semaphore, #tpu.memory_space<semaphore_mem>>)
      %dma_wait3A = arith.constant 0 : i32
      %dma_wait3A_66 = tpu.memref_slice %arg6[%add3A_61, %dma_wait3A] : memref<20480x128xf32, #tpu.memory_space<hbm>> -> memref<640x128xf32, #tpu.memory_space<hbm>>
      %dma_wait3A_67 = arith.constant 0 : i32
      %dma_wait3A_68 = tpu.memref_slice %arg10[%mul3A_2, %dma_wait3A_67] : memref<10240x128xf32, #tpu.memory_space<vmem_shared>> -> memref<640x128xf32, #tpu.memory_space<vmem_shared>>
      tpu.wait_dma2 semaphore(%run_scoped3A : memref<!tpu.dma_semaphore, #tpu.memory_space<semaphore_mem>>) src(%dma_wait3A_68 : memref<640x128xf32, #tpu.memory_space<vmem_shared>>) dst(%dma_wait3A_66 : memref<640x128xf32, #tpu.memory_space<hbm>>)
      tpu.yield
    }) : () -> ()
    return
  }
}

#map = affine_map<(d0, d1) -> (0, 0)>
#map1 = affine_map<(d0, d1) -> (0, 0, 0)>
module attributes {stable_mosaic.version = 14 : i64} {
  func.func @_agg_kernel(%arg0: i32, %arg1: i32, %arg2: memref<10000x128xf32, #tpu.memory_space<hbm>>, %arg3: memref<32x10240xi32, #tpu.memory_space<hbm>>, %arg4: memref<32x160x64xi32, #tpu.memory_space<hbm>>, %arg5: memref<10240x128xf32, #tpu.memory_space<hbm>>, %arg6: memref<20480x128xf32, #tpu.memory_space<hbm>>, %arg7: memref<10240xi32, #tpu.memory_space<vmem>>, %arg8: memref<8x64xi32, #tpu.memory_space<vmem>>, %arg9: memref<2x2x64x128xf32, #tpu.memory_space<vmem>>, %arg10: memref<10240x128xf32, #tpu.memory_space<vmem_shared>>, %arg11: memref<!tpu.dma_semaphore, #tpu.memory_space<semaphore_mem>>, %arg12: memref<!tpu.dma_semaphore, #tpu.memory_space<semaphore_mem>>, %arg13: memref<!tpu.dma_semaphore, #tpu.memory_space<semaphore_mem>>, %arg14: memref<!tpu.dma_semaphore, #tpu.memory_space<semaphore_mem>>) attributes {dimension_semantics = [#tpu.dimension_semantics<core_parallel>, #tpu.dimension_semantics<subcore_parallel>], iteration_bounds = array<i64: 2, 16>, scalar_prefetch = 0 : i64, scratch_operands = 8 : i64, tpu.core_type = #tpu.core_type<sc_vector_subcore>, window_params = [{transform_indices = #map}, {transform_indices = #map}, {transform_indices = #map1}, {transform_indices = #map}, {transform_indices = #map}]} {
    %mul3A = arith.constant 2 : i32
    %mul3A_0 = arith.muli %arg1, %mul3A : i32
    %add3A = arith.addi %mul3A_0, %arg0 : i32
    %mul3A_1 = arith.constant 640 : i32
    %mul3A_2 = arith.muli %mul3A_1, %arg1 : i32
    "tpu.region"() ({
      %run_scoped3A = tpu.sem_alloc : memref<!tpu.dma_semaphore, #tpu.memory_space<semaphore_mem>>
      %dma_start3A_62 = arith.constant 0 : i32
      %dma_start3A_63 = tpu.memref_slice %arg3[%add3A, %dma_start3A_62] : memref<32x10240xi32, #tpu.memory_space<hbm>> -> memref<1x10240xi32, #tpu.memory_space<hbm>>
      %dma_start3A_64 = tpu.memref_squeeze %dma_start3A_63 : memref<1x10240xi32, #tpu.memory_space<hbm>> -> memref<10240xi32, #tpu.memory_space<hbm>>
      %dma_start3A_65 = arith.constant 0 : i32
      %dma_start3A_66 = tpu.memref_slice %arg3[%add3A, %dma_start3A_65] : memref<32x10240xi32, #tpu.memory_space<hbm>> -> memref<1x10240xi32, #tpu.memory_space<hbm>>
      %dma_start3A_67 = tpu.memref_squeeze %dma_start3A_66 : memref<1x10240xi32, #tpu.memory_space<hbm>> -> memref<10240xi32, #tpu.memory_space<hbm>>
      tpu.enqueue_dma source(%dma_start3A_67 : memref<10240xi32, #tpu.memory_space<hbm>>) target(%arg7 : memref<10240xi32, #tpu.memory_space<vmem>>) target_semaphore(%run_scoped3A : memref<!tpu.dma_semaphore, #tpu.memory_space<semaphore_mem>>)
      %dma_wait3A = arith.constant 0 : i32
      %dma_wait3A_68 = tpu.memref_slice %arg3[%add3A, %dma_wait3A] : memref<32x10240xi32, #tpu.memory_space<hbm>> -> memref<1x10240xi32, #tpu.memory_space<hbm>>
      %dma_wait3A_69 = tpu.memref_squeeze %dma_wait3A_68 : memref<1x10240xi32, #tpu.memory_space<hbm>> -> memref<10240xi32, #tpu.memory_space<hbm>>
      %dma_wait3A_70 = arith.constant 0 : i32
      %dma_wait3A_71 = tpu.memref_slice %arg3[%add3A, %dma_wait3A_70] : memref<32x10240xi32, #tpu.memory_space<hbm>> -> memref<1x10240xi32, #tpu.memory_space<hbm>>
      %dma_wait3A_72 = tpu.memref_squeeze %dma_wait3A_71 : memref<1x10240xi32, #tpu.memory_space<hbm>> -> memref<10240xi32, #tpu.memory_space<hbm>>
      tpu.wait_dma2 semaphore(%run_scoped3A : memref<!tpu.dma_semaphore, #tpu.memory_space<semaphore_mem>>) src(%dma_wait3A_72 : memref<10240xi32, #tpu.memory_space<hbm>>) dst(%arg7 : memref<10240xi32, #tpu.memory_space<vmem>>)
      tpu.yield
    }) : () -> ()
    "tpu.region"() ({
      %run_scoped3A = tpu.sem_alloc : memref<!tpu.dma_semaphore, #tpu.memory_space<semaphore_mem>>
      %dma_start3A_62 = arith.constant 0 : i32
      %dma_start3A_63 = arith.constant 0 : i32
      %dma_start3A_64 = tpu.memref_slice %arg4[%add3A, %dma_start3A_62, %dma_start3A_63] : memref<32x160x64xi32, #tpu.memory_space<hbm>> -> memref<1x8x64xi32, #tpu.memory_space<hbm>>
      %dma_start3A_65 = tpu.memref_squeeze %dma_start3A_64 : memref<1x8x64xi32, #tpu.memory_space<hbm>> -> memref<8x64xi32, #tpu.memory_space<hbm>>
      %dma_start3A_66 = arith.constant 0 : i32
      %dma_start3A_67 = arith.constant 0 : i32
      %dma_start3A_68 = tpu.memref_slice %arg4[%add3A, %dma_start3A_66, %dma_start3A_67] : memref<32x160x64xi32, #tpu.memory_space<hbm>> -> memref<1x8x64xi32, #tpu.memory_space<hbm>>
      %dma_start3A_69 = tpu.memref_squeeze %dma_start3A_68 : memref<1x8x64xi32, #tpu.memory_space<hbm>> -> memref<8x64xi32, #tpu.memory_space<hbm>>
      tpu.enqueue_dma source(%dma_start3A_69 : memref<8x64xi32, #tpu.memory_space<hbm>>) target(%arg8 : memref<8x64xi32, #tpu.memory_space<vmem>>) target_semaphore(%run_scoped3A : memref<!tpu.dma_semaphore, #tpu.memory_space<semaphore_mem>>)
      %dma_wait3A = arith.constant 0 : i32
      %dma_wait3A_70 = arith.constant 0 : i32
      %dma_wait3A_71 = tpu.memref_slice %arg4[%add3A, %dma_wait3A, %dma_wait3A_70] : memref<32x160x64xi32, #tpu.memory_space<hbm>> -> memref<1x8x64xi32, #tpu.memory_space<hbm>>
      %dma_wait3A_72 = tpu.memref_squeeze %dma_wait3A_71 : memref<1x8x64xi32, #tpu.memory_space<hbm>> -> memref<8x64xi32, #tpu.memory_space<hbm>>
      %dma_wait3A_73 = arith.constant 0 : i32
      %dma_wait3A_74 = arith.constant 0 : i32
      %dma_wait3A_75 = tpu.memref_slice %arg4[%add3A, %dma_wait3A_73, %dma_wait3A_74] : memref<32x160x64xi32, #tpu.memory_space<hbm>> -> memref<1x8x64xi32, #tpu.memory_space<hbm>>
      %dma_wait3A_76 = tpu.memref_squeeze %dma_wait3A_75 : memref<1x8x64xi32, #tpu.memory_space<hbm>> -> memref<8x64xi32, #tpu.memory_space<hbm>>
      tpu.wait_dma2 semaphore(%run_scoped3A : memref<!tpu.dma_semaphore, #tpu.memory_space<semaphore_mem>>) src(%dma_wait3A_76 : memref<8x64xi32, #tpu.memory_space<hbm>>) dst(%arg8 : memref<8x64xi32, #tpu.memory_space<vmem>>)
      tpu.yield
    }) : () -> ()
    %eq3A = arith.constant 0 : i32
    %eq3A_3 = arith.cmpi eq, %arg0, %eq3A : i32
    %convert_element_type3A = arith.extui %eq3A_3 : i1 to i32
    %cond3A = arith.constant 0 : i32
    %cond3A_4 = arith.cmpi ne, %convert_element_type3A, %cond3A : i32
    scf.if %cond3A_4 {
      %eq3A_62 = arith.constant 15 : i32
      %eq3A_63 = arith.cmpi eq, %arg1, %eq3A_62 : i32
      %convert_element_type3A_64 = arith.extui %eq3A_63 : i1 to i32
      %cond3A_65 = arith.constant 0 : i32
      %cond3A_66 = arith.cmpi ne, %convert_element_type3A_64, %cond3A_65 : i32
      scf.if %cond3A_66 {
        %sub3A = arith.constant 10000 : i32
        %sub3A_71 = arith.subi %sub3A, %mul3A_2 : i32
        %sub3A_72 = arith.constant 10000 : i32
        %sub3A_73 = arith.subi %sub3A_72, %mul3A_2 : i32
        "tpu.region"() ({
          %run_scoped3A = tpu.sem_alloc : memref<!tpu.dma_semaphore, #tpu.memory_space<semaphore_mem>>
          %dma_start3A_74 = arith.constant 0 : i32
          %dma_start3A_75 = tpu.memref_slice %arg10[%mul3A_2, %dma_start3A_74] <%sub3A_73> : memref<10240x128xf32, #tpu.memory_space<vmem_shared>> -> memref<?x128xf32, #tpu.memory_space<vmem_shared>>
          %dma_start3A_76 = arith.constant 0 : i32
          %dma_start3A_77 = tpu.memref_slice %arg2[%mul3A_2, %dma_start3A_76] <%sub3A_71> : memref<10000x128xf32, #tpu.memory_space<hbm>> -> memref<?x128xf32, #tpu.memory_space<hbm>>
          tpu.enqueue_dma source(%dma_start3A_77 : memref<?x128xf32, #tpu.memory_space<hbm>>) target(%dma_start3A_75 : memref<?x128xf32, #tpu.memory_space<vmem_shared>>) target_semaphore(%run_scoped3A : memref<!tpu.dma_semaphore, #tpu.memory_space<semaphore_mem>>)
          %dma_wait3A = arith.constant 0 : i32
          %dma_wait3A_78 = tpu.memref_slice %arg10[%mul3A_2, %dma_wait3A] <%sub3A_73> : memref<10240x128xf32, #tpu.memory_space<vmem_shared>> -> memref<?x128xf32, #tpu.memory_space<vmem_shared>>
          %dma_wait3A_79 = arith.constant 0 : i32
          %dma_wait3A_80 = tpu.memref_slice %arg2[%mul3A_2, %dma_wait3A_79] <%sub3A_71> : memref<10000x128xf32, #tpu.memory_space<hbm>> -> memref<?x128xf32, #tpu.memory_space<hbm>>
          tpu.wait_dma2 semaphore(%run_scoped3A : memref<!tpu.dma_semaphore, #tpu.memory_space<semaphore_mem>>) src(%dma_wait3A_80 : memref<?x128xf32, #tpu.memory_space<hbm>>) dst(%dma_wait3A_78 : memref<?x128xf32, #tpu.memory_space<vmem_shared>>)
          tpu.yield
        }) : () -> ()
        "tpu.region"() ({
          %run_scoped3A = tpu.sem_alloc : memref<!tpu.dma_semaphore, #tpu.memory_space<semaphore_mem>>
          %dma_start3A_74 = arith.constant 10000 : i32
          %dma_start3A_75 = arith.constant 0 : i32
          %dma_start3A_76 = tpu.memref_slice %arg10[%dma_start3A_74, %dma_start3A_75] : memref<10240x128xf32, #tpu.memory_space<vmem_shared>> -> memref<240x128xf32, #tpu.memory_space<vmem_shared>>
          %dma_start3A_77 = arith.constant 0 : i32
          %dma_start3A_78 = arith.constant 0 : i32
          %dma_start3A_79 = tpu.memref_slice %arg5[%dma_start3A_77, %dma_start3A_78] : memref<10240x128xf32, #tpu.memory_space<hbm>> -> memref<240x128xf32, #tpu.memory_space<hbm>>
          tpu.enqueue_dma source(%dma_start3A_79 : memref<240x128xf32, #tpu.memory_space<hbm>>) target(%dma_start3A_76 : memref<240x128xf32, #tpu.memory_space<vmem_shared>>) target_semaphore(%run_scoped3A : memref<!tpu.dma_semaphore, #tpu.memory_space<semaphore_mem>>)
          %dma_wait3A = arith.constant 10000 : i32
          %dma_wait3A_80 = arith.constant 0 : i32
          %dma_wait3A_81 = tpu.memref_slice %arg10[%dma_wait3A, %dma_wait3A_80] : memref<10240x128xf32, #tpu.memory_space<vmem_shared>> -> memref<240x128xf32, #tpu.memory_space<vmem_shared>>
          %dma_wait3A_82 = arith.constant 0 : i32
          %dma_wait3A_83 = arith.constant 0 : i32
          %dma_wait3A_84 = tpu.memref_slice %arg5[%dma_wait3A_82, %dma_wait3A_83] : memref<10240x128xf32, #tpu.memory_space<hbm>> -> memref<240x128xf32, #tpu.memory_space<hbm>>
          tpu.wait_dma2 semaphore(%run_scoped3A : memref<!tpu.dma_semaphore, #tpu.memory_space<semaphore_mem>>) src(%dma_wait3A_84 : memref<240x128xf32, #tpu.memory_space<hbm>>) dst(%dma_wait3A_81 : memref<240x128xf32, #tpu.memory_space<vmem_shared>>)
          tpu.yield
        }) : () -> ()
      } else {
      }
      %lt3A = arith.constant 15 : i32
      %lt3A_67 = arith.cmpi slt, %arg1, %lt3A : i32
      %convert_element_type3A_68 = arith.extui %lt3A_67 : i1 to i32
      %cond3A_69 = arith.constant 0 : i32
      %cond3A_70 = arith.cmpi ne, %convert_element_type3A_68, %cond3A_69 : i32
      scf.if %cond3A_70 {
        "tpu.region"() ({
          %run_scoped3A = tpu.sem_alloc : memref<!tpu.dma_semaphore, #tpu.memory_space<semaphore_mem>>
          %dma_start3A_71 = arith.constant 0 : i32
          %dma_start3A_72 = tpu.memref_slice %arg10[%mul3A_2, %dma_start3A_71] : memref<10240x128xf32, #tpu.memory_space<vmem_shared>> -> memref<640x128xf32, #tpu.memory_space<vmem_shared>>
          %dma_start3A_73 = arith.constant 0 : i32
          %dma_start3A_74 = tpu.memref_slice %arg2[%mul3A_2, %dma_start3A_73] : memref<10000x128xf32, #tpu.memory_space<hbm>> -> memref<640x128xf32, #tpu.memory_space<hbm>>
          tpu.enqueue_dma source(%dma_start3A_74 : memref<640x128xf32, #tpu.memory_space<hbm>>) target(%dma_start3A_72 : memref<640x128xf32, #tpu.memory_space<vmem_shared>>) target_semaphore(%run_scoped3A : memref<!tpu.dma_semaphore, #tpu.memory_space<semaphore_mem>>)
          %dma_wait3A = arith.constant 0 : i32
          %dma_wait3A_75 = tpu.memref_slice %arg10[%mul3A_2, %dma_wait3A] : memref<10240x128xf32, #tpu.memory_space<vmem_shared>> -> memref<640x128xf32, #tpu.memory_space<vmem_shared>>
          %dma_wait3A_76 = arith.constant 0 : i32
          %dma_wait3A_77 = tpu.memref_slice %arg2[%mul3A_2, %dma_wait3A_76] : memref<10000x128xf32, #tpu.memory_space<hbm>> -> memref<640x128xf32, #tpu.memory_space<hbm>>
          tpu.wait_dma2 semaphore(%run_scoped3A : memref<!tpu.dma_semaphore, #tpu.memory_space<semaphore_mem>>) src(%dma_wait3A_77 : memref<640x128xf32, #tpu.memory_space<hbm>>) dst(%dma_wait3A_75 : memref<640x128xf32, #tpu.memory_space<vmem_shared>>)
          tpu.yield
        }) : () -> ()
      } else {
      }
    } else {
    }
    %eq3A_5 = arith.constant 1 : i32
    %eq3A_6 = arith.cmpi eq, %arg0, %eq3A_5 : i32
    %convert_element_type3A_7 = arith.extui %eq3A_6 : i1 to i32
    %cond3A_8 = arith.constant 0 : i32
    %cond3A_9 = arith.cmpi ne, %convert_element_type3A_7, %cond3A_8 : i32
    scf.if %cond3A_9 {
      "tpu.region"() ({
        %run_scoped3A = tpu.sem_alloc : memref<!tpu.dma_semaphore, #tpu.memory_space<semaphore_mem>>
        %dma_start3A_62 = arith.constant 0 : i32
        %dma_start3A_63 = tpu.memref_slice %arg10[%mul3A_2, %dma_start3A_62] : memref<10240x128xf32, #tpu.memory_space<vmem_shared>> -> memref<640x128xf32, #tpu.memory_space<vmem_shared>>
        %dma_start3A_64 = arith.constant 0 : i32
        %dma_start3A_65 = tpu.memref_slice %arg5[%mul3A_2, %dma_start3A_64] : memref<10240x128xf32, #tpu.memory_space<hbm>> -> memref<640x128xf32, #tpu.memory_space<hbm>>
        tpu.enqueue_dma source(%dma_start3A_65 : memref<640x128xf32, #tpu.memory_space<hbm>>) target(%dma_start3A_63 : memref<640x128xf32, #tpu.memory_space<vmem_shared>>) target_semaphore(%run_scoped3A : memref<!tpu.dma_semaphore, #tpu.memory_space<semaphore_mem>>)
        %dma_wait3A = arith.constant 0 : i32
        %dma_wait3A_66 = tpu.memref_slice %arg10[%mul3A_2, %dma_wait3A] : memref<10240x128xf32, #tpu.memory_space<vmem_shared>> -> memref<640x128xf32, #tpu.memory_space<vmem_shared>>
        %dma_wait3A_67 = arith.constant 0 : i32
        %dma_wait3A_68 = tpu.memref_slice %arg5[%mul3A_2, %dma_wait3A_67] : memref<10240x128xf32, #tpu.memory_space<hbm>> -> memref<640x128xf32, #tpu.memory_space<hbm>>
        tpu.wait_dma2 semaphore(%run_scoped3A : memref<!tpu.dma_semaphore, #tpu.memory_space<semaphore_mem>>) src(%dma_wait3A_68 : memref<640x128xf32, #tpu.memory_space<hbm>>) dst(%dma_wait3A_66 : memref<640x128xf32, #tpu.memory_space<vmem_shared>>)
        tpu.yield
      }) : () -> ()
    } else {
    }
    %barrier3A = arith.constant 0 : index
    tpu.barrier barrier_id(%barrier3A)
    %dma_start3A = arith.constant 0 : i32
    %dma_start3A_10 = arith.constant 0 : i32
    %dma_start3A_11 = arith.constant 0 : i32
    %dma_start3A_12 = arith.constant 0 : i32
    %dma_start3A_13 = tpu.memref_slice %arg9[%dma_start3A, %dma_start3A_10, %dma_start3A_11, %dma_start3A_12] : memref<2x2x64x128xf32, #tpu.memory_space<vmem>> -> memref<1x1x64x128xf32, #tpu.memory_space<vmem>>
    %dma_start3A_14 = tpu.memref_squeeze %dma_start3A_13 : memref<1x1x64x128xf32, #tpu.memory_space<vmem>> -> memref<64x128xf32, #tpu.memory_space<vmem>>
    %dma_start3A_15 = arith.constant 0 : i32
    %dma_start3A_16 = tpu.memref_slice %arg7[%dma_start3A_15] : memref<10240xi32, #tpu.memory_space<vmem>> -> memref<64xi32, #tpu.memory_space<vmem>>
    %dma_start3A_17 = arith.constant 0 : i32
    %dma_start3A_18 = arith.constant 0 : i32
    %dma_start3A_19 = tpu.memref_slice %arg2[%dma_start3A_17, %dma_start3A_18] : memref<10000x128xf32, #tpu.memory_space<hbm>> -> memref<10000x128xf32, #tpu.memory_space<hbm>>
    tpu.enqueue_indirect_dma source(%dma_start3A_19 : memref<10000x128xf32, #tpu.memory_space<hbm>>) target(%dma_start3A_14 : memref<64x128xf32, #tpu.memory_space<vmem>>) offsets(%dma_start3A_16 : memref<64xi32, #tpu.memory_space<vmem>>) semaphore(%arg11 : memref<!tpu.dma_semaphore, #tpu.memory_space<semaphore_mem>>)
    %dma_start3A_20 = arith.constant 0 : i32
    %dma_start3A_21 = arith.constant 1 : i32
    %dma_start3A_22 = arith.constant 0 : i32
    %dma_start3A_23 = arith.constant 0 : i32
    %dma_start3A_24 = tpu.memref_slice %arg9[%dma_start3A_20, %dma_start3A_21, %dma_start3A_22, %dma_start3A_23] : memref<2x2x64x128xf32, #tpu.memory_space<vmem>> -> memref<1x1x64x128xf32, #tpu.memory_space<vmem>>
    %dma_start3A_25 = tpu.memref_squeeze %dma_start3A_24 : memref<1x1x64x128xf32, #tpu.memory_space<vmem>> -> memref<64x128xf32, #tpu.memory_space<vmem>>
    %dma_start3A_26 = arith.constant 64 : i32
    %dma_start3A_27 = tpu.memref_slice %arg7[%dma_start3A_26] : memref<10240xi32, #tpu.memory_space<vmem>> -> memref<64xi32, #tpu.memory_space<vmem>>
    %dma_start3A_28 = arith.constant 0 : i32
    %dma_start3A_29 = arith.constant 0 : i32
    %dma_start3A_30 = tpu.memref_slice %arg2[%dma_start3A_28, %dma_start3A_29] : memref<10000x128xf32, #tpu.memory_space<hbm>> -> memref<10000x128xf32, #tpu.memory_space<hbm>>
    tpu.enqueue_indirect_dma source(%dma_start3A_30 : memref<10000x128xf32, #tpu.memory_space<hbm>>) target(%dma_start3A_25 : memref<64x128xf32, #tpu.memory_space<vmem>>) offsets(%dma_start3A_27 : memref<64xi32, #tpu.memory_space<vmem>>) semaphore(%arg11 : memref<!tpu.dma_semaphore, #tpu.memory_space<semaphore_mem>>)
    %dma_start3A_31 = arith.constant 1 : i32
    %dma_start3A_32 = arith.constant 0 : i32
    %dma_start3A_33 = arith.constant 0 : i32
    %dma_start3A_34 = arith.constant 0 : i32
    %dma_start3A_35 = tpu.memref_slice %arg9[%dma_start3A_31, %dma_start3A_32, %dma_start3A_33, %dma_start3A_34] : memref<2x2x64x128xf32, #tpu.memory_space<vmem>> -> memref<1x1x64x128xf32, #tpu.memory_space<vmem>>
    %dma_start3A_36 = tpu.memref_squeeze %dma_start3A_35 : memref<1x1x64x128xf32, #tpu.memory_space<vmem>> -> memref<64x128xf32, #tpu.memory_space<vmem>>
    %dma_start3A_37 = arith.constant 128 : i32
    %dma_start3A_38 = tpu.memref_slice %arg7[%dma_start3A_37] : memref<10240xi32, #tpu.memory_space<vmem>> -> memref<64xi32, #tpu.memory_space<vmem>>
    %dma_start3A_39 = arith.constant 0 : i32
    %dma_start3A_40 = arith.constant 0 : i32
    %dma_start3A_41 = tpu.memref_slice %arg2[%dma_start3A_39, %dma_start3A_40] : memref<10000x128xf32, #tpu.memory_space<hbm>> -> memref<10000x128xf32, #tpu.memory_space<hbm>>
    tpu.enqueue_indirect_dma source(%dma_start3A_41 : memref<10000x128xf32, #tpu.memory_space<hbm>>) target(%dma_start3A_36 : memref<64x128xf32, #tpu.memory_space<vmem>>) offsets(%dma_start3A_38 : memref<64xi32, #tpu.memory_space<vmem>>) semaphore(%arg12 : memref<!tpu.dma_semaphore, #tpu.memory_space<semaphore_mem>>)
    %dma_start3A_42 = arith.constant 1 : i32
    %dma_start3A_43 = arith.constant 1 : i32
    %dma_start3A_44 = arith.constant 0 : i32
    %dma_start3A_45 = arith.constant 0 : i32
    %dma_start3A_46 = tpu.memref_slice %arg9[%dma_start3A_42, %dma_start3A_43, %dma_start3A_44, %dma_start3A_45] : memref<2x2x64x128xf32, #tpu.memory_space<vmem>> -> memref<1x1x64x128xf32, #tpu.memory_space<vmem>>
    %dma_start3A_47 = tpu.memref_squeeze %dma_start3A_46 : memref<1x1x64x128xf32, #tpu.memory_space<vmem>> -> memref<64x128xf32, #tpu.memory_space<vmem>>
    %dma_start3A_48 = arith.constant 192 : i32
    %dma_start3A_49 = tpu.memref_slice %arg7[%dma_start3A_48] : memref<10240xi32, #tpu.memory_space<vmem>> -> memref<64xi32, #tpu.memory_space<vmem>>
    %dma_start3A_50 = arith.constant 0 : i32
    %dma_start3A_51 = arith.constant 0 : i32
    %dma_start3A_52 = tpu.memref_slice %arg2[%dma_start3A_50, %dma_start3A_51] : memref<10000x128xf32, #tpu.memory_space<hbm>> -> memref<10000x128xf32, #tpu.memory_space<hbm>>
    tpu.enqueue_indirect_dma source(%dma_start3A_52 : memref<10000x128xf32, #tpu.memory_space<hbm>>) target(%dma_start3A_47 : memref<64x128xf32, #tpu.memory_space<vmem>>) offsets(%dma_start3A_49 : memref<64xi32, #tpu.memory_space<vmem>>) semaphore(%arg12 : memref<!tpu.dma_semaphore, #tpu.memory_space<semaphore_mem>>)
    %scan3A = arith.constant 0 : i32
    %scan3A_53 = arith.constant 0 : i32
    %scan3A_54 = arith.constant 40 : i32
    %scan3A_55 = arith.addi %scan3A_53, %scan3A_54 : i32
    %scan3A_56 = arith.constant 1 : i32
    scf.for %scan3A_62 = %scan3A_53 to %scan3A_55 step %scan3A_56  : i32 {
      %mul3A_63 = arith.constant 2 : i32
      %mul3A_64 = arith.muli %mul3A_63, %scan3A_62 : i32
      %add3A_65 = arith.constant 0 : i32
      %add3A_66 = arith.addi %mul3A_64, %add3A_65 : i32
      %rem3A = arith.constant 4 : i32
      %rem3A_67 = arith.remsi %add3A_66, %rem3A : i32
      %mul3A_68 = arith.constant 2 : i32
      %mul3A_69 = arith.muli %rem3A_67, %mul3A_68 : i32
      %ge3A = arith.constant 4 : i32
      %ge3A_70 = arith.cmpi sge, %add3A_66, %ge3A : i32
      %convert_element_type3A_71 = arith.extui %ge3A_70 : i1 to i32
      %cond3A_72 = arith.constant 0 : i32
      %cond3A_73 = arith.cmpi ne, %convert_element_type3A_71, %cond3A_72 : i32
      scf.if %cond3A_73 {
        %mul3A_319 = arith.constant 2 : i32
        %mul3A_320 = arith.muli %add3A_66, %mul3A_319 : i32
        %dma_wait3A_321 = arith.constant 0 : i32
        %dma_wait3A_322 = tpu.memref_slice %arg8[%mul3A_69, %dma_wait3A_321] : memref<8x64xi32, #tpu.memory_space<vmem>> -> memref<2x64xi32, #tpu.memory_space<vmem>>
        %dma_wait3A_323 = arith.constant 0 : i32
        %dma_wait3A_324 = tpu.memref_slice %arg4[%add3A, %mul3A_320, %dma_wait3A_323] : memref<32x160x64xi32, #tpu.memory_space<hbm>> -> memref<1x2x64xi32, #tpu.memory_space<hbm>>
        %dma_wait3A_325 = tpu.memref_squeeze %dma_wait3A_324 : memref<1x2x64xi32, #tpu.memory_space<hbm>> -> memref<2x64xi32, #tpu.memory_space<hbm>>
        %dma_wait3A_326 = arith.constant 0 : i32
        %dma_wait3A_327 = tpu.memref_slice %arg8[%mul3A_69, %dma_wait3A_326] : memref<8x64xi32, #tpu.memory_space<vmem>> -> memref<2x64xi32, #tpu.memory_space<vmem>>
        %dma_wait3A_328 = arith.constant 0 : i32
        %dma_wait3A_329 = tpu.memref_slice %arg4[%add3A, %mul3A_320, %dma_wait3A_328] : memref<32x160x64xi32, #tpu.memory_space<hbm>> -> memref<1x2x64xi32, #tpu.memory_space<hbm>>
        %dma_wait3A_330 = tpu.memref_squeeze %dma_wait3A_329 : memref<1x2x64xi32, #tpu.memory_space<hbm>> -> memref<2x64xi32, #tpu.memory_space<hbm>>
        tpu.wait_dma2 semaphore(%arg14 : memref<!tpu.dma_semaphore, #tpu.memory_space<semaphore_mem>>) src(%dma_wait3A_330 : memref<2x64xi32, #tpu.memory_space<hbm>>) dst(%dma_wait3A_327 : memref<2x64xi32, #tpu.memory_space<vmem>>)
      } else {
      }
      %mul3A_74 = arith.constant 2 : i32
      %mul3A_75 = arith.muli %add3A_66, %mul3A_74 : i32
      %add3A_76 = arith.constant 0 : i32
      %add3A_77 = arith.addi %mul3A_75, %add3A_76 : i32
      %mul3A_78 = arith.constant 64 : i32
      %mul3A_79 = arith.muli %add3A_77, %mul3A_78 : i32
      %dma_wait3A = arith.constant 0 : i32
      %dma_wait3A_80 = arith.constant 0 : i32
      %dma_wait3A_81 = arith.constant 0 : i32
      %dma_wait3A_82 = arith.constant 0 : i32
      %dma_wait3A_83 = tpu.memref_slice %arg9[%dma_wait3A, %dma_wait3A_80, %dma_wait3A_81, %dma_wait3A_82] : memref<2x2x64x128xf32, #tpu.memory_space<vmem>> -> memref<1x1x64x128xf32, #tpu.memory_space<vmem>>
      %dma_wait3A_84 = tpu.memref_squeeze %dma_wait3A_83 : memref<1x1x64x128xf32, #tpu.memory_space<vmem>> -> memref<64x128xf32, #tpu.memory_space<vmem>>
      %dma_wait3A_85 = tpu.memref_slice %arg7[%mul3A_79] : memref<10240xi32, #tpu.memory_space<vmem>> -> memref<64xi32, #tpu.memory_space<vmem>>
      %dma_wait3A_86 = arith.constant 0 : i32
      %dma_wait3A_87 = arith.constant 0 : i32
      %dma_wait3A_88 = tpu.memref_slice %arg2[%dma_wait3A_86, %dma_wait3A_87] : memref<10000x128xf32, #tpu.memory_space<hbm>> -> memref<10000x128xf32, #tpu.memory_space<hbm>>
      tpu.wait_indirect_dma semaphore(%arg11 : memref<!tpu.dma_semaphore, #tpu.memory_space<semaphore_mem>>) src(%dma_wait3A_88 : memref<10000x128xf32, #tpu.memory_space<hbm>>) dst(%dma_wait3A_84 : memref<64x128xf32, #tpu.memory_space<vmem>>)
      %add3A_89 = arith.constant 0 : i32
      %add3A_90 = arith.addi %mul3A_69, %add3A_89 : i32
      %dma_start3A_91 = arith.constant 0 : i32
      %dma_start3A_92 = arith.constant 0 : i32
      %dma_start3A_93 = arith.constant 0 : i32
      %dma_start3A_94 = arith.constant 0 : i32
      %dma_start3A_95 = tpu.memref_slice %arg9[%dma_start3A_91, %dma_start3A_92, %dma_start3A_93, %dma_start3A_94] : memref<2x2x64x128xf32, #tpu.memory_space<vmem>> -> memref<1x1x64x128xf32, #tpu.memory_space<vmem>>
      %dma_start3A_96 = tpu.memref_squeeze %dma_start3A_95 : memref<1x1x64x128xf32, #tpu.memory_space<vmem>> -> memref<64x128xf32, #tpu.memory_space<vmem>>
      %dma_start3A_97 = arith.constant 0 : i32
      %dma_start3A_98 = tpu.memref_slice %arg8[%add3A_90, %dma_start3A_97] : memref<8x64xi32, #tpu.memory_space<vmem>> -> memref<1x64xi32, #tpu.memory_space<vmem>>
      %dma_start3A_99 = tpu.memref_squeeze %dma_start3A_98 : memref<1x64xi32, #tpu.memory_space<vmem>> -> memref<64xi32, #tpu.memory_space<vmem>>
      %dma_start3A_100 = arith.constant 0 : i32
      %dma_start3A_101 = arith.constant 0 : i32
      %dma_start3A_102 = tpu.memref_slice %arg10[%dma_start3A_100, %dma_start3A_101] : memref<10240x128xf32, #tpu.memory_space<vmem_shared>> -> memref<10240x128xf32, #tpu.memory_space<vmem_shared>>
      tpu.enqueue_indirect_dma source(%dma_start3A_96 : memref<64x128xf32, #tpu.memory_space<vmem>>) target(%dma_start3A_102 : memref<10240x128xf32, #tpu.memory_space<vmem_shared>>) offsets(%dma_start3A_99 : memref<64xi32, #tpu.memory_space<vmem>>) semaphore(%arg13 : memref<!tpu.dma_semaphore, #tpu.memory_space<semaphore_mem>>) {add = true}
      %mul3A_103 = arith.constant 2 : i32
      %mul3A_104 = arith.muli %add3A_66, %mul3A_103 : i32
      %add3A_105 = arith.constant 1 : i32
      %add3A_106 = arith.addi %mul3A_104, %add3A_105 : i32
      %mul3A_107 = arith.constant 64 : i32
      %mul3A_108 = arith.muli %add3A_106, %mul3A_107 : i32
      %dma_wait3A_109 = arith.constant 0 : i32
      %dma_wait3A_110 = arith.constant 1 : i32
      %dma_wait3A_111 = arith.constant 0 : i32
      %dma_wait3A_112 = arith.constant 0 : i32
      %dma_wait3A_113 = tpu.memref_slice %arg9[%dma_wait3A_109, %dma_wait3A_110, %dma_wait3A_111, %dma_wait3A_112] : memref<2x2x64x128xf32, #tpu.memory_space<vmem>> -> memref<1x1x64x128xf32, #tpu.memory_space<vmem>>
      %dma_wait3A_114 = tpu.memref_squeeze %dma_wait3A_113 : memref<1x1x64x128xf32, #tpu.memory_space<vmem>> -> memref<64x128xf32, #tpu.memory_space<vmem>>
      %dma_wait3A_115 = tpu.memref_slice %arg7[%mul3A_108] : memref<10240xi32, #tpu.memory_space<vmem>> -> memref<64xi32, #tpu.memory_space<vmem>>
      %dma_wait3A_116 = arith.constant 0 : i32
      %dma_wait3A_117 = arith.constant 0 : i32
      %dma_wait3A_118 = tpu.memref_slice %arg2[%dma_wait3A_116, %dma_wait3A_117] : memref<10000x128xf32, #tpu.memory_space<hbm>> -> memref<10000x128xf32, #tpu.memory_space<hbm>>
      tpu.wait_indirect_dma semaphore(%arg11 : memref<!tpu.dma_semaphore, #tpu.memory_space<semaphore_mem>>) src(%dma_wait3A_118 : memref<10000x128xf32, #tpu.memory_space<hbm>>) dst(%dma_wait3A_114 : memref<64x128xf32, #tpu.memory_space<vmem>>)
      %add3A_119 = arith.constant 1 : i32
      %add3A_120 = arith.addi %mul3A_69, %add3A_119 : i32
      %dma_start3A_121 = arith.constant 0 : i32
      %dma_start3A_122 = arith.constant 1 : i32
      %dma_start3A_123 = arith.constant 0 : i32
      %dma_start3A_124 = arith.constant 0 : i32
      %dma_start3A_125 = tpu.memref_slice %arg9[%dma_start3A_121, %dma_start3A_122, %dma_start3A_123, %dma_start3A_124] : memref<2x2x64x128xf32, #tpu.memory_space<vmem>> -> memref<1x1x64x128xf32, #tpu.memory_space<vmem>>
      %dma_start3A_126 = tpu.memref_squeeze %dma_start3A_125 : memref<1x1x64x128xf32, #tpu.memory_space<vmem>> -> memref<64x128xf32, #tpu.memory_space<vmem>>
      %dma_start3A_127 = arith.constant 0 : i32
      %dma_start3A_128 = tpu.memref_slice %arg8[%add3A_120, %dma_start3A_127] : memref<8x64xi32, #tpu.memory_space<vmem>> -> memref<1x64xi32, #tpu.memory_space<vmem>>
      %dma_start3A_129 = tpu.memref_squeeze %dma_start3A_128 : memref<1x64xi32, #tpu.memory_space<vmem>> -> memref<64xi32, #tpu.memory_space<vmem>>
      %dma_start3A_130 = arith.constant 0 : i32
      %dma_start3A_131 = arith.constant 0 : i32
      %dma_start3A_132 = tpu.memref_slice %arg10[%dma_start3A_130, %dma_start3A_131] : memref<10240x128xf32, #tpu.memory_space<vmem_shared>> -> memref<10240x128xf32, #tpu.memory_space<vmem_shared>>
      tpu.enqueue_indirect_dma source(%dma_start3A_126 : memref<64x128xf32, #tpu.memory_space<vmem>>) target(%dma_start3A_132 : memref<10240x128xf32, #tpu.memory_space<vmem_shared>>) offsets(%dma_start3A_129 : memref<64xi32, #tpu.memory_space<vmem>>) semaphore(%arg13 : memref<!tpu.dma_semaphore, #tpu.memory_space<semaphore_mem>>) {add = true}
      %mul3A_133 = arith.constant 2 : i32
      %mul3A_134 = arith.muli %add3A_66, %mul3A_133 : i32
      %add3A_135 = arith.constant 0 : i32
      %add3A_136 = arith.addi %mul3A_134, %add3A_135 : i32
      %add3A_137 = arith.constant 0 : i32
      %add3A_138 = arith.addi %mul3A_69, %add3A_137 : i32
      %dma_wait3A_139 = arith.constant 0 : i32
      %dma_wait3A_140 = arith.constant 0 : i32
      %dma_wait3A_141 = arith.constant 0 : i32
      %dma_wait3A_142 = arith.constant 0 : i32
      %dma_wait3A_143 = tpu.memref_slice %arg9[%dma_wait3A_139, %dma_wait3A_140, %dma_wait3A_141, %dma_wait3A_142] : memref<2x2x64x128xf32, #tpu.memory_space<vmem>> -> memref<1x1x64x128xf32, #tpu.memory_space<vmem>>
      %dma_wait3A_144 = tpu.memref_squeeze %dma_wait3A_143 : memref<1x1x64x128xf32, #tpu.memory_space<vmem>> -> memref<64x128xf32, #tpu.memory_space<vmem>>
      %dma_wait3A_145 = arith.constant 0 : i32
      %dma_wait3A_146 = tpu.memref_slice %arg8[%add3A_138, %dma_wait3A_145] : memref<8x64xi32, #tpu.memory_space<vmem>> -> memref<1x64xi32, #tpu.memory_space<vmem>>
      %dma_wait3A_147 = tpu.memref_squeeze %dma_wait3A_146 : memref<1x64xi32, #tpu.memory_space<vmem>> -> memref<64xi32, #tpu.memory_space<vmem>>
      %dma_wait3A_148 = arith.constant 0 : i32
      %dma_wait3A_149 = arith.constant 0 : i32
      %dma_wait3A_150 = tpu.memref_slice %arg10[%dma_wait3A_148, %dma_wait3A_149] : memref<10240x128xf32, #tpu.memory_space<vmem_shared>> -> memref<10240x128xf32, #tpu.memory_space<vmem_shared>>
      tpu.wait_indirect_dma semaphore(%arg13 : memref<!tpu.dma_semaphore, #tpu.memory_space<semaphore_mem>>) src(%dma_wait3A_144 : memref<64x128xf32, #tpu.memory_space<vmem>>) dst(%dma_wait3A_150 : memref<10240x128xf32, #tpu.memory_space<vmem_shared>>)
      %add3A_151 = arith.constant 2 : i32
      %add3A_152 = arith.addi %add3A_66, %add3A_151 : i32
      %lt3A = arith.constant 80 : i32
      %lt3A_153 = arith.cmpi slt, %add3A_152, %lt3A : i32
      %convert_element_type3A_154 = arith.extui %lt3A_153 : i1 to i32
      %cond3A_155 = arith.constant 0 : i32
      %cond3A_156 = arith.cmpi ne, %convert_element_type3A_154, %cond3A_155 : i32
      scf.if %cond3A_156 {
        %add3A_319 = arith.constant 2 : i32
        %add3A_320 = arith.addi %add3A_66, %add3A_319 : i32
        %mul3A_321 = arith.constant 2 : i32
        %mul3A_322 = arith.muli %add3A_320, %mul3A_321 : i32
        %add3A_323 = arith.constant 0 : i32
        %add3A_324 = arith.addi %mul3A_322, %add3A_323 : i32
        %mul3A_325 = arith.constant 64 : i32
        %mul3A_326 = arith.muli %add3A_324, %mul3A_325 : i32
        %dma_start3A_327 = arith.constant 0 : i32
        %dma_start3A_328 = arith.constant 0 : i32
        %dma_start3A_329 = arith.constant 0 : i32
        %dma_start3A_330 = arith.constant 0 : i32
        %dma_start3A_331 = tpu.memref_slice %arg9[%dma_start3A_327, %dma_start3A_328, %dma_start3A_329, %dma_start3A_330] : memref<2x2x64x128xf32, #tpu.memory_space<vmem>> -> memref<1x1x64x128xf32, #tpu.memory_space<vmem>>
        %dma_start3A_332 = tpu.memref_squeeze %dma_start3A_331 : memref<1x1x64x128xf32, #tpu.memory_space<vmem>> -> memref<64x128xf32, #tpu.memory_space<vmem>>
        %dma_start3A_333 = tpu.memref_slice %arg7[%mul3A_326] : memref<10240xi32, #tpu.memory_space<vmem>> -> memref<64xi32, #tpu.memory_space<vmem>>
        %dma_start3A_334 = arith.constant 0 : i32
        %dma_start3A_335 = arith.constant 0 : i32
        %dma_start3A_336 = tpu.memref_slice %arg2[%dma_start3A_334, %dma_start3A_335] : memref<10000x128xf32, #tpu.memory_space<hbm>> -> memref<10000x128xf32, #tpu.memory_space<hbm>>
        tpu.enqueue_indirect_dma source(%dma_start3A_336 : memref<10000x128xf32, #tpu.memory_space<hbm>>) target(%dma_start3A_332 : memref<64x128xf32, #tpu.memory_space<vmem>>) offsets(%dma_start3A_333 : memref<64xi32, #tpu.memory_space<vmem>>) semaphore(%arg11 : memref<!tpu.dma_semaphore, #tpu.memory_space<semaphore_mem>>)
      } else {
      }
      %mul3A_157 = arith.constant 2 : i32
      %mul3A_158 = arith.muli %add3A_66, %mul3A_157 : i32
      %add3A_159 = arith.constant 1 : i32
      %add3A_160 = arith.addi %mul3A_158, %add3A_159 : i32
      %add3A_161 = arith.constant 1 : i32
      %add3A_162 = arith.addi %mul3A_69, %add3A_161 : i32
      %dma_wait3A_163 = arith.constant 0 : i32
      %dma_wait3A_164 = arith.constant 1 : i32
      %dma_wait3A_165 = arith.constant 0 : i32
      %dma_wait3A_166 = arith.constant 0 : i32
      %dma_wait3A_167 = tpu.memref_slice %arg9[%dma_wait3A_163, %dma_wait3A_164, %dma_wait3A_165, %dma_wait3A_166] : memref<2x2x64x128xf32, #tpu.memory_space<vmem>> -> memref<1x1x64x128xf32, #tpu.memory_space<vmem>>
      %dma_wait3A_168 = tpu.memref_squeeze %dma_wait3A_167 : memref<1x1x64x128xf32, #tpu.memory_space<vmem>> -> memref<64x128xf32, #tpu.memory_space<vmem>>
      %dma_wait3A_169 = arith.constant 0 : i32
      %dma_wait3A_170 = tpu.memref_slice %arg8[%add3A_162, %dma_wait3A_169] : memref<8x64xi32, #tpu.memory_space<vmem>> -> memref<1x64xi32, #tpu.memory_space<vmem>>
      %dma_wait3A_171 = tpu.memref_squeeze %dma_wait3A_170 : memref<1x64xi32, #tpu.memory_space<vmem>> -> memref<64xi32, #tpu.memory_space<vmem>>
      %dma_wait3A_172 = arith.constant 0 : i32
      %dma_wait3A_173 = arith.constant 0 : i32
      %dma_wait3A_174 = tpu.memref_slice %arg10[%dma_wait3A_172, %dma_wait3A_173] : memref<10240x128xf32, #tpu.memory_space<vmem_shared>> -> memref<10240x128xf32, #tpu.memory_space<vmem_shared>>
      tpu.wait_indirect_dma semaphore(%arg13 : memref<!tpu.dma_semaphore, #tpu.memory_space<semaphore_mem>>) src(%dma_wait3A_168 : memref<64x128xf32, #tpu.memory_space<vmem>>) dst(%dma_wait3A_174 : memref<10240x128xf32, #tpu.memory_space<vmem_shared>>)
      %add3A_175 = arith.constant 2 : i32
      %add3A_176 = arith.addi %add3A_66, %add3A_175 : i32
      %lt3A_177 = arith.constant 80 : i32
      %lt3A_178 = arith.cmpi slt, %add3A_176, %lt3A_177 : i32
      %convert_element_type3A_179 = arith.extui %lt3A_178 : i1 to i32
      %cond3A_180 = arith.constant 0 : i32
      %cond3A_181 = arith.cmpi ne, %convert_element_type3A_179, %cond3A_180 : i32
      scf.if %cond3A_181 {
        %add3A_319 = arith.constant 2 : i32
        %add3A_320 = arith.addi %add3A_66, %add3A_319 : i32
        %mul3A_321 = arith.constant 2 : i32
        %mul3A_322 = arith.muli %add3A_320, %mul3A_321 : i32
        %add3A_323 = arith.constant 1 : i32
        %add3A_324 = arith.addi %mul3A_322, %add3A_323 : i32
        %mul3A_325 = arith.constant 64 : i32
        %mul3A_326 = arith.muli %add3A_324, %mul3A_325 : i32
        %dma_start3A_327 = arith.constant 0 : i32
        %dma_start3A_328 = arith.constant 1 : i32
        %dma_start3A_329 = arith.constant 0 : i32
        %dma_start3A_330 = arith.constant 0 : i32
        %dma_start3A_331 = tpu.memref_slice %arg9[%dma_start3A_327, %dma_start3A_328, %dma_start3A_329, %dma_start3A_330] : memref<2x2x64x128xf32, #tpu.memory_space<vmem>> -> memref<1x1x64x128xf32, #tpu.memory_space<vmem>>
        %dma_start3A_332 = tpu.memref_squeeze %dma_start3A_331 : memref<1x1x64x128xf32, #tpu.memory_space<vmem>> -> memref<64x128xf32, #tpu.memory_space<vmem>>
        %dma_start3A_333 = tpu.memref_slice %arg7[%mul3A_326] : memref<10240xi32, #tpu.memory_space<vmem>> -> memref<64xi32, #tpu.memory_space<vmem>>
        %dma_start3A_334 = arith.constant 0 : i32
        %dma_start3A_335 = arith.constant 0 : i32
        %dma_start3A_336 = tpu.memref_slice %arg2[%dma_start3A_334, %dma_start3A_335] : memref<10000x128xf32, #tpu.memory_space<hbm>> -> memref<10000x128xf32, #tpu.memory_space<hbm>>
        tpu.enqueue_indirect_dma source(%dma_start3A_336 : memref<10000x128xf32, #tpu.memory_space<hbm>>) target(%dma_start3A_332 : memref<64x128xf32, #tpu.memory_space<vmem>>) offsets(%dma_start3A_333 : memref<64xi32, #tpu.memory_space<vmem>>) semaphore(%arg11 : memref<!tpu.dma_semaphore, #tpu.memory_space<semaphore_mem>>)
      } else {
      }
      %add3A_182 = arith.constant 4 : i32
      %add3A_183 = arith.addi %add3A_66, %add3A_182 : i32
      %lt3A_184 = arith.constant 80 : i32
      %lt3A_185 = arith.cmpi slt, %add3A_183, %lt3A_184 : i32
      %convert_element_type3A_186 = arith.extui %lt3A_185 : i1 to i32
      %cond3A_187 = arith.constant 0 : i32
      %cond3A_188 = arith.cmpi ne, %convert_element_type3A_186, %cond3A_187 : i32
      scf.if %cond3A_188 {
        %add3A_319 = arith.constant 4 : i32
        %add3A_320 = arith.addi %add3A_66, %add3A_319 : i32
        %mul3A_321 = arith.constant 2 : i32
        %mul3A_322 = arith.muli %add3A_320, %mul3A_321 : i32
        %dma_start3A_323 = arith.constant 0 : i32
        %dma_start3A_324 = tpu.memref_slice %arg8[%mul3A_69, %dma_start3A_323] : memref<8x64xi32, #tpu.memory_space<vmem>> -> memref<2x64xi32, #tpu.memory_space<vmem>>
        %dma_start3A_325 = arith.constant 0 : i32
        %dma_start3A_326 = tpu.memref_slice %arg4[%add3A, %mul3A_322, %dma_start3A_325] : memref<32x160x64xi32, #tpu.memory_space<hbm>> -> memref<1x2x64xi32, #tpu.memory_space<hbm>>
        %dma_start3A_327 = tpu.memref_squeeze %dma_start3A_326 : memref<1x2x64xi32, #tpu.memory_space<hbm>> -> memref<2x64xi32, #tpu.memory_space<hbm>>
        %dma_start3A_328 = arith.constant 0 : i32
        %dma_start3A_329 = tpu.memref_slice %arg8[%mul3A_69, %dma_start3A_328] : memref<8x64xi32, #tpu.memory_space<vmem>> -> memref<2x64xi32, #tpu.memory_space<vmem>>
        %dma_start3A_330 = arith.constant 0 : i32
        %dma_start3A_331 = tpu.memref_slice %arg4[%add3A, %mul3A_322, %dma_start3A_330] : memref<32x160x64xi32, #tpu.memory_space<hbm>> -> memref<1x2x64xi32, #tpu.memory_space<hbm>>
        %dma_start3A_332 = tpu.memref_squeeze %dma_start3A_331 : memref<1x2x64xi32, #tpu.memory_space<hbm>> -> memref<2x64xi32, #tpu.memory_space<hbm>>
        tpu.enqueue_dma source(%dma_start3A_332 : memref<2x64xi32, #tpu.memory_space<hbm>>) target(%dma_start3A_329 : memref<2x64xi32, #tpu.memory_space<vmem>>) target_semaphore(%arg14 : memref<!tpu.dma_semaphore, #tpu.memory_space<semaphore_mem>>)
      } else {
      }
      %mul3A_189 = arith.constant 2 : i32
      %mul3A_190 = arith.muli %mul3A_189, %scan3A_62 : i32
      %add3A_191 = arith.constant 1 : i32
      %add3A_192 = arith.addi %mul3A_190, %add3A_191 : i32
      %rem3A_193 = arith.constant 4 : i32
      %rem3A_194 = arith.remsi %add3A_192, %rem3A_193 : i32
      %mul3A_195 = arith.constant 2 : i32
      %mul3A_196 = arith.muli %rem3A_194, %mul3A_195 : i32
      %ge3A_197 = arith.constant 4 : i32
      %ge3A_198 = arith.cmpi sge, %add3A_192, %ge3A_197 : i32
      %convert_element_type3A_199 = arith.extui %ge3A_198 : i1 to i32
      %cond3A_200 = arith.constant 0 : i32
      %cond3A_201 = arith.cmpi ne, %convert_element_type3A_199, %cond3A_200 : i32
      scf.if %cond3A_201 {
        %mul3A_319 = arith.constant 2 : i32
        %mul3A_320 = arith.muli %add3A_192, %mul3A_319 : i32
        %dma_wait3A_321 = arith.constant 0 : i32
        %dma_wait3A_322 = tpu.memref_slice %arg8[%mul3A_196, %dma_wait3A_321] : memref<8x64xi32, #tpu.memory_space<vmem>> -> memref<2x64xi32, #tpu.memory_space<vmem>>
        %dma_wait3A_323 = arith.constant 0 : i32
        %dma_wait3A_324 = tpu.memref_slice %arg4[%add3A, %mul3A_320, %dma_wait3A_323] : memref<32x160x64xi32, #tpu.memory_space<hbm>> -> memref<1x2x64xi32, #tpu.memory_space<hbm>>
        %dma_wait3A_325 = tpu.memref_squeeze %dma_wait3A_324 : memref<1x2x64xi32, #tpu.memory_space<hbm>> -> memref<2x64xi32, #tpu.memory_space<hbm>>
        %dma_wait3A_326 = arith.constant 0 : i32
        %dma_wait3A_327 = tpu.memref_slice %arg8[%mul3A_196, %dma_wait3A_326] : memref<8x64xi32, #tpu.memory_space<vmem>> -> memref<2x64xi32, #tpu.memory_space<vmem>>
        %dma_wait3A_328 = arith.constant 0 : i32
        %dma_wait3A_329 = tpu.memref_slice %arg4[%add3A, %mul3A_320, %dma_wait3A_328] : memref<32x160x64xi32, #tpu.memory_space<hbm>> -> memref<1x2x64xi32, #tpu.memory_space<hbm>>
        %dma_wait3A_330 = tpu.memref_squeeze %dma_wait3A_329 : memref<1x2x64xi32, #tpu.memory_space<hbm>> -> memref<2x64xi32, #tpu.memory_space<hbm>>
        tpu.wait_dma2 semaphore(%arg14 : memref<!tpu.dma_semaphore, #tpu.memory_space<semaphore_mem>>) src(%dma_wait3A_330 : memref<2x64xi32, #tpu.memory_space<hbm>>) dst(%dma_wait3A_327 : memref<2x64xi32, #tpu.memory_space<vmem>>)
      } else {
      }
      %mul3A_202 = arith.constant 2 : i32
      %mul3A_203 = arith.muli %add3A_192, %mul3A_202 : i32
      %add3A_204 = arith.constant 0 : i32
      %add3A_205 = arith.addi %mul3A_203, %add3A_204 : i32
      %mul3A_206 = arith.constant 64 : i32
      %mul3A_207 = arith.muli %add3A_205, %mul3A_206 : i32
      %dma_wait3A_208 = arith.constant 1 : i32
      %dma_wait3A_209 = arith.constant 0 : i32
      %dma_wait3A_210 = arith.constant 0 : i32
      %dma_wait3A_211 = arith.constant 0 : i32
      %dma_wait3A_212 = tpu.memref_slice %arg9[%dma_wait3A_208, %dma_wait3A_209, %dma_wait3A_210, %dma_wait3A_211] : memref<2x2x64x128xf32, #tpu.memory_space<vmem>> -> memref<1x1x64x128xf32, #tpu.memory_space<vmem>>
      %dma_wait3A_213 = tpu.memref_squeeze %dma_wait3A_212 : memref<1x1x64x128xf32, #tpu.memory_space<vmem>> -> memref<64x128xf32, #tpu.memory_space<vmem>>
      %dma_wait3A_214 = tpu.memref_slice %arg7[%mul3A_207] : memref<10240xi32, #tpu.memory_space<vmem>> -> memref<64xi32, #tpu.memory_space<vmem>>
      %dma_wait3A_215 = arith.constant 0 : i32
      %dma_wait3A_216 = arith.constant 0 : i32
      %dma_wait3A_217 = tpu.memref_slice %arg2[%dma_wait3A_215, %dma_wait3A_216] : memref<10000x128xf32, #tpu.memory_space<hbm>> -> memref<10000x128xf32, #tpu.memory_space<hbm>>
      tpu.wait_indirect_dma semaphore(%arg12 : memref<!tpu.dma_semaphore, #tpu.memory_space<semaphore_mem>>) src(%dma_wait3A_217 : memref<10000x128xf32, #tpu.memory_space<hbm>>) dst(%dma_wait3A_213 : memref<64x128xf32, #tpu.memory_space<vmem>>)
      %add3A_218 = arith.constant 0 : i32
      %add3A_219 = arith.addi %mul3A_196, %add3A_218 : i32
      %dma_start3A_220 = arith.constant 1 : i32
      %dma_start3A_221 = arith.constant 0 : i32
      %dma_start3A_222 = arith.constant 0 : i32
      %dma_start3A_223 = arith.constant 0 : i32
      %dma_start3A_224 = tpu.memref_slice %arg9[%dma_start3A_220, %dma_start3A_221, %dma_start3A_222, %dma_start3A_223] : memref<2x2x64x128xf32, #tpu.memory_space<vmem>> -> memref<1x1x64x128xf32, #tpu.memory_space<vmem>>
      %dma_start3A_225 = tpu.memref_squeeze %dma_start3A_224 : memref<1x1x64x128xf32, #tpu.memory_space<vmem>> -> memref<64x128xf32, #tpu.memory_space<vmem>>
      %dma_start3A_226 = arith.constant 0 : i32
      %dma_start3A_227 = tpu.memref_slice %arg8[%add3A_219, %dma_start3A_226] : memref<8x64xi32, #tpu.memory_space<vmem>> -> memref<1x64xi32, #tpu.memory_space<vmem>>
      %dma_start3A_228 = tpu.memref_squeeze %dma_start3A_227 : memref<1x64xi32, #tpu.memory_space<vmem>> -> memref<64xi32, #tpu.memory_space<vmem>>
      %dma_start3A_229 = arith.constant 0 : i32
      %dma_start3A_230 = arith.constant 0 : i32
      %dma_start3A_231 = tpu.memref_slice %arg10[%dma_start3A_229, %dma_start3A_230] : memref<10240x128xf32, #tpu.memory_space<vmem_shared>> -> memref<10240x128xf32, #tpu.memory_space<vmem_shared>>
      tpu.enqueue_indirect_dma source(%dma_start3A_225 : memref<64x128xf32, #tpu.memory_space<vmem>>) target(%dma_start3A_231 : memref<10240x128xf32, #tpu.memory_space<vmem_shared>>) offsets(%dma_start3A_228 : memref<64xi32, #tpu.memory_space<vmem>>) semaphore(%arg13 : memref<!tpu.dma_semaphore, #tpu.memory_space<semaphore_mem>>) {add = true}
      %mul3A_232 = arith.constant 2 : i32
      %mul3A_233 = arith.muli %add3A_192, %mul3A_232 : i32
      %add3A_234 = arith.constant 1 : i32
      %add3A_235 = arith.addi %mul3A_233, %add3A_234 : i32
      %mul3A_236 = arith.constant 64 : i32
      %mul3A_237 = arith.muli %add3A_235, %mul3A_236 : i32
      %dma_wait3A_238 = arith.constant 1 : i32
      %dma_wait3A_239 = arith.constant 1 : i32
      %dma_wait3A_240 = arith.constant 0 : i32
      %dma_wait3A_241 = arith.constant 0 : i32
      %dma_wait3A_242 = tpu.memref_slice %arg9[%dma_wait3A_238, %dma_wait3A_239, %dma_wait3A_240, %dma_wait3A_241] : memref<2x2x64x128xf32, #tpu.memory_space<vmem>> -> memref<1x1x64x128xf32, #tpu.memory_space<vmem>>
      %dma_wait3A_243 = tpu.memref_squeeze %dma_wait3A_242 : memref<1x1x64x128xf32, #tpu.memory_space<vmem>> -> memref<64x128xf32, #tpu.memory_space<vmem>>
      %dma_wait3A_244 = tpu.memref_slice %arg7[%mul3A_237] : memref<10240xi32, #tpu.memory_space<vmem>> -> memref<64xi32, #tpu.memory_space<vmem>>
      %dma_wait3A_245 = arith.constant 0 : i32
      %dma_wait3A_246 = arith.constant 0 : i32
      %dma_wait3A_247 = tpu.memref_slice %arg2[%dma_wait3A_245, %dma_wait3A_246] : memref<10000x128xf32, #tpu.memory_space<hbm>> -> memref<10000x128xf32, #tpu.memory_space<hbm>>
      tpu.wait_indirect_dma semaphore(%arg12 : memref<!tpu.dma_semaphore, #tpu.memory_space<semaphore_mem>>) src(%dma_wait3A_247 : memref<10000x128xf32, #tpu.memory_space<hbm>>) dst(%dma_wait3A_243 : memref<64x128xf32, #tpu.memory_space<vmem>>)
      %add3A_248 = arith.constant 1 : i32
      %add3A_249 = arith.addi %mul3A_196, %add3A_248 : i32
      %dma_start3A_250 = arith.constant 1 : i32
      %dma_start3A_251 = arith.constant 1 : i32
      %dma_start3A_252 = arith.constant 0 : i32
      %dma_start3A_253 = arith.constant 0 : i32
      %dma_start3A_254 = tpu.memref_slice %arg9[%dma_start3A_250, %dma_start3A_251, %dma_start3A_252, %dma_start3A_253] : memref<2x2x64x128xf32, #tpu.memory_space<vmem>> -> memref<1x1x64x128xf32, #tpu.memory_space<vmem>>
      %dma_start3A_255 = tpu.memref_squeeze %dma_start3A_254 : memref<1x1x64x128xf32, #tpu.memory_space<vmem>> -> memref<64x128xf32, #tpu.memory_space<vmem>>
      %dma_start3A_256 = arith.constant 0 : i32
      %dma_start3A_257 = tpu.memref_slice %arg8[%add3A_249, %dma_start3A_256] : memref<8x64xi32, #tpu.memory_space<vmem>> -> memref<1x64xi32, #tpu.memory_space<vmem>>
      %dma_start3A_258 = tpu.memref_squeeze %dma_start3A_257 : memref<1x64xi32, #tpu.memory_space<vmem>> -> memref<64xi32, #tpu.memory_space<vmem>>
      %dma_start3A_259 = arith.constant 0 : i32
      %dma_start3A_260 = arith.constant 0 : i32
      %dma_start3A_261 = tpu.memref_slice %arg10[%dma_start3A_259, %dma_start3A_260] : memref<10240x128xf32, #tpu.memory_space<vmem_shared>> -> memref<10240x128xf32, #tpu.memory_space<vmem_shared>>
      tpu.enqueue_indirect_dma source(%dma_start3A_255 : memref<64x128xf32, #tpu.memory_space<vmem>>) target(%dma_start3A_261 : memref<10240x128xf32, #tpu.memory_space<vmem_shared>>) offsets(%dma_start3A_258 : memref<64xi32, #tpu.memory_space<vmem>>) semaphore(%arg13 : memref<!tpu.dma_semaphore, #tpu.memory_space<semaphore_mem>>) {add = true}
      %mul3A_262 = arith.constant 2 : i32
      %mul3A_263 = arith.muli %add3A_192, %mul3A_262 : i32
      %add3A_264 = arith.constant 0 : i32
      %add3A_265 = arith.addi %mul3A_263, %add3A_264 : i32
      %add3A_266 = arith.constant 0 : i32
      %add3A_267 = arith.addi %mul3A_196, %add3A_266 : i32
      %dma_wait3A_268 = arith.constant 1 : i32
      %dma_wait3A_269 = arith.constant 0 : i32
      %dma_wait3A_270 = arith.constant 0 : i32
      %dma_wait3A_271 = arith.constant 0 : i32
      %dma_wait3A_272 = tpu.memref_slice %arg9[%dma_wait3A_268, %dma_wait3A_269, %dma_wait3A_270, %dma_wait3A_271] : memref<2x2x64x128xf32, #tpu.memory_space<vmem>> -> memref<1x1x64x128xf32, #tpu.memory_space<vmem>>
      %dma_wait3A_273 = tpu.memref_squeeze %dma_wait3A_272 : memref<1x1x64x128xf32, #tpu.memory_space<vmem>> -> memref<64x128xf32, #tpu.memory_space<vmem>>
      %dma_wait3A_274 = arith.constant 0 : i32
      %dma_wait3A_275 = tpu.memref_slice %arg8[%add3A_267, %dma_wait3A_274] : memref<8x64xi32, #tpu.memory_space<vmem>> -> memref<1x64xi32, #tpu.memory_space<vmem>>
      %dma_wait3A_276 = tpu.memref_squeeze %dma_wait3A_275 : memref<1x64xi32, #tpu.memory_space<vmem>> -> memref<64xi32, #tpu.memory_space<vmem>>
      %dma_wait3A_277 = arith.constant 0 : i32
      %dma_wait3A_278 = arith.constant 0 : i32
      %dma_wait3A_279 = tpu.memref_slice %arg10[%dma_wait3A_277, %dma_wait3A_278] : memref<10240x128xf32, #tpu.memory_space<vmem_shared>> -> memref<10240x128xf32, #tpu.memory_space<vmem_shared>>
      tpu.wait_indirect_dma semaphore(%arg13 : memref<!tpu.dma_semaphore, #tpu.memory_space<semaphore_mem>>) src(%dma_wait3A_273 : memref<64x128xf32, #tpu.memory_space<vmem>>) dst(%dma_wait3A_279 : memref<10240x128xf32, #tpu.memory_space<vmem_shared>>)
      %add3A_280 = arith.constant 2 : i32
      %add3A_281 = arith.addi %add3A_192, %add3A_280 : i32
      %lt3A_282 = arith.constant 80 : i32
      %lt3A_283 = arith.cmpi slt, %add3A_281, %lt3A_282 : i32
      %convert_element_type3A_284 = arith.extui %lt3A_283 : i1 to i32
      %cond3A_285 = arith.constant 0 : i32
      %cond3A_286 = arith.cmpi ne, %convert_element_type3A_284, %cond3A_285 : i32
      scf.if %cond3A_286 {
        %add3A_319 = arith.constant 2 : i32
        %add3A_320 = arith.addi %add3A_192, %add3A_319 : i32
        %mul3A_321 = arith.constant 2 : i32
        %mul3A_322 = arith.muli %add3A_320, %mul3A_321 : i32
        %add3A_323 = arith.constant 0 : i32
        %add3A_324 = arith.addi %mul3A_322, %add3A_323 : i32
        %mul3A_325 = arith.constant 64 : i32
        %mul3A_326 = arith.muli %add3A_324, %mul3A_325 : i32
        %dma_start3A_327 = arith.constant 1 : i32
        %dma_start3A_328 = arith.constant 0 : i32
        %dma_start3A_329 = arith.constant 0 : i32
        %dma_start3A_330 = arith.constant 0 : i32
        %dma_start3A_331 = tpu.memref_slice %arg9[%dma_start3A_327, %dma_start3A_328, %dma_start3A_329, %dma_start3A_330] : memref<2x2x64x128xf32, #tpu.memory_space<vmem>> -> memref<1x1x64x128xf32, #tpu.memory_space<vmem>>
        %dma_start3A_332 = tpu.memref_squeeze %dma_start3A_331 : memref<1x1x64x128xf32, #tpu.memory_space<vmem>> -> memref<64x128xf32, #tpu.memory_space<vmem>>
        %dma_start3A_333 = tpu.memref_slice %arg7[%mul3A_326] : memref<10240xi32, #tpu.memory_space<vmem>> -> memref<64xi32, #tpu.memory_space<vmem>>
        %dma_start3A_334 = arith.constant 0 : i32
        %dma_start3A_335 = arith.constant 0 : i32
        %dma_start3A_336 = tpu.memref_slice %arg2[%dma_start3A_334, %dma_start3A_335] : memref<10000x128xf32, #tpu.memory_space<hbm>> -> memref<10000x128xf32, #tpu.memory_space<hbm>>
        tpu.enqueue_indirect_dma source(%dma_start3A_336 : memref<10000x128xf32, #tpu.memory_space<hbm>>) target(%dma_start3A_332 : memref<64x128xf32, #tpu.memory_space<vmem>>) offsets(%dma_start3A_333 : memref<64xi32, #tpu.memory_space<vmem>>) semaphore(%arg12 : memref<!tpu.dma_semaphore, #tpu.memory_space<semaphore_mem>>)
      } else {
      }
      %mul3A_287 = arith.constant 2 : i32
      %mul3A_288 = arith.muli %add3A_192, %mul3A_287 : i32
      %add3A_289 = arith.constant 1 : i32
      %add3A_290 = arith.addi %mul3A_288, %add3A_289 : i32
      %add3A_291 = arith.constant 1 : i32
      %add3A_292 = arith.addi %mul3A_196, %add3A_291 : i32
      %dma_wait3A_293 = arith.constant 1 : i32
      %dma_wait3A_294 = arith.constant 1 : i32
      %dma_wait3A_295 = arith.constant 0 : i32
      %dma_wait3A_296 = arith.constant 0 : i32
      %dma_wait3A_297 = tpu.memref_slice %arg9[%dma_wait3A_293, %dma_wait3A_294, %dma_wait3A_295, %dma_wait3A_296] : memref<2x2x64x128xf32, #tpu.memory_space<vmem>> -> memref<1x1x64x128xf32, #tpu.memory_space<vmem>>
      %dma_wait3A_298 = tpu.memref_squeeze %dma_wait3A_297 : memref<1x1x64x128xf32, #tpu.memory_space<vmem>> -> memref<64x128xf32, #tpu.memory_space<vmem>>
      %dma_wait3A_299 = arith.constant 0 : i32
      %dma_wait3A_300 = tpu.memref_slice %arg8[%add3A_292, %dma_wait3A_299] : memref<8x64xi32, #tpu.memory_space<vmem>> -> memref<1x64xi32, #tpu.memory_space<vmem>>
      %dma_wait3A_301 = tpu.memref_squeeze %dma_wait3A_300 : memref<1x64xi32, #tpu.memory_space<vmem>> -> memref<64xi32, #tpu.memory_space<vmem>>
      %dma_wait3A_302 = arith.constant 0 : i32
      %dma_wait3A_303 = arith.constant 0 : i32
      %dma_wait3A_304 = tpu.memref_slice %arg10[%dma_wait3A_302, %dma_wait3A_303] : memref<10240x128xf32, #tpu.memory_space<vmem_shared>> -> memref<10240x128xf32, #tpu.memory_space<vmem_shared>>
      tpu.wait_indirect_dma semaphore(%arg13 : memref<!tpu.dma_semaphore, #tpu.memory_space<semaphore_mem>>) src(%dma_wait3A_298 : memref<64x128xf32, #tpu.memory_space<vmem>>) dst(%dma_wait3A_304 : memref<10240x128xf32, #tpu.memory_space<vmem_shared>>)
      %add3A_305 = arith.constant 2 : i32
      %add3A_306 = arith.addi %add3A_192, %add3A_305 : i32
      %lt3A_307 = arith.constant 80 : i32
      %lt3A_308 = arith.cmpi slt, %add3A_306, %lt3A_307 : i32
      %convert_element_type3A_309 = arith.extui %lt3A_308 : i1 to i32
      %cond3A_310 = arith.constant 0 : i32
      %cond3A_311 = arith.cmpi ne, %convert_element_type3A_309, %cond3A_310 : i32
      scf.if %cond3A_311 {
        %add3A_319 = arith.constant 2 : i32
        %add3A_320 = arith.addi %add3A_192, %add3A_319 : i32
        %mul3A_321 = arith.constant 2 : i32
        %mul3A_322 = arith.muli %add3A_320, %mul3A_321 : i32
        %add3A_323 = arith.constant 1 : i32
        %add3A_324 = arith.addi %mul3A_322, %add3A_323 : i32
        %mul3A_325 = arith.constant 64 : i32
        %mul3A_326 = arith.muli %add3A_324, %mul3A_325 : i32
        %dma_start3A_327 = arith.constant 1 : i32
        %dma_start3A_328 = arith.constant 1 : i32
        %dma_start3A_329 = arith.constant 0 : i32
        %dma_start3A_330 = arith.constant 0 : i32
        %dma_start3A_331 = tpu.memref_slice %arg9[%dma_start3A_327, %dma_start3A_328, %dma_start3A_329, %dma_start3A_330] : memref<2x2x64x128xf32, #tpu.memory_space<vmem>> -> memref<1x1x64x128xf32, #tpu.memory_space<vmem>>
        %dma_start3A_332 = tpu.memref_squeeze %dma_start3A_331 : memref<1x1x64x128xf32, #tpu.memory_space<vmem>> -> memref<64x128xf32, #tpu.memory_space<vmem>>
        %dma_start3A_333 = tpu.memref_slice %arg7[%mul3A_326] : memref<10240xi32, #tpu.memory_space<vmem>> -> memref<64xi32, #tpu.memory_space<vmem>>
        %dma_start3A_334 = arith.constant 0 : i32
        %dma_start3A_335 = arith.constant 0 : i32
        %dma_start3A_336 = tpu.memref_slice %arg2[%dma_start3A_334, %dma_start3A_335] : memref<10000x128xf32, #tpu.memory_space<hbm>> -> memref<10000x128xf32, #tpu.memory_space<hbm>>
        tpu.enqueue_indirect_dma source(%dma_start3A_336 : memref<10000x128xf32, #tpu.memory_space<hbm>>) target(%dma_start3A_332 : memref<64x128xf32, #tpu.memory_space<vmem>>) offsets(%dma_start3A_333 : memref<64xi32, #tpu.memory_space<vmem>>) semaphore(%arg12 : memref<!tpu.dma_semaphore, #tpu.memory_space<semaphore_mem>>)
      } else {
      }
      %add3A_312 = arith.constant 4 : i32
      %add3A_313 = arith.addi %add3A_192, %add3A_312 : i32
      %lt3A_314 = arith.constant 80 : i32
      %lt3A_315 = arith.cmpi slt, %add3A_313, %lt3A_314 : i32
      %convert_element_type3A_316 = arith.extui %lt3A_315 : i1 to i32
      %cond3A_317 = arith.constant 0 : i32
      %cond3A_318 = arith.cmpi ne, %convert_element_type3A_316, %cond3A_317 : i32
      scf.if %cond3A_318 {
        %add3A_319 = arith.constant 4 : i32
        %add3A_320 = arith.addi %add3A_192, %add3A_319 : i32
        %mul3A_321 = arith.constant 2 : i32
        %mul3A_322 = arith.muli %add3A_320, %mul3A_321 : i32
        %dma_start3A_323 = arith.constant 0 : i32
        %dma_start3A_324 = tpu.memref_slice %arg8[%mul3A_196, %dma_start3A_323] : memref<8x64xi32, #tpu.memory_space<vmem>> -> memref<2x64xi32, #tpu.memory_space<vmem>>
        %dma_start3A_325 = arith.constant 0 : i32
        %dma_start3A_326 = tpu.memref_slice %arg4[%add3A, %mul3A_322, %dma_start3A_325] : memref<32x160x64xi32, #tpu.memory_space<hbm>> -> memref<1x2x64xi32, #tpu.memory_space<hbm>>
        %dma_start3A_327 = tpu.memref_squeeze %dma_start3A_326 : memref<1x2x64xi32, #tpu.memory_space<hbm>> -> memref<2x64xi32, #tpu.memory_space<hbm>>
        %dma_start3A_328 = arith.constant 0 : i32
        %dma_start3A_329 = tpu.memref_slice %arg8[%mul3A_196, %dma_start3A_328] : memref<8x64xi32, #tpu.memory_space<vmem>> -> memref<2x64xi32, #tpu.memory_space<vmem>>
        %dma_start3A_330 = arith.constant 0 : i32
        %dma_start3A_331 = tpu.memref_slice %arg4[%add3A, %mul3A_322, %dma_start3A_330] : memref<32x160x64xi32, #tpu.memory_space<hbm>> -> memref<1x2x64xi32, #tpu.memory_space<hbm>>
        %dma_start3A_332 = tpu.memref_squeeze %dma_start3A_331 : memref<1x2x64xi32, #tpu.memory_space<hbm>> -> memref<2x64xi32, #tpu.memory_space<hbm>>
        tpu.enqueue_dma source(%dma_start3A_332 : memref<2x64xi32, #tpu.memory_space<hbm>>) target(%dma_start3A_329 : memref<2x64xi32, #tpu.memory_space<vmem>>) target_semaphore(%arg14 : memref<!tpu.dma_semaphore, #tpu.memory_space<semaphore_mem>>)
      } else {
      }
    }
    %scan3A_57 = arith.constant 40 : i32
    %barrier3A_58 = arith.constant 0 : index
    tpu.barrier barrier_id(%barrier3A_58)
    %mul3A_59 = arith.constant 10240 : i32
    %mul3A_60 = arith.muli %arg0, %mul3A_59 : i32
    %add3A_61 = arith.addi %mul3A_60, %mul3A_2 : i32
    "tpu.region"() ({
      %run_scoped3A = tpu.sem_alloc : memref<!tpu.dma_semaphore, #tpu.memory_space<semaphore_mem>>
      %dma_start3A_62 = arith.constant 0 : i32
      %dma_start3A_63 = tpu.memref_slice %arg6[%add3A_61, %dma_start3A_62] : memref<20480x128xf32, #tpu.memory_space<hbm>> -> memref<640x128xf32, #tpu.memory_space<hbm>>
      %dma_start3A_64 = arith.constant 0 : i32
      %dma_start3A_65 = tpu.memref_slice %arg10[%mul3A_2, %dma_start3A_64] : memref<10240x128xf32, #tpu.memory_space<vmem_shared>> -> memref<640x128xf32, #tpu.memory_space<vmem_shared>>
      tpu.enqueue_dma source(%dma_start3A_65 : memref<640x128xf32, #tpu.memory_space<vmem_shared>>) target(%dma_start3A_63 : memref<640x128xf32, #tpu.memory_space<hbm>>) target_semaphore(%run_scoped3A : memref<!tpu.dma_semaphore, #tpu.memory_space<semaphore_mem>>)
      %dma_wait3A = arith.constant 0 : i32
      %dma_wait3A_66 = tpu.memref_slice %arg6[%add3A_61, %dma_wait3A] : memref<20480x128xf32, #tpu.memory_space<hbm>> -> memref<640x128xf32, #tpu.memory_space<hbm>>
      %dma_wait3A_67 = arith.constant 0 : i32
      %dma_wait3A_68 = tpu.memref_slice %arg10[%mul3A_2, %dma_wait3A_67] : memref<10240x128xf32, #tpu.memory_space<vmem_shared>> -> memref<640x128xf32, #tpu.memory_space<vmem_shared>>
      tpu.wait_dma2 semaphore(%run_scoped3A : memref<!tpu.dma_semaphore, #tpu.memory_space<semaphore_mem>>) src(%dma_wait3A_68 : memref<640x128xf32, #tpu.memory_space<vmem_shared>>) dst(%dma_wait3A_66 : memref<640x128xf32, #tpu.memory_space<hbm>>)
      tpu.yield
    }) : () -> ()
    return
  }
}

module attributes {stable_mosaic.version = 14 : i64} {
  func.func @_pre_body(%arg0: i32, %arg1: memref<2x1000x1xf32, #tpu.memory_space<vmem>>, %arg2: memref<1000x128xf32, #tpu.memory_space<vmem>>, %arg3: memref<128x128xf32, #tpu.memory_space<vmem>>, %arg4: memref<1000x128xf32, #tpu.memory_space<vmem>>, %arg5: memref<1000x1xf32, #tpu.memory_space<vmem>>) attributes {dimension_semantics = [#tpu.dimension_semantics<arbitrary>], iteration_bounds = array<i64: 10>, scalar_prefetch = 0 : i64, scratch_operands = 0 : i64, tpu.core_type = #tpu.core_type<tc>, window_params = [{transform_indices = @transform_0, window_bounds = array<i64: 2, 1000, 1>}, {transform_indices = @transform_1, window_bounds = array<i64: 1000, 128>}, {pipeline_mode = #tpu.pipeline_mode<synchronous>, transform_indices = @transform_2, window_bounds = array<i64: 128, 128>}, {transform_indices = @transform_3, window_bounds = array<i64: 1000, 128>}, {transform_indices = @transform_4, window_bounds = array<i64: 1000, 1>}]} {
    %get3A = arith.constant 0 : index
    %get3A_0 = arith.constant 0 : index
    %get3A_1 = arith.constant 0 : index
    %get3A_2 = vector.load %arg1[%get3A, %get3A_0, %get3A_1] : memref<2x1000x1xf32, #tpu.memory_space<vmem>>, vector<1x1000x1xf32>
    %get3A_3 = vector.shape_cast %get3A_2 : vector<1x1000x1xf32> to vector<1000x1xf32>
    %get3A_4 = arith.constant 1 : index
    %get3A_5 = arith.constant 0 : index
    %get3A_6 = arith.constant 0 : index
    %get3A_7 = vector.load %arg1[%get3A_4, %get3A_5, %get3A_6] : memref<2x1000x1xf32, #tpu.memory_space<vmem>>, vector<1x1000x1xf32>
    %get3A_8 = vector.shape_cast %get3A_7 : vector<1x1000x1xf32> to vector<1000x1xf32>
    %add3A = arith.addf %get3A_3, %get3A_8 : vector<1000x1xf32>
    %add3A_9 = arith.constant 1.000000e+00 : f32
    %add3A_10 = vector.broadcast %add3A_9 : f32 to vector<1000x1xf32>
    %add3A_11 = arith.addf %add3A, %add3A_10 : vector<1000x1xf32>
    %rsqrt3A = math.rsqrt %add3A_11 : vector<1000x1xf32>
    %swap3A = arith.constant 0 : index
    %swap3A_12 = arith.constant 0 : index
    %swap3A_13 = vector.load %arg5[%swap3A, %swap3A_12] : memref<1000x1xf32, #tpu.memory_space<vmem>>, vector<1000x1xf32>
    tpu.vector_store %arg5[%swap3A, %swap3A_12], %rsqrt3A {strides = array<i32>} : memref<1000x1xf32, #tpu.memory_space<vmem>>, vector<1000x1xf32>,
    %get3A_14 = arith.constant 0 : index
    %get3A_15 = arith.constant 0 : index
    %get3A_16 = vector.load %arg2[%get3A_14, %get3A_15] : memref<1000x128xf32, #tpu.memory_space<vmem>>, vector<1000x128xf32>
    %get3A_17 = arith.constant 0 : index
    %get3A_18 = arith.constant 0 : index
    %get3A_19 = vector.load %arg3[%get3A_17, %get3A_18] : memref<128x128xf32, #tpu.memory_space<vmem>>, vector<128x128xf32>
    %dot_general3A = arith.constant dense<0.000000e+00> : vector<1000x128xf32>
    %dot_general3A_20 = tpu.matmul %get3A_16, %get3A_19, %dot_general3A {dimension_numbers = #tpu.dot_dimension_numbers<[1], [0], [0], [1], [0, 0, 1, 1], [], []>, transpose_lhs_hint = false} : vector<1000x128xf32>, vector<128x128xf32>, vector<1000x128xf32> -> vector<1000x128xf32>
    %mul3A = vector.broadcast %rsqrt3A : vector<1000x1xf32> to vector<1000x128xf32>
    %mul3A_21 = arith.mulf %dot_general3A_20, %mul3A : vector<1000x128xf32>
    %swap3A_22 = arith.constant 0 : index
    %swap3A_23 = arith.constant 0 : index
    %swap3A_24 = vector.load %arg4[%swap3A_22, %swap3A_23] : memref<1000x128xf32, #tpu.memory_space<vmem>>, vector<1000x128xf32>
    tpu.vector_store %arg4[%swap3A_22, %swap3A_23], %mul3A_21 {strides = array<i32>} : memref<1000x128xf32, #tpu.memory_space<vmem>>, vector<1000x128xf32>,
    return
  }
  func.func @transform_0(%arg0: i32) -> (i32, i32, i32) {
    %c0_i32 = arith.constant 0 : i32
    %c0_i32_0 = arith.constant 0 : i32
    %c0_i32_1 = arith.constant 0 : i32
    return %c0_i32, %arg0, %c0_i32_0 : i32, i32, i32
  }
  func.func @transform_1(%arg0: i32) -> (i32, i32) {
    %c0_i32 = arith.constant 0 : i32
    %c0_i32_0 = arith.constant 0 : i32
    return %arg0, %c0_i32 : i32, i32
  }
  func.func @transform_2(%arg0: i32) -> (i32, i32) {
    %c0_i32 = arith.constant 0 : i32
    %c0_i32_0 = arith.constant 0 : i32
    %c0_i32_1 = arith.constant 0 : i32
    return %c0_i32, %c0_i32_0 : i32, i32
  }
  func.func @transform_3(%arg0: i32) -> (i32, i32) {
    %c0_i32 = arith.constant 0 : i32
    %c0_i32_0 = arith.constant 0 : i32
    return %arg0, %c0_i32 : i32, i32
  }
  func.func @transform_4(%arg0: i32) -> (i32, i32) {
    %c0_i32 = arith.constant 0 : i32
    %c0_i32_0 = arith.constant 0 : i32
    return %arg0, %c0_i32 : i32, i32
  }
}

module attributes {stable_mosaic.version = 14 : i64} {
  func.func @_mid_body(%arg0: i32, %arg1: memref<2x1000x128xf32, #tpu.memory_space<vmem>>, %arg2: memref<1000x1xf32, #tpu.memory_space<vmem>>, %arg3: memref<1x128xf32, #tpu.memory_space<vmem>>, %arg4: memref<128x128xf32, #tpu.memory_space<vmem>>, %arg5: memref<1000x128xf32, #tpu.memory_space<vmem>>) attributes {dimension_semantics = [#tpu.dimension_semantics<arbitrary>], iteration_bounds = array<i64: 10>, scalar_prefetch = 0 : i64, scratch_operands = 0 : i64, tpu.core_type = #tpu.core_type<tc>, window_params = [{transform_indices = @transform_0, window_bounds = array<i64: 2, 1000, 128>}, {transform_indices = @transform_1, window_bounds = array<i64: 1000, 1>}, {pipeline_mode = #tpu.pipeline_mode<synchronous>, transform_indices = @transform_2, window_bounds = array<i64: 1, 128>}, {pipeline_mode = #tpu.pipeline_mode<synchronous>, transform_indices = @transform_3, window_bounds = array<i64: 128, 128>}, {transform_indices = @transform_4, window_bounds = array<i64: 1000, 128>}]} {
    %get3A = arith.constant 0 : index
    %get3A_0 = arith.constant 0 : index
    %get3A_1 = arith.constant 0 : index
    %get3A_2 = vector.load %arg1[%get3A, %get3A_0, %get3A_1] : memref<2x1000x128xf32, #tpu.memory_space<vmem>>, vector<1x1000x128xf32>
    %get3A_3 = vector.shape_cast %get3A_2 : vector<1x1000x128xf32> to vector<1000x128xf32>
    %get3A_4 = arith.constant 1 : index
    %get3A_5 = arith.constant 0 : index
    %get3A_6 = arith.constant 0 : index
    %get3A_7 = vector.load %arg1[%get3A_4, %get3A_5, %get3A_6] : memref<2x1000x128xf32, #tpu.memory_space<vmem>>, vector<1x1000x128xf32>
    %get3A_8 = vector.shape_cast %get3A_7 : vector<1x1000x128xf32> to vector<1000x128xf32>
    %add3A = arith.addf %get3A_3, %get3A_8 : vector<1000x128xf32>
    %get3A_9 = arith.constant 0 : index
    %get3A_10 = arith.constant 0 : index
    %get3A_11 = vector.load %arg2[%get3A_9, %get3A_10] : memref<1000x1xf32, #tpu.memory_space<vmem>>, vector<1000x1xf32>
    %mul3A = vector.broadcast %get3A_11 : vector<1000x1xf32> to vector<1000x128xf32>
    %mul3A_12 = arith.mulf %add3A, %mul3A : vector<1000x128xf32>
    %get3A_13 = arith.constant 0 : index
    %get3A_14 = arith.constant 0 : index
    %get3A_15 = vector.load %arg3[%get3A_13, %get3A_14] : memref<1x128xf32, #tpu.memory_space<vmem>>, vector<1x128xf32>
    %add3A_16 = vector.broadcast %get3A_15 : vector<1x128xf32> to vector<1000x128xf32>
    %add3A_17 = arith.addf %mul3A_12, %add3A_16 : vector<1000x128xf32>
    %max3A = arith.constant 0.000000e+00 : f32
    %max3A_18 = vector.broadcast %max3A : f32 to vector<1000x128xf32>
    %max3A_19 = arith.maximumf %add3A_17, %max3A_18 : vector<1000x128xf32>
    %get3A_20 = arith.constant 0 : index
    %get3A_21 = arith.constant 0 : index
    %get3A_22 = vector.load %arg4[%get3A_20, %get3A_21] : memref<128x128xf32, #tpu.memory_space<vmem>>, vector<128x128xf32>
    %dot_general3A = arith.constant dense<0.000000e+00> : vector<1000x128xf32>
    %dot_general3A_23 = tpu.matmul %max3A_19, %get3A_22, %dot_general3A {dimension_numbers = #tpu.dot_dimension_numbers<[1], [0], [0], [1], [0, 0, 1, 1], [], []>, transpose_lhs_hint = false} : vector<1000x128xf32>, vector<128x128xf32>, vector<1000x128xf32> -> vector<1000x128xf32>
    %mul3A_24 = vector.broadcast %get3A_11 : vector<1000x1xf32> to vector<1000x128xf32>
    %mul3A_25 = arith.mulf %dot_general3A_23, %mul3A_24 : vector<1000x128xf32>
    %swap3A = arith.constant 0 : index
    %swap3A_26 = arith.constant 0 : index
    %swap3A_27 = vector.load %arg5[%swap3A, %swap3A_26] : memref<1000x128xf32, #tpu.memory_space<vmem>>, vector<1000x128xf32>
    tpu.vector_store %arg5[%swap3A, %swap3A_26], %mul3A_25 {strides = array<i32>} : memref<1000x128xf32, #tpu.memory_space<vmem>>, vector<1000x128xf32>,
    return
  }
  func.func @transform_0(%arg0: i32) -> (i32, i32, i32) {
    %c0_i32 = arith.constant 0 : i32
    %c0_i32_0 = arith.constant 0 : i32
    %c0_i32_1 = arith.constant 0 : i32
    return %c0_i32, %arg0, %c0_i32_0 : i32, i32, i32
  }
  func.func @transform_1(%arg0: i32) -> (i32, i32) {
    %c0_i32 = arith.constant 0 : i32
    %c0_i32_0 = arith.constant 0 : i32
    return %arg0, %c0_i32 : i32, i32
  }
  func.func @transform_2(%arg0: i32) -> (i32, i32) {
    %c0_i32 = arith.constant 0 : i32
    %c0_i32_0 = arith.constant 0 : i32
    %c0_i32_1 = arith.constant 0 : i32
    return %c0_i32, %c0_i32_0 : i32, i32
  }
  func.func @transform_3(%arg0: i32) -> (i32, i32) {
    %c0_i32 = arith.constant 0 : i32
    %c0_i32_0 = arith.constant 0 : i32
    %c0_i32_1 = arith.constant 0 : i32
    return %c0_i32, %c0_i32_0 : i32, i32
  }
  func.func @transform_4(%arg0: i32) -> (i32, i32) {
    %c0_i32 = arith.constant 0 : i32
    %c0_i32_0 = arith.constant 0 : i32
    return %arg0, %c0_i32 : i32, i32
  }
}

module attributes {stable_mosaic.version = 14 : i64} {
  func.func @_post_body(%arg0: i32, %arg1: memref<2x1000x128xf32, #tpu.memory_space<vmem>>, %arg2: memref<1000x1xf32, #tpu.memory_space<vmem>>, %arg3: memref<1x64xf32, #tpu.memory_space<vmem>>, %arg4: memref<1000x64xf32, #tpu.memory_space<vmem>>) attributes {dimension_semantics = [#tpu.dimension_semantics<arbitrary>], iteration_bounds = array<i64: 10>, scalar_prefetch = 0 : i64, scratch_operands = 0 : i64, tpu.core_type = #tpu.core_type<tc>, window_params = [{transform_indices = @transform_0, window_bounds = array<i64: 2, 1000, 128>}, {transform_indices = @transform_1, window_bounds = array<i64: 1000, 1>}, {pipeline_mode = #tpu.pipeline_mode<synchronous>, transform_indices = @transform_2, window_bounds = array<i64: 1, 64>}, {transform_indices = @transform_3, window_bounds = array<i64: 1000, 64>}]} {
    %get3A = arith.constant 0 : index
    %get3A_0 = arith.constant 0 : index
    %get3A_1 = arith.constant 0 : index
    %get3A_2 = vector.load %arg1[%get3A, %get3A_0, %get3A_1] : memref<2x1000x128xf32, #tpu.memory_space<vmem>>, vector<1x1000x128xf32>
    %get3A_3 = vector.shape_cast %get3A_2 : vector<1x1000x128xf32> to vector<1000x128xf32>
    %get3A_4 = arith.constant 1 : index
    %get3A_5 = arith.constant 0 : index
    %get3A_6 = arith.constant 0 : index
    %get3A_7 = vector.load %arg1[%get3A_4, %get3A_5, %get3A_6] : memref<2x1000x128xf32, #tpu.memory_space<vmem>>, vector<1x1000x128xf32>
    %get3A_8 = vector.shape_cast %get3A_7 : vector<1x1000x128xf32> to vector<1000x128xf32>
    %add3A = arith.addf %get3A_3, %get3A_8 : vector<1000x128xf32>
    %get3A_9 = arith.constant 0 : index
    %get3A_10 = arith.constant 0 : index
    %get3A_11 = vector.load %arg2[%get3A_9, %get3A_10] : memref<1000x1xf32, #tpu.memory_space<vmem>>, vector<1000x1xf32>
    %mul3A = vector.broadcast %get3A_11 : vector<1000x1xf32> to vector<1000x128xf32>
    %mul3A_12 = arith.mulf %add3A, %mul3A : vector<1000x128xf32>
    %slice3A = vector.extract_strided_slice %mul3A_12 {offsets = [0, 0], sizes = [1000, 64], strides = [1, 1]} : vector<1000x128xf32> to vector<1000x64xf32>
    %get3A_13 = arith.constant 0 : index
    %get3A_14 = arith.constant 0 : index
    %get3A_15 = vector.load %arg3[%get3A_13, %get3A_14] : memref<1x64xf32, #tpu.memory_space<vmem>>, vector<1x64xf32>
    %add3A_16 = vector.broadcast %get3A_15 : vector<1x64xf32> to vector<1000x64xf32>
    %add3A_17 = arith.addf %slice3A, %add3A_16 : vector<1000x64xf32>
    %swap3A = arith.constant 0 : index
    %swap3A_18 = arith.constant 0 : index
    %swap3A_19 = vector.load %arg4[%swap3A, %swap3A_18] : memref<1000x64xf32, #tpu.memory_space<vmem>>, vector<1000x64xf32>
    tpu.vector_store %arg4[%swap3A, %swap3A_18], %add3A_17 {strides = array<i32>} : memref<1000x64xf32, #tpu.memory_space<vmem>>, vector<1000x64xf32>,
    return
  }
  func.func @transform_0(%arg0: i32) -> (i32, i32, i32) {
    %c0_i32 = arith.constant 0 : i32
    %c0_i32_0 = arith.constant 0 : i32
    %c0_i32_1 = arith.constant 0 : i32
    return %c0_i32, %arg0, %c0_i32_0 : i32, i32, i32
  }
  func.func @transform_1(%arg0: i32) -> (i32, i32) {
    %c0_i32 = arith.constant 0 : i32
    %c0_i32_0 = arith.constant 0 : i32
    return %arg0, %c0_i32 : i32, i32
  }
  func.func @transform_2(%arg0: i32) -> (i32, i32) {
    %c0_i32 = arith.constant 0 : i32
    %c0_i32_0 = arith.constant 0 : i32
    %c0_i32_1 = arith.constant 0 : i32
    return %c0_i32, %c0_i32_0 : i32, i32
  }
  func.func @transform_3(%arg0: i32) -> (i32, i32) {
    %c0_i32 = arith.constant 0 : i32
    %c0_i32_0 = arith.constant 0 : i32
    return %arg0, %c0_i32 : i32, i32
  }
}

</mosaic_0001>

<sc_bundles>
// kernel: kernel.11.cloned.1.call-start
scs
__scs_entry_jumppad:
0x0: {  	(pc) =	sbr.rel $0x88, $3  }
0x1: {  	(tag) =	ssettag $0x0;
	lr =	simm.s32 $0x1  }
0x2: {  	[smem:$0x3F9B] =	sst lr;
	_ =	strace $0xD0000000  }
0x3: {  	_ = 	snop  }
0x4: {  	_ = 	snop  }
0x5: {  	_ = 	snop  }
0x6: {  	_ = 	snop  }
0x7: {  	_ = 	snop  }
__scs_overlays_trampoline_lowered:
0x8: {  	[smem:$0x3FAA] =	sst s0  }
0x9: {  	[smem:$0x3FAB] =	sst s1  }
0xa: {  	[smem:$0x3FAC] =	sst s2  }
0xb: {  	[smem:$0x3FAD] =	sst s3  }
0xc: {  	[smem:$0x3FAE] =	sst s4  }
0xd: {  	[smem:$0x3FAF] =	sst s5  }
0xe: {  	[smem:$0x3FB0] =	sst s6  }
0xf: {  	[smem:$0x3FB1] =	sst s7  }
0x10: {  	[smem:$0x3FB2] =	sst s8  }
0x11: {  	[smem:$0x3FB3] =	sst s9;
	s0 =	simm.s32 @!p0 $0x0  }
0x12: {  	s1 =	sld [smem:$0x3F99];
	s0 =	simm.s32 @p0 $0x1  }
0x13: {  	[smem:$0x3FB4] =	sst s0;
	s0 =	simm.s32 @!p1 $0x0  }
0x14: {  	s2 =	sld [smem:$0x3F98];
	s0 =	simm.s32 @p1 $0x1  }
0x15: {  	[smem:$0x3FB5] =	sst s0;
	s0 =	simm.s32 @!p2 $0x0  }
0x16: {  	s3 =	sld [smem:$0x3FDB];
	s0 =	simm.s32 @p2 $0x1  }
0x17: {  	s4 =	simm.s32 $0x1BF5;
	[smem:$0x3FB7] =	sst s0  }
0x18: {  	s0 =	sld [smem:$0x3F9A];
	_ =	swait.ge [sflag:s4], $0x0  }
0x19: {  	s7 =	sld [smem:$0x3F9B]  }
0x1a: {  	s8 =	sadd.s32 $0xFFFFE003, lr  }
0x1b: {  	s9 =	sadd.s32 $0xFFFFFEF7, lr;
	s5 =	simm.s32 $0xFFFFFFFF;
	p2 =	slt.u32 s8, $0xFFFFF086  }
0x1c: {  	p1 =	slt.u32 s9, $0xF7A;
	s5 =	simm.s32 @!p2 $0x0  }
0x1d: {  	s5 =	simm.s32 @p1 $0x1;
	p0 =	seq.s32 s7, s2  }
0x1e: {  	s7 =	smul.u32 @!p0 $0xF7A, s2;
	p2 =	seq.s32 @!p0 s5, $0x0  }
0x1f: {  	s9 =	smul.u32 $0xF7A, s1;
	s8 =	simm.s32 @!p0 $0x1BF5;
	p2 =	por !p2, p0  }
0x20: {  	[sflag:s8] =	ssyncset.s32 @!p0 $0xFFFFF086;
	s6 =	sadd.s32 @!p0 s3, s7;
	s7 =	simm.s32 @!p0 $0x108  }
0x21: {  	s3 =	sadd.s32 s3, s9;
	s6 =	sadd.s32 @!p0 $0x88, s6;
	s7 =	simm.s32 @p2 $0x1082  }
0x22: {  	[simem:s7], [sflag:s8] =	dma.local @!p0 [hbm:s6], $0xF7A  }
0x23: {  	s9 =	sor.u32 $0xD0000000, s2;
	s6 =	simm.s32 $0x108;
	_ =	swait.ge @!p0 [sflag:s8], $0x0  }
0x24: {  	s3 =	sadd.s32 $0x88, s3;
	s6 =	simm.s32 @!p1 $0x1082;
	[sflag:s4] =	ssyncset.s32 $0xFFFFF086  }
0x25: {  	[simem:s6], [sflag:s4] =	dma.local [hbm:s3], $0xF7A  }
0x26: {  	[smem:$0x3F9B] =	sst s1;
	(tag) =	ssettag s2;
	_ =	strace s9  }
0x27: {  	s1 =	sld [smem:$0x3FAB]  }
0x28: {  	s2 =	sld [smem:$0x3FAC]  }
0x29: {  	s4 =	sld [smem:$0x3FAE]  }
0x2a: {  	p0 =	seq.s32 s5, $0x0;
	s5 =	sld [smem:$0x3FAF]  }
0x2b: {  	s6 =	sld [smem:$0x3FB0]  }
0x2c: {  	s7 =	sld [smem:$0x3FB1]  }
0x2d: {  	s3 =	simm.s32 $0x108;
	s8 =	sld [smem:$0x3FB2]  }
0x2e: {  	s3 =	simm.s32 @!p0 $0x1082;
	s9 =	sld [smem:$0x3FB3]  }
0x2f: {  	lr =	sadd.s32 s0, s3;
	s0 =	sld [smem:$0x3FAA]  }
0x30: {  	s3 =	sld [smem:$0x3FAD]  }
0x31: {  	[smem:$0x3FB6] =	sst s10  }
0x32: {  	s10 =	sld [smem:$0x3FB4];
	_ =	sdelay $0x3  }
0x33: {  	p0 =	seq.s32 s10, $0x1;
	s10 =	sld [smem:$0x3FB6];
	_ =	sdelay $0x3  }
0x34: {  	[smem:$0x3FB6] =	sst s10  }
0x35: {  	s10 =	sld [smem:$0x3FB5];
	_ =	sdelay $0x3  }
0x36: {  	p1 =	seq.s32 s10, $0x1;
	s10 =	sld [smem:$0x3FB6];
	_ =	sdelay $0x3  }
0x37: {  	[smem:$0x3FB6] =	sst s10  }
0x38: {  	s10 =	sld [smem:$0x3FB7]  }
0x39: {  	_ = 	snop;
	(pc) =	sbr.ind lr, $3  }
0x3a: {  	_ = 	snop  }
0x3b: {  	_ = 	snop  }
0x3c: {  	p2 =	seq.s32 s10, $0x1;
	s10 =	sld [smem:$0x3FB6]  }
0x3d: {  	_ =	shalt  }
0x3e: {  	_ =	shalt  }
0x3f: {  	_ =	shalt  }
0x40: {  	_ =	shalt  }
0x41: {  	_ =	shalt  }
0x42: {  	_ =	shalt  }
0x43: {  	_ =	shalt  }
0x44: {  	_ =	shalt  }
0x45: {  	_ =	shalt  }
0x46: {  	_ =	shalt  }
0x47: {  	_ =	shalt  }
0x48: {  	_ =	shalt  }
0x49: {  	_ =	shalt  }
0x4a: {  	_ =	shalt  }
0x4b: {  	_ =	shalt  }
0x4c: {  	_ =	shalt  }
0x4d: {  	_ =	shalt  }
0x4e: {  	_ =	shalt  }
0x4f: {  	_ =	shalt  }
0x50: {  	_ =	shalt  }
0x51: {  	_ =	shalt  }
0x52: {  	_ =	shalt  }
0x53: {  	_ =	shalt  }
0x54: {  	_ =	shalt  }
0x55: {  	_ =	shalt  }
0x56: {  	_ =	shalt  }
0x57: {  	_ =	shalt  }
0x58: {  	_ =	shalt  }
0x59: {  	_ =	shalt  }
0x5a: {  	_ =	shalt  }
0x5b: {  	_ =	shalt  }
0x5c: {  	_ =	shalt  }
0x5d: {  	_ =	shalt  }
0x5e: {  	_ =	shalt  }
0x5f: {  	_ =	shalt  }
0x60: {  	_ =	shalt  }
0x61: {  	_ =	shalt  }
0x62: {  	_ =	shalt  }
0x63: {  	_ =	shalt  }
0x64: {  	_ =	shalt  }
0x65: {  	_ =	shalt  }
0x66: {  	_ =	shalt  }
0x67: {  	_ =	shalt  }
0x68: {  	_ =	shalt  }
0x69: {  	_ =	shalt  }
0x6a: {  	_ =	shalt  }
0x6b: {  	_ =	shalt  }
0x6c: {  	_ =	shalt  }
0x6d: {  	_ =	shalt  }
0x6e: {  	_ =	shalt  }
0x6f: {  	_ =	shalt  }
0x70: {  	_ =	shalt  }
0x71: {  	_ =	shalt  }
0x72: {  	_ =	shalt  }
0x73: {  	_ =	shalt  }
0x74: {  	_ =	shalt  }
0x75: {  	_ =	shalt  }
0x76: {  	_ =	shalt  }
0x77: {  	_ =	shalt  }
0x78: {  	_ =	shalt  }
0x79: {  	_ =	shalt  }
0x7a: {  	_ =	shalt  }
0x7b: {  	_ =	shalt  }
0x7c: {  	_ =	shalt  }
0x7d: {  	_ =	shalt  }
0x7e: {  	_ =	shalt  }
0x7f: {  	_ =	shalt  }
0x80: {  	_ =	shalt  }
0x81: {  	_ =	shalt  }
0x82: {  	_ =	shalt  }
0x83: {  	_ =	shalt  }
0x84: {  	_ =	shalt  }
0x85: {  	_ =	shalt  }
0x86: {  	_ =	shalt  }
0x87: {  	_ =	shalt  }
.Lfunc_end0:
.L_simem_size_0:
called_computation.1_lowered:
.L_overlay_start_0:
0x88: {  	s2 =	sld [smem:$0x3FD9]  }
0x89: {  	s3 =	sld [smem:$0x3FFE];
	_ =	sdelay $0x1  }
0x8a: {  	s1 =	srdreg.scid  }
0x8b: {  	s0 =	sand.u32 $0x1, s1  }
0x8c: {  	s16 =	sshll.u32 s0, $0xA;
	s2 =	sadd.s32 s3, s2  }
0x8d: {  	s2 =	sadd.s32 s2, s16  }
0x8e: {  	[smem:$0x3FC2] =	sst s2  }
0x8f: {  	_ = 	snop  }
0x90: {  	(tm) =	ssettm $0x1  }
0x91: {  	s17 =	sld [smem:$0x3FFB];
	_ =	sdelay $0x3  }
0x92: {  	_ =	strace s17  }
0x93: {  	s2 =	sld [smem:$0x3FFC];
	_ =	sdelay $0x3  }
0x94: {  	_ =	strace s2  }
0x95: {  	s2 =	sld [smem:$0x3FFD];
	_ =	sdelay $0x3  }
0x96: {  	_ =	strace s2  }
0x97: {  	_ =	strace $0x8FFFFFFF  }
0x98: {  	s18 =	sld [smem:$0x3FDB];
	_ =	sdelay $0x1  }
0x99: {  	s19 =	simm.s32 $_scs_section_size  }
0x9a: {  	s4 =	simm.s32 $_size__tile_overlayer_lowered;
	s5 =	simm.s32 $_tile_overlayer_lowered  }
0x9b: {  	s22 =	simm.s32 $0x1BFF;
	s21 =	sshll.u32 s5, $0x1;
	s2 =	sadd.s32 s19, s18  }
0x9c: {  	s6 =	simm.s32 $0x0;
	s20 =	sshll.u32 s4, $0x1;
	s4 =	sadd.s32 s21, s2  }
0x9d: {  	[timem:s6], [sflag:s22] =	dma.local [hbm:s4], s20  }
0x9e: {  	_ =	swait.ge [sflag:s22], s20  }
0x9f: {  	s3 =	ssub.s32 $0x0, s20;
	[sflag:s22] =	ssyncset.done $0x0  }
0xa0: {  	[sflag:s22] =	ssyncadd.s32 s3;
	_ =	sdelay $0x1  }
0xa1: {  	s23 =	simm.s32 $0x1B8B  }
0xa2: {  	_ =	swait.ge [sflag:s23], $0x1  }
0xa3: {  	[sflag:s23] =	ssyncset.done $0x0  }
0xa4: {  	s25 =	simm.s32 $0x1B8E;
	s24 =	sld [smem:$0x3FFE];
	[sflag:s23] =	ssyncadd.s32 $0xFFFFFFFF  }
0xa5: {  	s26 =	simm.s32 $execute0_lowered;
	[smem:$0x3FD2] =	sst s25  }
0xa6: {  	s4 =	sshll.u32 s26, $0x1;
	_ =	strace $0x80000049;
	[dreg:$0x1] =	wrdreg $0xFFFFFFFF  }
0xa7: {  	s28 =	simm.s32 $_size_execute0_lowered;
	s2 =	sadd.s32 s2, s4;
	[dreg:$0x0] =	wrdreg $0x0  }
0xa8: {  	s4 =	sshll.u32 s28, $0x1;
	[dreg:$0x2] =	wrdreg s2  }
0xa9: {  	[dreg:$0x3] =	wrdreg s4  }
0xaa: {  	[dreg:$0x4] =	wrdreg $0xC0  }
0xab: {  	_ =	task [dreg:s6], $0x5FFFF  }
0xac: {  	[dreg:$0x1] =	wrdreg $0xFFFFFFFF  }
0xad: {  	[dreg:$0x0] =	wrdreg $0x60  }
0xae: {  	[dreg:$0x2] =	wrdreg s24  }
0xaf: {  	[dreg:$0x3] =	wrdreg $0xAC000  }
0xb0: {  	[dreg:$0x4] =	wrdreg $0x9  }
0xb1: {  	_ =	task.clear_ibuf [dreg:s6], $0x5FFFF;
	_ =	strace $0x90000049  }
0xb2: {  	s29 =	simm.s32 $0x9;
	_ =	strace $0x8000004B  }
0xb3: {  	_ =	swait.ge [sflag:s29], $0x1  }
0xb4: {  	[sflag:s29] =	ssyncadd.s32 $0xFFFFFFFF  }
0xb5: {  	_ =	strace $0x9000004B  }
0xb6: {  	_ =	sfence  }
0xb7: {  	s30 =	sld [smem:$0x0];
	_ =	sdelay $0x2  }
0xb8: {  	s31 =	sshll.u32 s1, $0xD;
	s1 =	sshrl.u32 s1, $0x2  }
0xb9: {  	s3 =	sand.u32 $0x4000, s31;
	s1 =	sadd.s32 s1, s30  }
0xba: {  	s0 =	sor.u32 s3, s0;
	s1 =	sshll.u32 s1, $0x11  }
0xbb: {  	s0 =	sor.u32 s1, s0  }
0xbc: {  	s0 =	sadd.s32 $0x8F2B, s0  }
0xbd: {  	[sflag:s0] =	ssyncadd.remote.s32 $0x1  }
0xbe: {  	_ =	sfence.sel $0xFFFF  }
0xbf: {  	[dreg:$0x0] =	wrdreg $0xFFFFFFFF;
	(pc) =	sbr.abs _section_cstart, $3  }
0xc0: {  	[dreg:$0x1] =	wrdreg $0xFFFFFFFF  }
0xc1: {  	_ =	task.clear_ibuf [dreg:s6], $0x2FFFF;
	_ =	strace $0x9FFFFFFF  }
0xc2: {  	(tm) =	ssettm $0x7FFFFFFF  }
0xc3: {  	_ =	shalt  }
tec
execute0_lowered:
.L_overlay_start_1:
0x0: {  	(tag) =	ssettag $0x1  }
0x1: {  	s0 =	rddreg [dreg:$0x0]  }
0x2: {  	s1 =	srdreg.scid;
	s13 =	stileid.u32  }
0x3: {  	s2 =	rddreg [dreg:$0x1];
	s18 =	simm.s32 $0x5;
	s28 =	simm.s32 $0x4C00  }
0x4: {  	s29 =	simm.s32 $0x6C00;
	s31 =	simm.s32 $0x8C00;
	s17 =	simm.s32 $0x3  }
0x5: {  	s19 =	simm.s32 $0x4;
	s30 =	simm.s32 $0x0;
	s8 =	smul.u32 $0x2800, s13  }
0x6: {  	s1 =	sand.u32 $0x1, s1;
	s4 =	sshrl.u32 s13, $0x2;
	s12 =	smul.u32 $0x50000, s13  }
0x7: {  	s3 =	sshll.u32 s13, $0x1;
	s14 =	sadd.s32 $0x48200, s0;
	s4 =	smul.u32 $0x14000, s4  }
0x8: {  	s6 =	sor.u32 s1, s3;
	s3 =	simm.s32 $0x0;
	s7 =	smul.u32 $0x28000, s1  }
0x9: {  	s11 =	ssub.s32 $0x2, s1;
	p0 =	seq.s32 s1, $0x1;
	s1 =	sadd.s32 $0x12C000, s2  }
0xa: {  	s5 =	sshll.u32 s6, $0x7;
	[smem:$0x7FF] =	sst s3;
	s22 =	sshrl.u32 s11, $0x1  }
0xb: {  	s24 =	sshrl.u32 s12, $0x2;
	p2 =	sne.s32 @!p0 s13, $0xF;
	s5 =	sand.u32 $0x380, s5  }
0xc: {  	_ =	strace $0x8000004A;
	s10 =	sadd.s32 s8, s7;
	s7 =	smul.u32 $0x5000, s6  }
0xd: {  	s11 =	ssub.s32 s11, s22;
	[dreg:$0x3] =	wrdreg s14;
	p1 =	por !p2, p0  }
0xe: {  	p2 =	por p2, p0;
	s5 =	sor.u32 s4, s5;
	s4 =	sadd.s32 $0x21000, s0  }
0xf: {  	s21 =	sadd.s32 s10, s0;
	s10 =	sadd.s32 s24, s2;
	s26 =	smax.u32 s11, $0x1  }
0x10: {  	s5 =	sshrl.u32 s5, $0x3;
	s23 =	sshrl.u32 s7, $0x3;
	s25 =	sadd.s32 s4, s8  }
0x11: {  	s8 =	sadd.s32 s14, s8;
	s6 =	sadd.s32 $0x70200, s21;
	[dreg:$0xa] =	wrdreg s26  }
0x12: {  	s21 =	sshrl.u32 @p0 s10, $0x3;
	s26 =	simm.s32 $0x2C00;
	[dreg:$0x6] =	wrdreg s25  }
0x13: {  	s9 =	sadd.s32 s5, s0;
	s5 =	sadd.s32 $0x3000, s0;
	[dreg:$0x8] =	wrdreg s8  }
0x14: {  	s0 =	sadd.s32 $0x46800, s0;
	[dreg:$0x9] =	wrdreg s6;
	s6 =	sshll.u32 @p0 s13, $0x6  }
.Ltmp0:
0x15: {  	s25 =	simm.s32 $0x40;
	s9 =	sadd.s32 $0x17000, s9;
	(pc) =	sbr.rel .LBB2_1-.Ltmp0, $4  }
0x16: {  	[dreg:$0x7] =	wrdreg s0;
	s0 =	sadd.s32 $0x138800, s2;
	s20 =	sor.u32 @p0 $0x1C05, s6  }
0x17: {  	s6 =	sshll.u32 @!p1 s13, $0x6;
	[dreg:$0x4] =	wrdreg s9;
	s9 =	sadd.s32 s5, s23  }
0x18: {  	s22 =	sor.u32 @!p1 $0x1C05, s6;
	s23 =	sshrl.u32 @!p2 s1, $0x3;
	s24 =	sshrl.u32 @!p2 s0, $0x3  }
0x19: {  	s1 =	simm.s32 $0x1;
	s0 =	simm.s32 $0x2;
	[dreg:$0x5] =	wrdreg s9  }
.LBB2_9:
0x1a: {  	s6 =	stileid.u32  }
0x1b: {  	[bflag:$0x0] =	sbarrier.arrive $0xFFFF;
	s6 =	sshll.u32 s6, $0x6  }
0x1c: {  	s8 =	sshrl.u32 s10, $0x3;
	s9 =	rddreg [dreg:$0x9];
	s6 =	sor.u32 $0x1C05, s6  }
0x1d: {  	[hbm:s9], [sflag:s6] =	dma.local [spmem:s8], $0x2800  }
0x1e: {  	_ =	swait.ge [sflag:s18], $0x2800  }
0x1f: {  	s30 =	sadd.s32 $0x1, s30;
	s16 =	rddreg [dreg:$0xa]  }
0x20: {  	p3 =	sne.s32 s30, s16  }
.Ltmp1:
0x21: {  	_ = 	snop;
	(pc) =	sbr.rel @!p3 .LBB2_10-.Ltmp1, $3  }
0x22: {  	_ =	sdelay $0x1  }
0x23: {  	[sflag:s18] =	ssyncset.done $0x0  }
0x24: {  	[sflag:s18] =	ssyncadd.s32 $0xFFFFD800  }
.LBB2_1:
0x25: {  	s6 =	rddreg [dreg:$0x4];
	s11 =	simm.s32 $0x80;
	s8 =	simm.s32 $0x400  }
0x26: {  	[tilespmem:s3], [sflag:$0x5] =	stream.strided.gather [hbm4b:s6+s11], $0x2800, s8, s11, $0x38;
	[tilespmem:$0x1EC00] =	vst v63  }
0x27: {  	_ =	swait.ge [sflag:s18], $0x2800  }
0x28: {  	[sflag:s18] =	ssyncset.done $0x0  }
0x29: {  	s15 =	simm.s32 $0x2800;
	s14 =	rddreg [dreg:$0x5];
	[sflag:s18] =	ssyncadd.s32 $0xFFFFD800  }
0x2a: {  	[tilespmem:s15], [sflag:$0x5] =	stream.linear.gather [hbm4b:s14+s3], $0x400, $0x38;
	[tilespmem:$0x1EC00] =	vst v63  }
0x2b: {  	_ =	swait.ge [sflag:s18], $0x400  }
0x2c: {  	[sflag:s18] =	ssyncset.done $0x0  }
0x2d: {  	s6 =	rddreg [dreg:$0x8];
	[sflag:s18] =	ssyncadd.s32 $0xFFFFFC00  }
0x2e: {  	[spmem:s21], [sflag:s20] =	dma.local @p0 [hbm:s6], $0x2800  }
0x2f: {  	s6 =	simm.s32 @p0 $0x5  }
0x30: {  	_ =	swait.ge @p0 [sflag:s6], $0x2800  }
0x31: {  	[sflag:s6] =	ssyncset.done @p0 $0x0  }
0x32: {  	s8 =	rddreg [dreg:$0x6];
	[sflag:s6] =	ssyncadd.s32 @p0 $0xFFFFD800;
	s6 =	sshrl.u32 @!p1 s10, $0x3  }
0x33: {  	[spmem:s6], [sflag:s22] =	dma.local @!p1 [hbm:s8], $0x2800  }
0x34: {  	s6 =	simm.s32 @!p1 $0x5  }
0x35: {  	_ =	swait.ge @!p1 [sflag:s6], $0x2800  }
0x36: {  	[sflag:s6] =	ssyncset.done @!p1 $0x0  }
0x37: {  	s8 =	rddreg [dreg:$0x7];
	[sflag:s6] =	ssyncadd.s32 @!p1 $0xFFFFD800;
	s6 =	simm.s32 @!p2 $0x1FC5  }
0x38: {  	[spmem:s23], [sflag:s6] =	dma.local @!p2 [hbm:s8], $0x1900  }
0x39: {  	s8 =	simm.s32 @!p2 $0x5  }
0x3a: {  	_ =	swait.ge @!p2 [sflag:s8], $0x1900  }
0x3b: {  	[sflag:s8] =	ssyncset.done @!p2 $0x0  }
0x3c: {  	s9 =	rddreg [dreg:$0x3];
	[sflag:s8] =	ssyncadd.s32 @!p2 $0xFFFFE700  }
0x3d: {  	[spmem:s24], [sflag:s6] =	dma.local @!p2 [hbm:s9], $0xF00  }
0x3e: {  	_ =	swait.ge @!p2 [sflag:s8], $0xF00  }
0x3f: {  	[sflag:s8] =	ssyncset.done @!p2 $0x0  }
0x40: {  	[sflag:s8] =	ssyncadd.s32 @!p2 $0xFFFFF100  }
0x41: {  	[bflag:$0x0] =	sbarrier.arrive $0xFFFF  }
0x42: {  	[tilespmem:s26], [sflag:$0x1] =	stream.indirect.gather [hbm4b:s4+s25], $0x80, s3, s25, $0xb8;
	[tilespmem:$0x1EC00] =	vst v63  }
0x43: {  	_ = 	snop  }
0x44: {  	[tilespmem:s28], [sflag:$0x1] =	stream.indirect.gather [hbm4b:s4+s25], $0x80, s25, s25, $0xb8;
	[tilespmem:$0x1EC00] =	vst v63  }
.Ltmp2:
0x45: {  	_ = 	snop;
	(pc) =	sbr.rel .LBB2_2-.Ltmp2, $4  }
0x46: {  	s16 =	simm.s32 $0xC0;
	s6 =	simm.s32 $0x0  }
0x47: {  	[tilespmem:s29], [sflag:$0x2] =	stream.indirect.gather [hbm4b:s4+s25], $0x80, s11, s25, $0xb8;
	[tilespmem:$0x1EC00] =	vst v63  }
0x48: {  	s9 =	simm.s32 $0x0;
	s8 =	simm.s32 $0x0;
	s11 =	simm.s32 $0x0  }
0x49: {  	[tilespmem:s31], [sflag:$0x2] =	stream.indirect.gather [hbm4b:s4+s25], $0x80, s16, s25, $0xb8;
	[tilespmem:$0x1EC00] =	vst v63  }
.LBB2_3:
0x4a: {  	_ =	swait.ge [sflag:s17], $0x2000  }
0x4b: {  	[sflag:s17] =	ssyncset.done $0x0  }
0x4c: {  	[sflag:s17] =	ssyncadd.s32 $0xFFFFE000  }
.LBB2_5:
0x4d: {  	s12 =	sor.u32 $0x1, s12;
	p3 =	por $0x0, $0x0  }
.LBB2_7:
0x4e: {  	_ =	swait.ge [sflag:s19], $0x100  }
0x4f: {  	[sflag:s19] =	ssyncset.done $0x0  }
0x50: {  	[sflag:s19] =	ssyncadd.s32 $0xFFFFFF00  }
.LBB2_8:
0x51: {  	_ =	swait.ge [sflag:s0], $0x2000  }
0x52: {  	s12 =	sshll.u32 s12, $0x8;
	[sflag:s0] =	ssyncset.done $0x0  }
0x53: {  	s13 =	sor.u32 $0x2800, s12;
	[sflag:s0] =	ssyncadd.s32 $0xFFFFE000  }
0x54: {  	[spmem:s2] =	stream.indirect.scatter.add.f32 [tilespmem:s29], [sflag:$0x3], $0x80, s13, s25, $0xb8;
	[tilespmem:$0x1EC00] =	vst v63  }
0x55: {  	_ =	swait.ge [sflag:s0], $0x2000  }
0x56: {  	[sflag:s0] =	ssyncset.done $0x0  }
0x57: {  	s12 =	sor.u32 $0x2880, s12;
	[sflag:s0] =	ssyncadd.s32 $0xFFFFE000  }
0x58: {  	[spmem:s2] =	stream.indirect.scatter.add.f32 [tilespmem:s31], [sflag:$0x3], $0x80, s12, s25, $0xb8;
	[tilespmem:$0x1EC00] =	vst v63  }
0x59: {  	_ =	swait.ge [sflag:s17], $0x2000  }
0x5a: {  	p4 =	seq.s32 s9, $0x9C00;
	[sflag:s17] =	ssyncset.done $0x0  }
0x5b: {  	s12 =	simm.s32 @p4 $0x3;
	[sflag:s17] =	ssyncadd.s32 $0xFFFFE000  }
0x5c: {  	_ =	swait.ge @p4 [sflag:s12], $0x2000  }
0x5d: {  	[sflag:s12] =	ssyncset.done @p4 $0x0  }
0x5e: {  	[sflag:s12] =	ssyncadd.s32 @p4 $0xFFFFE000;
	s12 =	sshra.s32 @!p4 s9, $0x2  }
0x5f: {  	s16 =	simm.s32 @!p4 $0x40;
	s15 =	simm.s32 @!p4 $0x6C00;
	s14 =	sadd.s32 @!p4 $0x180, s12  }
0x60: {  	[tilespmem:s15], [sflag:$0x2] =	stream.indirect.gather @!p4 [hbm4b:s4+s16], $0x80, s14, s16, $0xb8;
	[tilespmem:$0x1EC00] =	vst v63  }
0x61: {  	s14 =	simm.s32 @!p4 $0x3  }
0x62: {  	_ =	swait.ge @!p4 [sflag:s14], $0x2000  }
0x63: {  	[sflag:s14] =	ssyncset.done @!p4 $0x0  }
0x64: {  	s12 =	sadd.s32 @!p4 $0x1C0, s12;
	[sflag:s14] =	ssyncadd.s32 @!p4 $0xFFFFE000;
	s14 =	simm.s32 @!p4 $0x8C00  }
0x65: {  	[tilespmem:s14], [sflag:$0x2] =	stream.indirect.gather @!p4 [hbm4b:s4+s16], $0x80, s12, s16, $0xb8;
	[tilespmem:$0x1EC00] =	vst v63  }
0x66: {  	s12 =	sadd.s32 @p3 $0x500, s8  }
0x67: {  	s14 =	sand.u32 @p3 $0xFC00, s12  }
0x68: {  	s12 =	sand.u32 @p3 $0x300, s12;
	s14 =	sadd.s32 @p3 s7, s14  }
0x69: {  	s12 =	sor.u32 @p3 s12, s14  }
0x6a: {  	s12 =	sshrl.u32 @p3 s12, $0x3  }
0x6b: {  	s9 =	sadd.s32 $0x400, s9;
	s14 =	simm.s32 @p3 $0x0;
	s12 =	sadd.s32 @p3 s5, s12  }
0x6c: {  	[tilespmem:s13], [sflag:$0x4] =	stream.linear.gather @p3 [hbm4b:s12+s14], $0x100, $0x38;
	[tilespmem:$0x1EC00] =	vst v63  }
0x6d: {  	p3 =	sne.s32 s9, $0xA000  }
.Ltmp3:
0x6e: {  	_ = 	snop;
	(pc) =	sbr.rel @!p3 .LBB2_9-.Ltmp3, $2  }
0x6f: {  	_ =	sdelay $0x2  }
0x70: {  	s11 =	sadd.s32 $0x1, s11;
	s6 =	sadd.s32 $0x2, s6;
	s8 =	sadd.s32 $0x200, s8  }
.LBB2_2:
0x71: {  	p4 =	slt.u32 s11, $0x2  }
0x72: {  	s12 =	simm.s32 @!p4 $0x4  }
0x73: {  	_ =	swait.ge @!p4 [sflag:s12], $0x100  }
0x74: {  	[sflag:s12] =	ssyncset.done @!p4 $0x0  }
0x75: {  	[sflag:s12] =	ssyncadd.s32 @!p4 $0xFFFFFF00  }
0x76: {  	s12 =	sand.u32 $0x2, s6;
	_ =	swait.ge [sflag:s1], $0x2000  }
0x77: {  	s13 =	sshll.u32 s12, $0x8;
	[sflag:s1] =	ssyncset.done $0x0  }
0x78: {  	s16 =	sor.u32 $0x2800, s13;
	[sflag:s1] =	ssyncadd.s32 $0xFFFFE000  }
0x79: {  	[spmem:s2] =	stream.indirect.scatter.add.f32 [tilespmem:s26], [sflag:$0x3], $0x80, s16, s25, $0xb8;
	[tilespmem:$0x1EC00] =	vst v63  }
0x7a: {  	_ =	swait.ge [sflag:s1], $0x2000  }
0x7b: {  	p3 =	sne.s32 s9, $0x9C00;
	[sflag:s1] =	ssyncset.done $0x0  }
.Ltmp4:
0x7c: {  	s13 =	sor.u32 $0x2880, s13;
	[sflag:s1] =	ssyncadd.s32 $0xFFFFE000;
	(pc) =	sbr.rel @!p3 .LBB2_3-.Ltmp4, $4  }
0x7d: {  	[spmem:s2] =	stream.indirect.scatter.add.f32 [tilespmem:s28], [sflag:$0x3], $0x80, s13, s25, $0xb8;
	[tilespmem:$0x1EC00] =	vst v63  }
0x7e: {  	_ =	swait.ge [sflag:s17], $0x2000  }
0x7f: {  	[sflag:s17] =	ssyncset.done $0x0  }
0x80: {  	[sflag:s17] =	ssyncadd.s32 $0xFFFFE000  }
0x81: {  	s13 =	sshra.s32 s9, $0x2  }
0x82: {  	p3 =	slt.u32 s11, $0x26;
	s14 =	sadd.s32 $0x100, s13  }
0x83: {  	[tilespmem:s26], [sflag:$0x1] =	stream.indirect.gather [hbm4b:s4+s25], $0x80, s14, s25, $0xb8;
	[tilespmem:$0x1EC00] =	vst v63  }
.Ltmp5:
0x84: {  	_ = 	snop;
	(pc) =	sbr.rel @!p3 .LBB2_5-.Ltmp5, $4  }
0x85: {  	_ =	swait.ge [sflag:s17], $0x2000  }
0x86: {  	[sflag:s17] =	ssyncset.done $0x0  }
0x87: {  	s13 =	sadd.s32 $0x140, s13;
	[sflag:s17] =	ssyncadd.s32 $0xFFFFE000  }
0x88: {  	[tilespmem:s28], [sflag:$0x1] =	stream.indirect.gather [hbm4b:s4+s25], $0x80, s13, s25, $0xb8;
	[tilespmem:$0x1EC00] =	vst v63  }
0x89: {  	s13 =	sadd.s32 $0x400, s8  }
0x8a: {  	s13 =	sand.u32 $0xFC00, s13  }
.Ltmp6:
0x8b: {  	s14 =	sand.u32 $0x200, s8;
	s13 =	sadd.s32 s7, s13;
	(pc) =	sbr.rel @p4 .LBB2_8-.Ltmp6, $4  }
.Ltmp7:
0x8c: {  	s13 =	sor.u32 s14, s13;
	(pc) =	sbr.rel @!p4 .LBB2_7-.Ltmp7, $4  }
0x8d: {  	s13 =	sshrl.u32 s13, $0x3  }
0x8e: {  	s12 =	sor.u32 $0x1, s12;
	p3 =	por $0x1, $0x1;
	s13 =	sadd.s32 s5, s13  }
0x8f: {  	[tilespmem:s16], [sflag:$0x4] =	stream.linear.gather [hbm4b:s13+s3], $0x100, $0x38;
	[tilespmem:$0x1EC00] =	vst v63  }
0x90: {  	_ = 	snop  }
.LBB2_10:
0x91: {  	_ =	sfence.sel $0x180000  }
0x92: {  	[bflag:$0x0] =	sbarrier.arrive $0xFFFF  }
0x93: {  	_ =	strace $0x9000004A  }
0x94: {  	s0 =	stileid.u32;
	[bflag:$0x2] =	sbarrier.arrive $0xFFFF  }
0x95: {  	p0 =	sne.s32 s0, $0x0;
	s0 =	rddreg [dreg:$0x2]  }
0x96: {  	s0 =	sadd.s32 @!p0 $0x100000, s0  }
0x97: {  	[sflag:s0] =	ssyncadd.tile.s32 @!p0 $0x1;
	_ =	shalt  }
.Lfunc_end2:
_tile_overlayer_lowered:
.L_overlay_start_2:
0x98: {  	(tag) =	ssettag $0x2  }
0x99: {  	s0 =	rddreg [dreg:$0x0];
	s2 =	stileid.u32  }
0x9a: {  	s1 =	rddreg [dreg:$0x1];
	p0 =	sne.s32 s2, $0x0  }
0x9b: {  	s3 =	rddreg [dreg:$0x2];
	[bflag:$0x3] =	sbarrier.arrive $0xFFFF;
	s2 =	simm.s32 @!p0 $0x1C05  }
0x9c: {  	[timem:s3], [sflag:s2] =	dma.local @!p0 [hbm:s0], s1  }
0x9d: {  	s0 =	simm.s32 @!p0 $0x5  }
0x9e: {  	_ =	swait.ge @!p0 [sflag:s0], s1  }
0x9f: {  	s1 =	ssub.s32 @!p0 $0x0, s1;
	[sflag:s0] =	ssyncset.done @!p0 $0x0  }
0xa0: {  	[sflag:s0] =	ssyncadd.s32 @!p0 s1  }
0xa1: {  	[bflag:$0x3] =	sbarrier.arrive $0xFFFF  }
0xa2: {  	_ =	shalt  }

// kernel: kernel.14.cloned.1.call-start
scs
__scs_entry_jumppad:
0x0: {  	(pc) =	sbr.rel $0x88, $3  }
0x1: {  	(tag) =	ssettag $0x0;
	lr =	simm.s32 $0x1  }
0x2: {  	[smem:$0x3F9B] =	sst lr;
	_ =	strace $0xD0000000  }
0x3: {  	_ = 	snop  }
0x4: {  	_ = 	snop  }
0x5: {  	_ = 	snop  }
0x6: {  	_ = 	snop  }
0x7: {  	_ = 	snop  }
__scs_overlays_trampoline_lowered:
0x8: {  	[smem:$0x3FAA] =	sst s0  }
0x9: {  	[smem:$0x3FAB] =	sst s1  }
0xa: {  	[smem:$0x3FAC] =	sst s2  }
0xb: {  	[smem:$0x3FAD] =	sst s3  }
0xc: {  	[smem:$0x3FAE] =	sst s4  }
0xd: {  	[smem:$0x3FAF] =	sst s5  }
0xe: {  	[smem:$0x3FB0] =	sst s6  }
0xf: {  	[smem:$0x3FB1] =	sst s7  }
0x10: {  	[smem:$0x3FB2] =	sst s8  }
0x11: {  	[smem:$0x3FB3] =	sst s9;
	s0 =	simm.s32 @!p0 $0x0  }
0x12: {  	s1 =	sld [smem:$0x3F99];
	s0 =	simm.s32 @p0 $0x1  }
0x13: {  	[smem:$0x3FB4] =	sst s0;
	s0 =	simm.s32 @!p1 $0x0  }
0x14: {  	s2 =	sld [smem:$0x3F98];
	s0 =	simm.s32 @p1 $0x1  }
0x15: {  	[smem:$0x3FB5] =	sst s0;
	s0 =	simm.s32 @!p2 $0x0  }
0x16: {  	s3 =	sld [smem:$0x3FDB];
	s0 =	simm.s32 @p2 $0x1  }
0x17: {  	s4 =	simm.s32 $0x1BF5;
	[smem:$0x3FB7] =	sst s0  }
0x18: {  	s0 =	sld [smem:$0x3F9A];
	_ =	swait.ge [sflag:s4], $0x0  }
0x19: {  	s7 =	sld [smem:$0x3F9B]  }
0x1a: {  	s8 =	sadd.s32 $0xFFFFE003, lr  }
0x1b: {  	s9 =	sadd.s32 $0xFFFFFEF7, lr;
	s5 =	simm.s32 $0xFFFFFFFF;
	p2 =	slt.u32 s8, $0xFFFFF086  }
0x1c: {  	p1 =	slt.u32 s9, $0xF7A;
	s5 =	simm.s32 @!p2 $0x0  }
0x1d: {  	s5 =	simm.s32 @p1 $0x1;
	p0 =	seq.s32 s7, s2  }
0x1e: {  	s7 =	smul.u32 @!p0 $0xF7A, s2;
	p2 =	seq.s32 @!p0 s5, $0x0  }
0x1f: {  	s9 =	smul.u32 $0xF7A, s1;
	s8 =	simm.s32 @!p0 $0x1BF5;
	p2 =	por !p2, p0  }
0x20: {  	[sflag:s8] =	ssyncset.s32 @!p0 $0xFFFFF086;
	s6 =	sadd.s32 @!p0 s3, s7;
	s7 =	simm.s32 @!p0 $0x108  }
0x21: {  	s3 =	sadd.s32 s3, s9;
	s6 =	sadd.s32 @!p0 $0x88, s6;
	s7 =	simm.s32 @p2 $0x1082  }
0x22: {  	[simem:s7], [sflag:s8] =	dma.local @!p0 [hbm:s6], $0xF7A  }
0x23: {  	s9 =	sor.u32 $0xD0000000, s2;
	s6 =	simm.s32 $0x108;
	_ =	swait.ge @!p0 [sflag:s8], $0x0  }
0x24: {  	s3 =	sadd.s32 $0x88, s3;
	s6 =	simm.s32 @!p1 $0x1082;
	[sflag:s4] =	ssyncset.s32 $0xFFFFF086  }
0x25: {  	[simem:s6], [sflag:s4] =	dma.local [hbm:s3], $0xF7A  }
0x26: {  	[smem:$0x3F9B] =	sst s1;
	(tag) =	ssettag s2;
	_ =	strace s9  }
0x27: {  	s1 =	sld [smem:$0x3FAB]  }
0x28: {  	s2 =	sld [smem:$0x3FAC]  }
0x29: {  	s4 =	sld [smem:$0x3FAE]  }
0x2a: {  	p0 =	seq.s32 s5, $0x0;
	s5 =	sld [smem:$0x3FAF]  }
0x2b: {  	s6 =	sld [smem:$0x3FB0]  }
0x2c: {  	s7 =	sld [smem:$0x3FB1]  }
0x2d: {  	s3 =	simm.s32 $0x108;
	s8 =	sld [smem:$0x3FB2]  }
0x2e: {  	s3 =	simm.s32 @!p0 $0x1082;
	s9 =	sld [smem:$0x3FB3]  }
0x2f: {  	lr =	sadd.s32 s0, s3;
	s0 =	sld [smem:$0x3FAA]  }
0x30: {  	s3 =	sld [smem:$0x3FAD]  }
0x31: {  	[smem:$0x3FB6] =	sst s10  }
0x32: {  	s10 =	sld [smem:$0x3FB4];
	_ =	sdelay $0x3  }
0x33: {  	p0 =	seq.s32 s10, $0x1;
	s10 =	sld [smem:$0x3FB6];
	_ =	sdelay $0x3  }
0x34: {  	[smem:$0x3FB6] =	sst s10  }
0x35: {  	s10 =	sld [smem:$0x3FB5];
	_ =	sdelay $0x3  }
0x36: {  	p1 =	seq.s32 s10, $0x1;
	s10 =	sld [smem:$0x3FB6];
	_ =	sdelay $0x3  }
0x37: {  	[smem:$0x3FB6] =	sst s10  }
0x38: {  	s10 =	sld [smem:$0x3FB7]  }
0x39: {  	_ = 	snop;
	(pc) =	sbr.ind lr, $3  }
0x3a: {  	_ = 	snop  }
0x3b: {  	_ = 	snop  }
0x3c: {  	p2 =	seq.s32 s10, $0x1;
	s10 =	sld [smem:$0x3FB6]  }
0x3d: {  	_ =	shalt  }
0x3e: {  	_ =	shalt  }
0x3f: {  	_ =	shalt  }
0x40: {  	_ =	shalt  }
0x41: {  	_ =	shalt  }
0x42: {  	_ =	shalt  }
0x43: {  	_ =	shalt  }
0x44: {  	_ =	shalt  }
0x45: {  	_ =	shalt  }
0x46: {  	_ =	shalt  }
0x47: {  	_ =	shalt  }
0x48: {  	_ =	shalt  }
0x49: {  	_ =	shalt  }
0x4a: {  	_ =	shalt  }
0x4b: {  	_ =	shalt  }
0x4c: {  	_ =	shalt  }
0x4d: {  	_ =	shalt  }
0x4e: {  	_ =	shalt  }
0x4f: {  	_ =	shalt  }
0x50: {  	_ =	shalt  }
0x51: {  	_ =	shalt  }
0x52: {  	_ =	shalt  }
0x53: {  	_ =	shalt  }
0x54: {  	_ =	shalt  }
0x55: {  	_ =	shalt  }
0x56: {  	_ =	shalt  }
0x57: {  	_ =	shalt  }
0x58: {  	_ =	shalt  }
0x59: {  	_ =	shalt  }
0x5a: {  	_ =	shalt  }
0x5b: {  	_ =	shalt  }
0x5c: {  	_ =	shalt  }
0x5d: {  	_ =	shalt  }
0x5e: {  	_ =	shalt  }
0x5f: {  	_ =	shalt  }
0x60: {  	_ =	shalt  }
0x61: {  	_ =	shalt  }
0x62: {  	_ =	shalt  }
0x63: {  	_ =	shalt  }
0x64: {  	_ =	shalt  }
0x65: {  	_ =	shalt  }
0x66: {  	_ =	shalt  }
0x67: {  	_ =	shalt  }
0x68: {  	_ =	shalt  }
0x69: {  	_ =	shalt  }
0x6a: {  	_ =	shalt  }
0x6b: {  	_ =	shalt  }
0x6c: {  	_ =	shalt  }
0x6d: {  	_ =	shalt  }
0x6e: {  	_ =	shalt  }
0x6f: {  	_ =	shalt  }
0x70: {  	_ =	shalt  }
0x71: {  	_ =	shalt  }
0x72: {  	_ =	shalt  }
0x73: {  	_ =	shalt  }
0x74: {  	_ =	shalt  }
0x75: {  	_ =	shalt  }
0x76: {  	_ =	shalt  }
0x77: {  	_ =	shalt  }
0x78: {  	_ =	shalt  }
0x79: {  	_ =	shalt  }
0x7a: {  	_ =	shalt  }
0x7b: {  	_ =	shalt  }
0x7c: {  	_ =	shalt  }
0x7d: {  	_ =	shalt  }
0x7e: {  	_ =	shalt  }
0x7f: {  	_ =	shalt  }
0x80: {  	_ =	shalt  }
0x81: {  	_ =	shalt  }
0x82: {  	_ =	shalt  }
0x83: {  	_ =	shalt  }
0x84: {  	_ =	shalt  }
0x85: {  	_ =	shalt  }
0x86: {  	_ =	shalt  }
0x87: {  	_ =	shalt  }
.Lfunc_end0:
.L_simem_size_0:
called_computation.2_lowered:
.L_overlay_start_0:
0x88: {  	s2 =	sld [smem:$0x3FD9]  }
0x89: {  	s3 =	sld [smem:$0x3FFE];
	_ =	sdelay $0x1  }
0x8a: {  	s1 =	srdreg.scid  }
0x8b: {  	s0 =	sand.u32 $0x1, s1  }
0x8c: {  	s16 =	sshll.u32 s0, $0xA;
	s2 =	sadd.s32 s3, s2  }
0x8d: {  	s2 =	sadd.s32 s2, s16  }
0x8e: {  	[smem:$0x3FC2] =	sst s2  }
0x8f: {  	_ = 	snop  }
0x90: {  	(tm) =	ssettm $0x1  }
0x91: {  	s17 =	sld [smem:$0x3FFB];
	_ =	sdelay $0x3  }
0x92: {  	_ =	strace s17  }
0x93: {  	s2 =	sld [smem:$0x3FFC];
	_ =	sdelay $0x3  }
0x94: {  	_ =	strace s2  }
0x95: {  	s2 =	sld [smem:$0x3FFD];
	_ =	sdelay $0x3  }
0x96: {  	_ =	strace s2  }
0x97: {  	_ =	strace $0x8FFFFFFF  }
0x98: {  	s18 =	sld [smem:$0x3FDB];
	_ =	sdelay $0x1  }
0x99: {  	s19 =	simm.s32 $_scs_section_size  }
0x9a: {  	s4 =	simm.s32 $_size__tile_overlayer_lowered;
	s5 =	simm.s32 $_tile_overlayer_lowered  }
0x9b: {  	s22 =	simm.s32 $0x1BFF;
	s21 =	sshll.u32 s5, $0x1;
	s2 =	sadd.s32 s19, s18  }
0x9c: {  	s6 =	simm.s32 $0x0;
	s20 =	sshll.u32 s4, $0x1;
	s4 =	sadd.s32 s21, s2  }
0x9d: {  	[timem:s6], [sflag:s22] =	dma.local [hbm:s4], s20  }
0x9e: {  	_ =	swait.ge [sflag:s22], s20  }
0x9f: {  	s3 =	ssub.s32 $0x0, s20;
	[sflag:s22] =	ssyncset.done $0x0  }
0xa0: {  	[sflag:s22] =	ssyncadd.s32 s3;
	_ =	sdelay $0x1  }
0xa1: {  	s23 =	simm.s32 $0x1B8B  }
0xa2: {  	_ =	swait.ge [sflag:s23], $0x1  }
0xa3: {  	[sflag:s23] =	ssyncset.done $0x0  }
0xa4: {  	s25 =	simm.s32 $0x1B8E;
	s24 =	sld [smem:$0x3FFE];
	[sflag:s23] =	ssyncadd.s32 $0xFFFFFFFF  }
0xa5: {  	s26 =	simm.s32 $execute0_lowered;
	[smem:$0x3FD2] =	sst s25  }
0xa6: {  	s4 =	sshll.u32 s26, $0x1;
	_ =	strace $0x8000004C;
	[dreg:$0x1] =	wrdreg $0xFFFFFFFF  }
0xa7: {  	s28 =	simm.s32 $_size_execute0_lowered;
	s2 =	sadd.s32 s2, s4;
	[dreg:$0x0] =	wrdreg $0x0  }
0xa8: {  	s4 =	sshll.u32 s28, $0x1;
	[dreg:$0x2] =	wrdreg s2  }
0xa9: {  	[dreg:$0x3] =	wrdreg s4  }
0xaa: {  	[dreg:$0x4] =	wrdreg $0xC0  }
0xab: {  	_ =	task [dreg:s6], $0x5FFFF  }
0xac: {  	[dreg:$0x1] =	wrdreg $0xFFFFFFFF  }
0xad: {  	[dreg:$0x0] =	wrdreg $0x60  }
0xae: {  	[dreg:$0x2] =	wrdreg s24  }
0xaf: {  	[dreg:$0x3] =	wrdreg $0xAC000  }
0xb0: {  	[dreg:$0x4] =	wrdreg $0x9  }
0xb1: {  	_ =	task.clear_ibuf [dreg:s6], $0x5FFFF;
	_ =	strace $0x9000004C  }
0xb2: {  	s29 =	simm.s32 $0x9;
	_ =	strace $0x8000004E  }
0xb3: {  	_ =	swait.ge [sflag:s29], $0x1  }
0xb4: {  	[sflag:s29] =	ssyncadd.s32 $0xFFFFFFFF  }
0xb5: {  	_ =	strace $0x9000004E  }
0xb6: {  	_ =	sfence  }
0xb7: {  	s30 =	sld [smem:$0x0];
	_ =	sdelay $0x2  }
0xb8: {  	s31 =	sshll.u32 s1, $0xD;
	s1 =	sshrl.u32 s1, $0x2  }
0xb9: {  	s3 =	sand.u32 $0x4000, s31;
	s1 =	sadd.s32 s1, s30  }
0xba: {  	s0 =	sor.u32 s3, s0;
	s1 =	sshll.u32 s1, $0x11  }
0xbb: {  	s0 =	sor.u32 s1, s0  }
0xbc: {  	s0 =	sadd.s32 $0x8F2B, s0  }
0xbd: {  	[sflag:s0] =	ssyncadd.remote.s32 $0x1  }
0xbe: {  	_ =	sfence.sel $0xFFFF  }
0xbf: {  	[dreg:$0x0] =	wrdreg $0xFFFFFFFF;
	(pc) =	sbr.abs _section_cstart, $3  }
0xc0: {  	[dreg:$0x1] =	wrdreg $0xFFFFFFFF  }
0xc1: {  	_ =	task.clear_ibuf [dreg:s6], $0x2FFFF;
	_ =	strace $0x9FFFFFFF  }
0xc2: {  	(tm) =	ssettm $0x7FFFFFFF  }
0xc3: {  	_ =	shalt  }
tec
execute0_lowered:
.L_overlay_start_1:
0x0: {  	(tag) =	ssettag $0x1  }
0x1: {  	s0 =	rddreg [dreg:$0x0]  }
0x2: {  	s1 =	srdreg.scid;
	s13 =	stileid.u32  }
0x3: {  	s2 =	rddreg [dreg:$0x1];
	s18 =	simm.s32 $0x5;
	s28 =	simm.s32 $0x4C00  }
0x4: {  	s29 =	simm.s32 $0x6C00;
	s31 =	simm.s32 $0x8C00;
	s17 =	simm.s32 $0x3  }
0x5: {  	s19 =	simm.s32 $0x4;
	s30 =	simm.s32 $0x0;
	s8 =	smul.u32 $0x2800, s13  }
0x6: {  	s1 =	sand.u32 $0x1, s1;
	s4 =	sshrl.u32 s13, $0x2;
	s12 =	smul.u32 $0x50000, s13  }
0x7: {  	s3 =	sshll.u32 s13, $0x1;
	s14 =	sadd.s32 $0x48200, s0;
	s4 =	smul.u32 $0x14000, s4  }
0x8: {  	s6 =	sor.u32 s1, s3;
	s3 =	simm.s32 $0x0;
	s7 =	smul.u32 $0x28000, s1  }
0x9: {  	s11 =	ssub.s32 $0x2, s1;
	p0 =	seq.s32 s1, $0x1;
	s1 =	sadd.s32 $0x12C000, s2  }
0xa: {  	s5 =	sshll.u32 s6, $0x7;
	[smem:$0x7FF] =	sst s3;
	s22 =	sshrl.u32 s11, $0x1  }
0xb: {  	s24 =	sshrl.u32 s12, $0x2;
	p2 =	sne.s32 @!p0 s13, $0xF;
	s5 =	sand.u32 $0x380, s5  }
0xc: {  	_ =	strace $0x8000004D;
	s10 =	sadd.s32 s8, s7;
	s7 =	smul.u32 $0x5000, s6  }
0xd: {  	s11 =	ssub.s32 s11, s22;
	[dreg:$0x3] =	wrdreg s14;
	p1 =	por !p2, p0  }
0xe: {  	p2 =	por p2, p0;
	s5 =	sor.u32 s4, s5;
	s4 =	sadd.s32 $0x21000, s0  }
0xf: {  	s21 =	sadd.s32 s10, s0;
	s10 =	sadd.s32 s24, s2;
	s26 =	smax.u32 s11, $0x1  }
0x10: {  	s5 =	sshrl.u32 s5, $0x3;
	s23 =	sshrl.u32 s7, $0x3;
	s25 =	sadd.s32 s4, s8  }
0x11: {  	s8 =	sadd.s32 s14, s8;
	s6 =	sadd.s32 $0x70200, s21;
	[dreg:$0xa] =	wrdreg s26  }
0x12: {  	s21 =	sshrl.u32 @p0 s10, $0x3;
	s26 =	simm.s32 $0x2C00;
	[dreg:$0x6] =	wrdreg s25  }
0x13: {  	s9 =	sadd.s32 s5, s0;
	s5 =	sadd.s32 $0x3000, s0;
	[dreg:$0x8] =	wrdreg s8  }
0x14: {  	s0 =	sadd.s32 $0x46800, s0;
	[dreg:$0x9] =	wrdreg s6;
	s6 =	sshll.u32 @p0 s13, $0x6  }
.Ltmp0:
0x15: {  	s25 =	simm.s32 $0x40;
	s9 =	sadd.s32 $0x17000, s9;
	(pc) =	sbr.rel .LBB2_1-.Ltmp0, $4  }
0x16: {  	[dreg:$0x7] =	wrdreg s0;
	s0 =	sadd.s32 $0x138800, s2;
	s20 =	sor.u32 @p0 $0x1C05, s6  }
0x17: {  	s6 =	sshll.u32 @!p1 s13, $0x6;
	[dreg:$0x4] =	wrdreg s9;
	s9 =	sadd.s32 s5, s23  }
0x18: {  	s22 =	sor.u32 @!p1 $0x1C05, s6;
	s23 =	sshrl.u32 @!p2 s1, $0x3;
	s24 =	sshrl.u32 @!p2 s0, $0x3  }
0x19: {  	s1 =	simm.s32 $0x1;
	s0 =	simm.s32 $0x2;
	[dreg:$0x5] =	wrdreg s9  }
.LBB2_9:
0x1a: {  	s6 =	stileid.u32  }
0x1b: {  	[bflag:$0x0] =	sbarrier.arrive $0xFFFF;
	s6 =	sshll.u32 s6, $0x6  }
0x1c: {  	s8 =	sshrl.u32 s10, $0x3;
	s9 =	rddreg [dreg:$0x9];
	s6 =	sor.u32 $0x1C05, s6  }
0x1d: {  	[hbm:s9], [sflag:s6] =	dma.local [spmem:s8], $0x2800  }
0x1e: {  	_ =	swait.ge [sflag:s18], $0x2800  }
0x1f: {  	s30 =	sadd.s32 $0x1, s30;
	s16 =	rddreg [dreg:$0xa]  }
0x20: {  	p3 =	sne.s32 s30, s16  }
.Ltmp1:
0x21: {  	_ = 	snop;
	(pc) =	sbr.rel @!p3 .LBB2_10-.Ltmp1, $3  }
0x22: {  	_ =	sdelay $0x1  }
0x23: {  	[sflag:s18] =	ssyncset.done $0x0  }
0x24: {  	[sflag:s18] =	ssyncadd.s32 $0xFFFFD800  }
.LBB2_1:
0x25: {  	s6 =	rddreg [dreg:$0x4];
	s11 =	simm.s32 $0x80;
	s8 =	simm.s32 $0x400  }
0x26: {  	[tilespmem:s3], [sflag:$0x5] =	stream.strided.gather [hbm4b:s6+s11], $0x2800, s8, s11, $0x38;
	[tilespmem:$0x1EC00] =	vst v63  }
0x27: {  	_ =	swait.ge [sflag:s18], $0x2800  }
0x28: {  	[sflag:s18] =	ssyncset.done $0x0  }
0x29: {  	s15 =	simm.s32 $0x2800;
	s14 =	rddreg [dreg:$0x5];
	[sflag:s18] =	ssyncadd.s32 $0xFFFFD800  }
0x2a: {  	[tilespmem:s15], [sflag:$0x5] =	stream.linear.gather [hbm4b:s14+s3], $0x400, $0x38;
	[tilespmem:$0x1EC00] =	vst v63  }
0x2b: {  	_ =	swait.ge [sflag:s18], $0x400  }
0x2c: {  	[sflag:s18] =	ssyncset.done $0x0  }
0x2d: {  	s6 =	rddreg [dreg:$0x8];
	[sflag:s18] =	ssyncadd.s32 $0xFFFFFC00  }
0x2e: {  	[spmem:s21], [sflag:s20] =	dma.local @p0 [hbm:s6], $0x2800  }
0x2f: {  	s6 =	simm.s32 @p0 $0x5  }
0x30: {  	_ =	swait.ge @p0 [sflag:s6], $0x2800  }
0x31: {  	[sflag:s6] =	ssyncset.done @p0 $0x0  }
0x32: {  	s8 =	rddreg [dreg:$0x6];
	[sflag:s6] =	ssyncadd.s32 @p0 $0xFFFFD800;
	s6 =	sshrl.u32 @!p1 s10, $0x3  }
0x33: {  	[spmem:s6], [sflag:s22] =	dma.local @!p1 [hbm:s8], $0x2800  }
0x34: {  	s6 =	simm.s32 @!p1 $0x5  }
0x35: {  	_ =	swait.ge @!p1 [sflag:s6], $0x2800  }
0x36: {  	[sflag:s6] =	ssyncset.done @!p1 $0x0  }
0x37: {  	s8 =	rddreg [dreg:$0x7];
	[sflag:s6] =	ssyncadd.s32 @!p1 $0xFFFFD800;
	s6 =	simm.s32 @!p2 $0x1FC5  }
0x38: {  	[spmem:s23], [sflag:s6] =	dma.local @!p2 [hbm:s8], $0x1900  }
0x39: {  	s8 =	simm.s32 @!p2 $0x5  }
0x3a: {  	_ =	swait.ge @!p2 [sflag:s8], $0x1900  }
0x3b: {  	[sflag:s8] =	ssyncset.done @!p2 $0x0  }
0x3c: {  	s9 =	rddreg [dreg:$0x3];
	[sflag:s8] =	ssyncadd.s32 @!p2 $0xFFFFE700  }
0x3d: {  	[spmem:s24], [sflag:s6] =	dma.local @!p2 [hbm:s9], $0xF00  }
0x3e: {  	_ =	swait.ge @!p2 [sflag:s8], $0xF00  }
0x3f: {  	[sflag:s8] =	ssyncset.done @!p2 $0x0  }
0x40: {  	[sflag:s8] =	ssyncadd.s32 @!p2 $0xFFFFF100  }
0x41: {  	[bflag:$0x0] =	sbarrier.arrive $0xFFFF  }
0x42: {  	[tilespmem:s26], [sflag:$0x1] =	stream.indirect.gather [hbm4b:s4+s25], $0x80, s3, s25, $0xb8;
	[tilespmem:$0x1EC00] =	vst v63  }
0x43: {  	_ = 	snop  }
0x44: {  	[tilespmem:s28], [sflag:$0x1] =	stream.indirect.gather [hbm4b:s4+s25], $0x80, s25, s25, $0xb8;
	[tilespmem:$0x1EC00] =	vst v63  }
.Ltmp2:
0x45: {  	_ = 	snop;
	(pc) =	sbr.rel .LBB2_2-.Ltmp2, $4  }
0x46: {  	s16 =	simm.s32 $0xC0;
	s6 =	simm.s32 $0x0  }
0x47: {  	[tilespmem:s29], [sflag:$0x2] =	stream.indirect.gather [hbm4b:s4+s25], $0x80, s11, s25, $0xb8;
	[tilespmem:$0x1EC00] =	vst v63  }
0x48: {  	s9 =	simm.s32 $0x0;
	s8 =	simm.s32 $0x0;
	s11 =	simm.s32 $0x0  }
0x49: {  	[tilespmem:s31], [sflag:$0x2] =	stream.indirect.gather [hbm4b:s4+s25], $0x80, s16, s25, $0xb8;
	[tilespmem:$0x1EC00] =	vst v63  }
.LBB2_3:
0x4a: {  	_ =	swait.ge [sflag:s17], $0x2000  }
0x4b: {  	[sflag:s17] =	ssyncset.done $0x0  }
0x4c: {  	[sflag:s17] =	ssyncadd.s32 $0xFFFFE000  }
.LBB2_5:
0x4d: {  	s12 =	sor.u32 $0x1, s12;
	p3 =	por $0x0, $0x0  }
.LBB2_7:
0x4e: {  	_ =	swait.ge [sflag:s19], $0x100  }
0x4f: {  	[sflag:s19] =	ssyncset.done $0x0  }
0x50: {  	[sflag:s19] =	ssyncadd.s32 $0xFFFFFF00  }
.LBB2_8:
0x51: {  	_ =	swait.ge [sflag:s0], $0x2000  }
0x52: {  	s12 =	sshll.u32 s12, $0x8;
	[sflag:s0] =	ssyncset.done $0x0  }
0x53: {  	s13 =	sor.u32 $0x2800, s12;
	[sflag:s0] =	ssyncadd.s32 $0xFFFFE000  }
0x54: {  	[spmem:s2] =	stream.indirect.scatter.add.f32 [tilespmem:s29], [sflag:$0x3], $0x80, s13, s25, $0xb8;
	[tilespmem:$0x1EC00] =	vst v63  }
0x55: {  	_ =	swait.ge [sflag:s0], $0x2000  }
0x56: {  	[sflag:s0] =	ssyncset.done $0x0  }
0x57: {  	s12 =	sor.u32 $0x2880, s12;
	[sflag:s0] =	ssyncadd.s32 $0xFFFFE000  }
0x58: {  	[spmem:s2] =	stream.indirect.scatter.add.f32 [tilespmem:s31], [sflag:$0x3], $0x80, s12, s25, $0xb8;
	[tilespmem:$0x1EC00] =	vst v63  }
0x59: {  	_ =	swait.ge [sflag:s17], $0x2000  }
0x5a: {  	p4 =	seq.s32 s9, $0x9C00;
	[sflag:s17] =	ssyncset.done $0x0  }
0x5b: {  	s12 =	simm.s32 @p4 $0x3;
	[sflag:s17] =	ssyncadd.s32 $0xFFFFE000  }
0x5c: {  	_ =	swait.ge @p4 [sflag:s12], $0x2000  }
0x5d: {  	[sflag:s12] =	ssyncset.done @p4 $0x0  }
0x5e: {  	[sflag:s12] =	ssyncadd.s32 @p4 $0xFFFFE000;
	s12 =	sshra.s32 @!p4 s9, $0x2  }
0x5f: {  	s16 =	simm.s32 @!p4 $0x40;
	s15 =	simm.s32 @!p4 $0x6C00;
	s14 =	sadd.s32 @!p4 $0x180, s12  }
0x60: {  	[tilespmem:s15], [sflag:$0x2] =	stream.indirect.gather @!p4 [hbm4b:s4+s16], $0x80, s14, s16, $0xb8;
	[tilespmem:$0x1EC00] =	vst v63  }
0x61: {  	s14 =	simm.s32 @!p4 $0x3  }
0x62: {  	_ =	swait.ge @!p4 [sflag:s14], $0x2000  }
0x63: {  	[sflag:s14] =	ssyncset.done @!p4 $0x0  }
0x64: {  	s12 =	sadd.s32 @!p4 $0x1C0, s12;
	[sflag:s14] =	ssyncadd.s32 @!p4 $0xFFFFE000;
	s14 =	simm.s32 @!p4 $0x8C00  }
0x65: {  	[tilespmem:s14], [sflag:$0x2] =	stream.indirect.gather @!p4 [hbm4b:s4+s16], $0x80, s12, s16, $0xb8;
	[tilespmem:$0x1EC00] =	vst v63  }
0x66: {  	s12 =	sadd.s32 @p3 $0x500, s8  }
0x67: {  	s14 =	sand.u32 @p3 $0xFC00, s12  }
0x68: {  	s12 =	sand.u32 @p3 $0x300, s12;
	s14 =	sadd.s32 @p3 s7, s14  }
0x69: {  	s12 =	sor.u32 @p3 s12, s14  }
0x6a: {  	s12 =	sshrl.u32 @p3 s12, $0x3  }
0x6b: {  	s9 =	sadd.s32 $0x400, s9;
	s14 =	simm.s32 @p3 $0x0;
	s12 =	sadd.s32 @p3 s5, s12  }
0x6c: {  	[tilespmem:s13], [sflag:$0x4] =	stream.linear.gather @p3 [hbm4b:s12+s14], $0x100, $0x38;
	[tilespmem:$0x1EC00] =	vst v63  }
0x6d: {  	p3 =	sne.s32 s9, $0xA000  }
.Ltmp3:
0x6e: {  	_ = 	snop;
	(pc) =	sbr.rel @!p3 .LBB2_9-.Ltmp3, $2  }
0x6f: {  	_ =	sdelay $0x2  }
0x70: {  	s11 =	sadd.s32 $0x1, s11;
	s6 =	sadd.s32 $0x2, s6;
	s8 =	sadd.s32 $0x200, s8  }
.LBB2_2:
0x71: {  	p4 =	slt.u32 s11, $0x2  }
0x72: {  	s12 =	simm.s32 @!p4 $0x4  }
0x73: {  	_ =	swait.ge @!p4 [sflag:s12], $0x100  }
0x74: {  	[sflag:s12] =	ssyncset.done @!p4 $0x0  }
0x75: {  	[sflag:s12] =	ssyncadd.s32 @!p4 $0xFFFFFF00  }
0x76: {  	s12 =	sand.u32 $0x2, s6;
	_ =	swait.ge [sflag:s1], $0x2000  }
0x77: {  	s13 =	sshll.u32 s12, $0x8;
	[sflag:s1] =	ssyncset.done $0x0  }
0x78: {  	s16 =	sor.u32 $0x2800, s13;
	[sflag:s1] =	ssyncadd.s32 $0xFFFFE000  }
0x79: {  	[spmem:s2] =	stream.indirect.scatter.add.f32 [tilespmem:s26], [sflag:$0x3], $0x80, s16, s25, $0xb8;
	[tilespmem:$0x1EC00] =	vst v63  }
0x7a: {  	_ =	swait.ge [sflag:s1], $0x2000  }
0x7b: {  	p3 =	sne.s32 s9, $0x9C00;
	[sflag:s1] =	ssyncset.done $0x0  }
.Ltmp4:
0x7c: {  	s13 =	sor.u32 $0x2880, s13;
	[sflag:s1] =	ssyncadd.s32 $0xFFFFE000;
	(pc) =	sbr.rel @!p3 .LBB2_3-.Ltmp4, $4  }
0x7d: {  	[spmem:s2] =	stream.indirect.scatter.add.f32 [tilespmem:s28], [sflag:$0x3], $0x80, s13, s25, $0xb8;
	[tilespmem:$0x1EC00] =	vst v63  }
0x7e: {  	_ =	swait.ge [sflag:s17], $0x2000  }
0x7f: {  	[sflag:s17] =	ssyncset.done $0x0  }
0x80: {  	[sflag:s17] =	ssyncadd.s32 $0xFFFFE000  }
0x81: {  	s13 =	sshra.s32 s9, $0x2  }
0x82: {  	p3 =	slt.u32 s11, $0x26;
	s14 =	sadd.s32 $0x100, s13  }
0x83: {  	[tilespmem:s26], [sflag:$0x1] =	stream.indirect.gather [hbm4b:s4+s25], $0x80, s14, s25, $0xb8;
	[tilespmem:$0x1EC00] =	vst v63  }
.Ltmp5:
0x84: {  	_ = 	snop;
	(pc) =	sbr.rel @!p3 .LBB2_5-.Ltmp5, $4  }
0x85: {  	_ =	swait.ge [sflag:s17], $0x2000  }
0x86: {  	[sflag:s17] =	ssyncset.done $0x0  }
0x87: {  	s13 =	sadd.s32 $0x140, s13;
	[sflag:s17] =	ssyncadd.s32 $0xFFFFE000  }
0x88: {  	[tilespmem:s28], [sflag:$0x1] =	stream.indirect.gather [hbm4b:s4+s25], $0x80, s13, s25, $0xb8;
	[tilespmem:$0x1EC00] =	vst v63  }
0x89: {  	s13 =	sadd.s32 $0x400, s8  }
0x8a: {  	s13 =	sand.u32 $0xFC00, s13  }
.Ltmp6:
0x8b: {  	s14 =	sand.u32 $0x200, s8;
	s13 =	sadd.s32 s7, s13;
	(pc) =	sbr.rel @p4 .LBB2_8-.Ltmp6, $4  }
.Ltmp7:
0x8c: {  	s13 =	sor.u32 s14, s13;
	(pc) =	sbr.rel @!p4 .LBB2_7-.Ltmp7, $4  }
0x8d: {  	s13 =	sshrl.u32 s13, $0x3  }
0x8e: {  	s12 =	sor.u32 $0x1, s12;
	p3 =	por $0x1, $0x1;
	s13 =	sadd.s32 s5, s13  }
0x8f: {  	[tilespmem:s16], [sflag:$0x4] =	stream.linear.gather [hbm4b:s13+s3], $0x100, $0x38;
	[tilespmem:$0x1EC00] =	vst v63  }
0x90: {  	_ = 	snop  }
.LBB2_10:
0x91: {  	_ =	sfence.sel $0x180000  }
0x92: {  	[bflag:$0x0] =	sbarrier.arrive $0xFFFF  }
0x93: {  	_ =	strace $0x9000004D  }
0x94: {  	s0 =	stileid.u32;
	[bflag:$0x2] =	sbarrier.arrive $0xFFFF  }
0x95: {  	p0 =	sne.s32 s0, $0x0;
	s0 =	rddreg [dreg:$0x2]  }
0x96: {  	s0 =	sadd.s32 @!p0 $0x100000, s0  }
0x97: {  	[sflag:s0] =	ssyncadd.tile.s32 @!p0 $0x1;
	_ =	shalt  }
.Lfunc_end2:
_tile_overlayer_lowered:
.L_overlay_start_2:
0x98: {  	(tag) =	ssettag $0x2  }
0x99: {  	s0 =	rddreg [dreg:$0x0];
	s2 =	stileid.u32  }
0x9a: {  	s1 =	rddreg [dreg:$0x1];
	p0 =	sne.s32 s2, $0x0  }
0x9b: {  	s3 =	rddreg [dreg:$0x2];
	[bflag:$0x3] =	sbarrier.arrive $0xFFFF;
	s2 =	simm.s32 @!p0 $0x1C05  }
0x9c: {  	[timem:s3], [sflag:s2] =	dma.local @!p0 [hbm:s0], s1  }
0x9d: {  	s0 =	simm.s32 @!p0 $0x5  }
0x9e: {  	_ =	swait.ge @!p0 [sflag:s0], s1  }
0x9f: {  	s1 =	ssub.s32 @!p0 $0x0, s1;
	[sflag:s0] =	ssyncset.done @!p0 $0x0  }
0xa0: {  	[sflag:s0] =	ssyncadd.s32 @!p0 s1  }
0xa1: {  	[bflag:$0x3] =	sbarrier.arrive $0xFFFF  }
0xa2: {  	_ =	shalt  }

// kernel: kernel.8.cloned.1.call-start
scs
__scs_entry_jumppad:
0x0: {  	(pc) =	sbr.rel $0x88, $3  }
0x1: {  	(tag) =	ssettag $0x0;
	lr =	simm.s32 $0x1  }
0x2: {  	[smem:$0x3F9B] =	sst lr;
	_ =	strace $0xD0000000  }
0x3: {  	_ = 	snop  }
0x4: {  	_ = 	snop  }
0x5: {  	_ = 	snop  }
0x6: {  	_ = 	snop  }
0x7: {  	_ = 	snop  }
__scs_overlays_trampoline_lowered:
0x8: {  	[smem:$0x3FAA] =	sst s0  }
0x9: {  	[smem:$0x3FAB] =	sst s1  }
0xa: {  	[smem:$0x3FAC] =	sst s2  }
0xb: {  	[smem:$0x3FAD] =	sst s3  }
0xc: {  	[smem:$0x3FAE] =	sst s4  }
0xd: {  	[smem:$0x3FAF] =	sst s5  }
0xe: {  	[smem:$0x3FB0] =	sst s6  }
0xf: {  	[smem:$0x3FB1] =	sst s7  }
0x10: {  	[smem:$0x3FB2] =	sst s8  }
0x11: {  	[smem:$0x3FB3] =	sst s9;
	s0 =	simm.s32 @!p0 $0x0  }
0x12: {  	s1 =	sld [smem:$0x3F99];
	s0 =	simm.s32 @p0 $0x1  }
0x13: {  	[smem:$0x3FB4] =	sst s0;
	s0 =	simm.s32 @!p1 $0x0  }
0x14: {  	s2 =	sld [smem:$0x3F98];
	s0 =	simm.s32 @p1 $0x1  }
0x15: {  	[smem:$0x3FB5] =	sst s0;
	s0 =	simm.s32 @!p2 $0x0  }
0x16: {  	s3 =	sld [smem:$0x3FDB];
	s0 =	simm.s32 @p2 $0x1  }
0x17: {  	s4 =	simm.s32 $0x1BF5;
	[smem:$0x3FB7] =	sst s0  }
0x18: {  	s0 =	sld [smem:$0x3F9A];
	_ =	swait.ge [sflag:s4], $0x0  }
0x19: {  	s7 =	sld [smem:$0x3F9B]  }
0x1a: {  	s8 =	sadd.s32 $0xFFFFE003, lr  }
0x1b: {  	s9 =	sadd.s32 $0xFFFFFEF7, lr;
	s5 =	simm.s32 $0xFFFFFFFF;
	p2 =	slt.u32 s8, $0xFFFFF086  }
0x1c: {  	p1 =	slt.u32 s9, $0xF7A;
	s5 =	simm.s32 @!p2 $0x0  }
0x1d: {  	s5 =	simm.s32 @p1 $0x1;
	p0 =	seq.s32 s7, s2  }
0x1e: {  	s7 =	smul.u32 @!p0 $0xF7A, s2;
	p2 =	seq.s32 @!p0 s5, $0x0  }
0x1f: {  	s9 =	smul.u32 $0xF7A, s1;
	s8 =	simm.s32 @!p0 $0x1BF5;
	p2 =	por !p2, p0  }
0x20: {  	[sflag:s8] =	ssyncset.s32 @!p0 $0xFFFFF086;
	s6 =	sadd.s32 @!p0 s3, s7;
	s7 =	simm.s32 @!p0 $0x108  }
0x21: {  	s3 =	sadd.s32 s3, s9;
	s6 =	sadd.s32 @!p0 $0x88, s6;
	s7 =	simm.s32 @p2 $0x1082  }
0x22: {  	[simem:s7], [sflag:s8] =	dma.local @!p0 [hbm:s6], $0xF7A  }
0x23: {  	s9 =	sor.u32 $0xD0000000, s2;
	s6 =	simm.s32 $0x108;
	_ =	swait.ge @!p0 [sflag:s8], $0x0  }
0x24: {  	s3 =	sadd.s32 $0x88, s3;
	s6 =	simm.s32 @!p1 $0x1082;
	[sflag:s4] =	ssyncset.s32 $0xFFFFF086  }
0x25: {  	[simem:s6], [sflag:s4] =	dma.local [hbm:s3], $0xF7A  }
0x26: {  	[smem:$0x3F9B] =	sst s1;
	(tag) =	ssettag s2;
	_ =	strace s9  }
0x27: {  	s1 =	sld [smem:$0x3FAB]  }
0x28: {  	s2 =	sld [smem:$0x3FAC]  }
0x29: {  	s4 =	sld [smem:$0x3FAE]  }
0x2a: {  	p0 =	seq.s32 s5, $0x0;
	s5 =	sld [smem:$0x3FAF]  }
0x2b: {  	s6 =	sld [smem:$0x3FB0]  }
0x2c: {  	s7 =	sld [smem:$0x3FB1]  }
0x2d: {  	s3 =	simm.s32 $0x108;
	s8 =	sld [smem:$0x3FB2]  }
0x2e: {  	s3 =	simm.s32 @!p0 $0x1082;
	s9 =	sld [smem:$0x3FB3]  }
0x2f: {  	lr =	sadd.s32 s0, s3;
	s0 =	sld [smem:$0x3FAA]  }
0x30: {  	s3 =	sld [smem:$0x3FAD]  }
0x31: {  	[smem:$0x3FB6] =	sst s10  }
0x32: {  	s10 =	sld [smem:$0x3FB4];
	_ =	sdelay $0x3  }
0x33: {  	p0 =	seq.s32 s10, $0x1;
	s10 =	sld [smem:$0x3FB6];
	_ =	sdelay $0x3  }
0x34: {  	[smem:$0x3FB6] =	sst s10  }
0x35: {  	s10 =	sld [smem:$0x3FB5];
	_ =	sdelay $0x3  }
0x36: {  	p1 =	seq.s32 s10, $0x1;
	s10 =	sld [smem:$0x3FB6];
	_ =	sdelay $0x3  }
0x37: {  	[smem:$0x3FB6] =	sst s10  }
0x38: {  	s10 =	sld [smem:$0x3FB7]  }
0x39: {  	_ = 	snop;
	(pc) =	sbr.ind lr, $3  }
0x3a: {  	_ = 	snop  }
0x3b: {  	_ = 	snop  }
0x3c: {  	p2 =	seq.s32 s10, $0x1;
	s10 =	sld [smem:$0x3FB6]  }
0x3d: {  	_ =	shalt  }
0x3e: {  	_ =	shalt  }
0x3f: {  	_ =	shalt  }
0x40: {  	_ =	shalt  }
0x41: {  	_ =	shalt  }
0x42: {  	_ =	shalt  }
0x43: {  	_ =	shalt  }
0x44: {  	_ =	shalt  }
0x45: {  	_ =	shalt  }
0x46: {  	_ =	shalt  }
0x47: {  	_ =	shalt  }
0x48: {  	_ =	shalt  }
0x49: {  	_ =	shalt  }
0x4a: {  	_ =	shalt  }
0x4b: {  	_ =	shalt  }
0x4c: {  	_ =	shalt  }
0x4d: {  	_ =	shalt  }
0x4e: {  	_ =	shalt  }
0x4f: {  	_ =	shalt  }
0x50: {  	_ =	shalt  }
0x51: {  	_ =	shalt  }
0x52: {  	_ =	shalt  }
0x53: {  	_ =	shalt  }
0x54: {  	_ =	shalt  }
0x55: {  	_ =	shalt  }
0x56: {  	_ =	shalt  }
0x57: {  	_ =	shalt  }
0x58: {  	_ =	shalt  }
0x59: {  	_ =	shalt  }
0x5a: {  	_ =	shalt  }
0x5b: {  	_ =	shalt  }
0x5c: {  	_ =	shalt  }
0x5d: {  	_ =	shalt  }
0x5e: {  	_ =	shalt  }
0x5f: {  	_ =	shalt  }
0x60: {  	_ =	shalt  }
0x61: {  	_ =	shalt  }
0x62: {  	_ =	shalt  }
0x63: {  	_ =	shalt  }
0x64: {  	_ =	shalt  }
0x65: {  	_ =	shalt  }
0x66: {  	_ =	shalt  }
0x67: {  	_ =	shalt  }
0x68: {  	_ =	shalt  }
0x69: {  	_ =	shalt  }
0x6a: {  	_ =	shalt  }
0x6b: {  	_ =	shalt  }
0x6c: {  	_ =	shalt  }
0x6d: {  	_ =	shalt  }
0x6e: {  	_ =	shalt  }
0x6f: {  	_ =	shalt  }
0x70: {  	_ =	shalt  }
0x71: {  	_ =	shalt  }
0x72: {  	_ =	shalt  }
0x73: {  	_ =	shalt  }
0x74: {  	_ =	shalt  }
0x75: {  	_ =	shalt  }
0x76: {  	_ =	shalt  }
0x77: {  	_ =	shalt  }
0x78: {  	_ =	shalt  }
0x79: {  	_ =	shalt  }
0x7a: {  	_ =	shalt  }
0x7b: {  	_ =	shalt  }
0x7c: {  	_ =	shalt  }
0x7d: {  	_ =	shalt  }
0x7e: {  	_ =	shalt  }
0x7f: {  	_ =	shalt  }
0x80: {  	_ =	shalt  }
0x81: {  	_ =	shalt  }
0x82: {  	_ =	shalt  }
0x83: {  	_ =	shalt  }
0x84: {  	_ =	shalt  }
0x85: {  	_ =	shalt  }
0x86: {  	_ =	shalt  }
0x87: {  	_ =	shalt  }
.Lfunc_end0:
.L_simem_size_0:
called_computation_lowered:
.L_overlay_start_0:
0x88: {  	s2 =	sld [smem:$0x3FD9]  }
0x89: {  	s3 =	sld [smem:$0x3FFE];
	_ =	sdelay $0x1  }
0x8a: {  	s1 =	srdreg.scid  }
0x8b: {  	s0 =	sand.u32 $0x1, s1  }
0x8c: {  	s17 =	sshll.u32 s0, $0xA;
	s2 =	sadd.s32 s3, s2  }
0x8d: {  	s2 =	sadd.s32 s2, s17  }
0x8e: {  	[smem:$0x3FC2] =	sst s2  }
0x8f: {  	_ = 	snop  }
0x90: {  	s2 =	sld [smem:$0x3FD0];
	(tm) =	ssettm $0x1  }
0x91: {  	s18 =	sld [smem:$0x3FFB];
	_ =	sdelay $0x3  }
0x92: {  	_ =	strace s18  }
0x93: {  	s3 =	sld [smem:$0x3FFC];
	_ =	sdelay $0x3  }
0x94: {  	_ =	strace s3  }
0x95: {  	s3 =	sld [smem:$0x3FFD];
	_ =	sdelay $0x3  }
0x96: {  	_ =	strace s3  }
0x97: {  	_ =	strace $0x8FFFFFFF  }
0x98: {  	s19 =	sld [smem:$0x3FDB];
	_ =	sdelay $0x1  }
0x99: {  	s4 =	simm.s32 $_scs_section_size  }
0x9a: {  	s5 =	simm.s32 $_size__tile_overlayer_lowered;
	s6 =	simm.s32 $_tile_overlayer_lowered  }
0x9b: {  	s22 =	simm.s32 $0x1BFF;
	s21 =	sshll.u32 s6, $0x1;
	s3 =	sadd.s32 s4, s19  }
0x9c: {  	s7 =	simm.s32 $0x0;
	s20 =	sshll.u32 s5, $0x1;
	s5 =	sadd.s32 s21, s3  }
0x9d: {  	[timem:s7], [sflag:s22] =	dma.local [hbm:s5], s20  }
0x9e: {  	_ =	swait.ge [sflag:s22], s20  }
0x9f: {  	s4 =	ssub.s32 $0x0, s20;
	[sflag:s22] =	ssyncset.done $0x0  }
0xa0: {  	[sflag:s22] =	ssyncadd.s32 s4;
	_ =	sdelay $0x1  }
0xa1: {  	s23 =	simm.s32 $0x1B8B  }
0xa2: {  	_ =	swait.ge [sflag:s23], $0x1  }
0xa3: {  	[sflag:s23] =	ssyncset.done $0x0  }
0xa4: {  	s25 =	simm.s32 $0x1B8E;
	s24 =	sld [smem:$0x3FFE];
	[sflag:s23] =	ssyncadd.s32 $0xFFFFFFFF  }
0xa5: {  	s26 =	simm.s32 $execute0_lowered;
	[smem:$0x3FD2] =	sst s25  }
0xa6: {  	s5 =	sshll.u32 s26, $0x1;
	_ =	strace $0x80000046;
	[dreg:$0x1] =	wrdreg $0xFFFFFFFF  }
0xa7: {  	s28 =	simm.s32 $_size_execute0_lowered;
	s3 =	sadd.s32 s3, s5;
	[dreg:$0x0] =	wrdreg $0x0  }
0xa8: {  	s5 =	sshll.u32 s28, $0x1;
	[dreg:$0x2] =	wrdreg s3  }
0xa9: {  	[dreg:$0x3] =	wrdreg s5  }
0xaa: {  	[dreg:$0x4] =	wrdreg $0xC0  }
0xab: {  	_ =	task [dreg:s7], $0x5FFFF  }
0xac: {  	[dreg:$0x1] =	wrdreg $0xFFFFFFFF  }
0xad: {  	[dreg:$0x0] =	wrdreg $0x60  }
0xae: {  	[dreg:$0x2] =	wrdreg s2  }
0xaf: {  	[dreg:$0x3] =	wrdreg s24  }
0xb0: {  	[dreg:$0x4] =	wrdreg $0x43000  }
0xb1: {  	[dreg:$0x5] =	wrdreg $0x9  }
0xb2: {  	_ =	task.clear_ibuf [dreg:s7], $0x6FFFF;
	_ =	strace $0x90000046  }
0xb3: {  	s29 =	simm.s32 $0x9;
	_ =	strace $0x80000048  }
0xb4: {  	_ =	swait.ge [sflag:s29], $0x1  }
0xb5: {  	[sflag:s29] =	ssyncadd.s32 $0xFFFFFFFF  }
0xb6: {  	_ =	strace $0x90000048  }
0xb7: {  	_ =	sfence  }
0xb8: {  	s30 =	sld [smem:$0x0];
	_ =	sdelay $0x2  }
0xb9: {  	s31 =	sshll.u32 s1, $0xD;
	s1 =	sshrl.u32 s1, $0x2  }
0xba: {  	s3 =	sand.u32 $0x4000, s31;
	s1 =	sadd.s32 s1, s30  }
0xbb: {  	s0 =	sor.u32 s3, s0;
	s1 =	sshll.u32 s1, $0x11  }
0xbc: {  	s0 =	sor.u32 s1, s0  }
0xbd: {  	s0 =	sadd.s32 $0x8F2B, s0  }
0xbe: {  	[sflag:s0] =	ssyncadd.remote.s32 $0x1  }
0xbf: {  	_ =	sfence.sel $0xFFFF  }
0xc0: {  	[dreg:$0x0] =	wrdreg $0xFFFFFFFF;
	(pc) =	sbr.abs _section_cstart, $3  }
0xc1: {  	[dreg:$0x1] =	wrdreg $0xFFFFFFFF  }
0xc2: {  	_ =	task.clear_ibuf [dreg:s7], $0x2FFFF;
	_ =	strace $0x9FFFFFFF  }
0xc3: {  	(tm) =	ssettm $0x7FFFFFFF  }
tec
execute0_lowered:
.L_overlay_start_1:
0x0: {  	(tag) =	ssettag $0x1  }
0x1: {  	s4 =	rddreg [dreg:$0x0]  }
0x2: {  	s5 =	rddreg [dreg:$0x1]  }
0x3: {  	s2 =	rddreg [dreg:$0x2]  }
0x4: {  	s0 =	rddreg [dreg:$0x3];
	s6 =	srdreg.scid  }
0x5: {  	s1 =	stileid.u32;
	s3 =	simm.s32 $0x0;
	s12 =	simm.s32 $0x50  }
0x6: {  	s13 =	simm.s32 $0x4000;
	s14 =	simm.s32 $0x1;
	s17 =	simm.s32 $0x0  }
0x7: {  	s6 =	sand.u32 $0x1, s6;
	s7 =	smul.u32 $0x280, s1;
	[smem:$0x7FF] =	sst s3  }
0x8: {  	s8 =	sshll.u32 s1, $0x1;
	s15 =	sshll.u32 s1, $0x6;
	s9 =	smul.u32 $0x2800, s6  }
0x9: {  	_ =	strace $0x80000047;
	s8 =	sor.u32 s6, s8;
	s6 =	ssub.s32 $0x2, s6  }
0xa: {  	s15 =	sor.u32 $0x1C02, s15;
	s10 =	sshll.u32 s8, $0x6;
	s11 =	sshrl.u32 s6, $0x1  }
0xb: {  	s31 =	sshll.u32 s8, $0xB;
	s9 =	sadd.s32 s7, s9;
	s10 =	sadd.s32 s10, s5  }
0xc: {  	s11 =	ssub.s32 s6, s11;
	s4 =	sadd.s32 s4, s31;
	s6 =	sadd.s32 s7, s2  }
0xd: {  	s9 =	sshrl.u32 s9, $0x3;
	s8 =	smax.u32 s11, $0x1;
	s11 =	simm.s32 $0x4080  }
0xe: {  	s16 =	sshrl.u32 s6, $0x3;
	s9 =	sadd.s32 s9, s5;
	s5 =	sadd.s32 $0x1E00, s10  }
0xf: {  	v0 =	vimm.f32 $0.0e+00;
	v1 =	vimm.f32 $1.000000000e+00;
	s10 =	simm.s32 $0x3E80;
	s7 =	sadd.s32 $0x2600, s9;
	s9 =	simm.s32 $0x2  }
.LBB2_1:
0x10: {  	[tilespmem:$0x4080] =	vst v0  }
0x11: {  	[tilespmem:$0x4090] =	vst v0  }
0x12: {  	[tilespmem:$0x40A0] =	vst v0  }
0x13: {  	[tilespmem:$0x40B0] =	vst v0  }
0x14: {  	[tilespmem:$0x40C0] =	vst v0  }
0x15: {  	[tilespmem:$0x40D0] =	vst v0  }
0x16: {  	[tilespmem:$0x40E0] =	vst v0  }
0x17: {  	[tilespmem:$0x40F0] =	vst v0  }
0x18: {  	[tilespmem:$0x4100] =	vst v0  }
0x19: {  	[tilespmem:$0x4110] =	vst v0  }
0x1a: {  	[tilespmem:$0x4120] =	vst v0  }
0x1b: {  	[tilespmem:$0x4130] =	vst v0  }
0x1c: {  	[tilespmem:$0x4140] =	vst v0  }
0x1d: {  	[tilespmem:$0x4150] =	vst v0  }
0x1e: {  	[tilespmem:$0x4160] =	vst v0  }
0x1f: {  	[tilespmem:$0x4170] =	vst v0  }
0x20: {  	[tilespmem:$0x4180] =	vst v0  }
0x21: {  	[tilespmem:$0x4190] =	vst v0  }
0x22: {  	[tilespmem:$0x41A0] =	vst v0  }
0x23: {  	[tilespmem:$0x41B0] =	vst v0  }
0x24: {  	[tilespmem:$0x41C0] =	vst v0  }
0x25: {  	[tilespmem:$0x41D0] =	vst v0  }
0x26: {  	[tilespmem:$0x41E0] =	vst v0  }
0x27: {  	[tilespmem:$0x41F0] =	vst v0  }
0x28: {  	[tilespmem:$0x4200] =	vst v0  }
0x29: {  	[tilespmem:$0x4210] =	vst v0  }
0x2a: {  	[tilespmem:$0x4220] =	vst v0  }
0x2b: {  	[tilespmem:$0x4230] =	vst v0  }
0x2c: {  	[tilespmem:$0x4240] =	vst v0  }
0x2d: {  	[tilespmem:$0x4250] =	vst v0  }
0x2e: {  	[tilespmem:$0x4260] =	vst v0  }
0x2f: {  	[tilespmem:$0x4270] =	vst v0  }
0x30: {  	[tilespmem:$0x4280] =	vst v0  }
0x31: {  	[tilespmem:$0x4290] =	vst v0  }
0x32: {  	[tilespmem:$0x42A0] =	vst v0  }
0x33: {  	[tilespmem:$0x42B0] =	vst v0  }
0x34: {  	[tilespmem:$0x42C0] =	vst v0  }
0x35: {  	[tilespmem:$0x42D0] =	vst v0  }
0x36: {  	[tilespmem:$0x42E0] =	vst v0  }
0x37: {  	[tilespmem:$0x42F0] =	vst v0  }
0x38: {  	[tilespmem:$0x4000] =	vst v1  }
0x39: {  	[tilespmem:$0x4010] =	vst v1  }
0x3a: {  	[tilespmem:$0x4020] =	vst v1  }
0x3b: {  	[tilespmem:$0x4030] =	vst v1  }
0x3c: {  	[tilespmem:$0x4040] =	vst v1  }
0x3d: {  	[tilespmem:s3], [sflag:$0x2] =	stream.linear.gather [hbm4b:s4+s3], $0x3E80, $0x38;
	[tilespmem:$0x4580] =	vst v63  }
0x3e: {  	_ =	swait.ge [sflag:s9], $0x3E80  }
0x3f: {  	[sflag:s9] =	ssyncset.done $0x0  }
0x40: {  	[sflag:s9] =	ssyncadd.s32 $0xFFFFC180  }
0x41: {  	[tilespmem:s10], [sflag:$0x2] =	stream.linear.gather [hbm4b:s5+s3], $0x180, $0x38;
	[tilespmem:$0x4580] =	vst v63  }
0x42: {  	_ =	swait.ge [sflag:s9], $0x180  }
0x43: {  	[sflag:s9] =	ssyncset.done $0x0  }
0x44: {  	[sflag:s9] =	ssyncadd.s32 $0xFFFFFE80  }
0x45: {  	[spmem:s6] =	stream.linear.scatter [tilespmem:s11], [sflag:$0x2], $0x280, $0x38;
	[tilespmem:$0x4580] =	vst v63  }
0x46: {  	_ =	swait.ge [sflag:s9], $0x280  }
0x47: {  	[sflag:s9] =	ssyncset.done $0x0  }
0x48: {  	[sflag:s9] =	ssyncadd.s32 $0xFFFFFD80  }
0x49: {  	s18 =	simm.s32 $0x0;
	[bflag:$0x0] =	sbarrier.arrive $0xFFFF  }
.LBB2_2:
0x4a: {  	p0 =	sne.s32 s18, $0xFE00  }
.Ltmp0:
0x4b: {  	_ = 	snop;
	(pc) =	sbr.rel @p0 .LBB2_2-.Ltmp0, $3  }
0x4c: {  	_ =	sdelay $0x1  }
0x4d: {  	s19 =	sshra.s32 s18, $0x2;
	s18 =	sadd.s32 $0x200, s18  }
0x4e: {  	[spmem:s2] =	stream.indirect.scatter.add.f32 [tilespmem:s13], [sflag:$0x1], $0x1, s19, s12, $0xb8;
	[tilespmem:$0x4580] =	vst v63  }
0x4f: {  	_ =	swait.ge [sflag:s14], $0x50  }
0x50: {  	s18 =	simm.s32 $0x7F;
	[sflag:s14] =	ssyncset.done $0x0  }
.LBB2_4:
0x51: {  	p0 =	sne.s32 s18, $0x1;
	s18 =	sadd.s32 $0xFFFFFFFF, s18;
	[sflag:s14] =	ssyncadd.s32 $0xFFFFFFB0  }
.Ltmp1:
0x52: {  	(pc) =	sbr.rel @p0 .LBB2_4-.Ltmp1, $3  }
0x53: {  	_ =	sdelay $0x1  }
0x54: {  	_ =	swait.ge [sflag:s14], $0x50  }
0x55: {  	[sflag:s14] =	ssyncset.done $0x0  }
0x56: {  	s17 =	sadd.s32 $0x1, s17  }
0x57: {  	[sflag:s14] =	ssyncadd.s32 $0xFFFFFFB0;
	p0 =	sne.s32 s17, s8  }
.Ltmp2:
0x58: {  	[bflag:$0x0] =	sbarrier.arrive $0xFFFF;
	(pc) =	sbr.rel @p0 .LBB2_1-.Ltmp2, $4  }
0x59: {  	[hbm:s7], [sflag:s15] =	dma.local [spmem:s16], $0x50  }
0x5a: {  	_ =	swait.ge [sflag:s9], $0x50  }
0x5b: {  	[sflag:s9] =	ssyncset.done $0x0  }
0x5c: {  	[sflag:s9] =	ssyncadd.s32 $0xFFFFFFB0  }
0x5d: {  	_ =	sfence.sel $0x180000  }
0x5e: {  	[bflag:$0x0] =	sbarrier.arrive $0xFFFF  }
0x5f: {  	p0 =	sne.s32 s1, $0x0;
	_ =	strace $0x90000047  }
0x60: {  	s0 =	sadd.s32 @!p0 $0x100000, s0;
	[bflag:$0x2] =	sbarrier.arrive $0xFFFF  }
0x61: {  	[sflag:s0] =	ssyncadd.tile.s32 @!p0 $0x1;
	_ =	shalt  }
.Lfunc_end2:
_tile_overlayer_lowered:
.L_overlay_start_2:
0x62: {  	(tag) =	ssettag $0x2  }
0x63: {  	s0 =	rddreg [dreg:$0x0];
	s2 =	stileid.u32  }
0x64: {  	s1 =	rddreg [dreg:$0x1];
	p0 =	sne.s32 s2, $0x0  }
0x65: {  	s3 =	rddreg [dreg:$0x2];
	[bflag:$0x3] =	sbarrier.arrive $0xFFFF;
	s2 =	simm.s32 @!p0 $0x1C02  }
0x66: {  	[timem:s3], [sflag:s2] =	dma.local @!p0 [hbm:s0], s1  }
0x67: {  	s0 =	simm.s32 @!p0 $0x2  }
0x68: {  	_ =	swait.ge @!p0 [sflag:s0], s1  }
0x69: {  	s1 =	ssub.s32 @!p0 $0x0, s1;
	[sflag:s0] =	ssyncset.done @!p0 $0x0  }
0x6a: {  	[sflag:s0] =	ssyncadd.s32 @!p0 s1  }
0x6b: {  	[bflag:$0x3] =	sbarrier.arrive $0xFFFF  }
0x6c: {  	_ =	shalt  }

</sc_bundles>
